<compile_context>
chip_gen: v7x
topology: tpu7x:2x2x1
jax: 0.10.2.dev20260603
libtpu: 0.0.44.dev20260713+nightly
codegen_flags: <defaults>
</compile_context>

<pallas_src>
import functools

import jax
import jax.numpy as jnp
from jax import lax
from jax.experimental import pallas as pl
from jax.experimental.pallas import tpu as pltpu
from jax.experimental.pallas import tpu_sc as plsc

HID = 64
TBL_W = 80
ST_W = 8


def _silu(x):
    return x / (1.0 + jnp.exp(-x))


def _dot(a, b):
    return lax.dot_general(
        a.astype(jnp.bfloat16), b.astype(jnp.bfloat16),
        ((( a.ndim - 1,), (0,)), ((), ())),
        preferred_element_type=jnp.float32)


def _emb_body(pf, kemb, mask, ew, eb, tbl_o, st_o):
    pfv = pf[...]
    p = pfv[:, 0:2]
    v = pfv[:, 2:4]
    a = pfv[:, 4:6]
    nv = jnp.sqrt(jnp.sum(v * v, axis=1, keepdims=True) + 1e-12)
    na = jnp.sqrt(jnp.sum(a * a, axis=1, keepdims=True) + 1e-12)
    hin = jnp.concatenate([nv, na, kemb[...]], axis=1)
    h0 = _dot(hin, ew[...]) + eb[...]
    nn_eps = jnp.sum(mask[...], axis=1, keepdims=True) + 1e-06
    n = pfv.shape[0]
    z = jnp.zeros((n, TBL_W - HID - 3), jnp.float32)
    zh = jnp.zeros((n, HID), jnp.float32)
    top = jnp.concatenate([h0, p, nn_eps, z], axis=1)
    bot = jnp.concatenate([zh, p, nn_eps, z], axis=1)
    tbl_o[...] = jnp.concatenate([top[None], bot[None]], axis=0)
    z2 = jnp.zeros((n, 2), jnp.float32)
    st_o[...] = jnp.concatenate([p, v, a, z2], axis=1)


def _layer_body(bn, k, tbl, st, g,
                w1h, w1n, w1d, b1, w2, b2,
                wx1, bx1, wx2r, bx2,
                wa1, ba1, wa2r, ba2,
                wh1a, wh1b, bh1, wh2, bh2,
                tbl_o, st_o):
    tblv = tbl[...][0]
    h = tblv[:, 0:HID]
    pos = tblv[:, HID:HID + 2]
    nn_eps = tblv[:, HID + 2:HID + 3]
    stv = st[...]
    vel = stv[:, 2:4]
    acce0 = stv[:, 4:6]

    g3 = g[...].reshape(bn, k, TBL_W)
    hn3 = g3[:, :, 0:HID]
    rel3 = g3[:, :, HID:HID + 2] - pos[:, None, :]
    rx = rel3[:, :, 0:1]
    ry = rel3[:, :, 1:2]
    d3 = jnp.sqrt(rx * rx + ry * ry + 1e-12)

    hn2 = hn3.reshape(bn * k, HID)
    d2 = d3.reshape(bn * k, 1)

    e1self = _dot(h, w1h[...]) + b1[...]
    e1self2 = jnp.broadcast_to(e1self[:, None, :], (bn, k, HID)).reshape(bn * k, HID)

    hd = jnp.concatenate([hn2, d2], axis=1)
    w1nd = jnp.concatenate([w1n[...], w1d[...]], axis=0)
    pre1 = e1self2 + _dot(hd, w1nd)
    t1 = _silu(pre1)
    m2 = _silu(_dot(t1, w2[...]) + b2[...])

    x1 = _silu(_dot(m2, wx1[...]) + bx1[...])
    fx = _dot(x1, wx2r[...]) + bx2[...]
    fx3 = fx.reshape(bn, k, 1)

    agg = jnp.sum(rel3 * fx3, axis=1) / nn_eps

    fah = _silu(_dot(h, wa1[...]) + ba1[...])
    fa = _dot(fah, wa2r[...]) + ba2[...]

    a_new = fa * acce0 + agg
    v_new = vel + a_new
    x_new = pos + v_new

    m_i = jnp.sum(m2.reshape(bn, k, HID), axis=1)
    hh = _silu(_dot(h, wh1a[...]) + _dot(m_i, wh1b[...]) + bh1[...])
    h_new = h + _dot(hh, wh2[...]) + bh2[...]

    z = jnp.zeros((bn, TBL_W - HID - 3), jnp.float32)
    zh = jnp.zeros((bn, HID), jnp.float32)
    top = jnp.concatenate([h_new, x_new, nn_eps, z], axis=1)
    bot = jnp.concatenate([zh, x_new, nn_eps, z], axis=1)
    tbl_o[...] = jnp.concatenate([top[None], bot[None]], axis=0)
    st_o[...] = jnp.concatenate([x_new, v_new, acce0, a_new], axis=1)


@functools.lru_cache(maxsize=None)
def _make_sc_gather(n_edges, n_rows):
    info = plsc.get_sparse_core_info()
    nw = info.num_cores * info.num_subcores
    epw = n_edges // nw
    ch = 128
    nbuf = 4
    ngrp = epw // (nbuf * ch)
    mesh = plsc.VectorSubcoreMesh(core_axis_name="c", subcore_axis_name="s")

    @functools.partial(
        pl.kernel, mesh=mesh,
        compiler_params=pltpu.CompilerParams(use_tc_tiling_on_sc=False),
        out_type=jax.ShapeDtypeStruct((n_edges, TBL_W), jnp.float32),
        scratch_types=[
            pltpu.VMEM((epw,), jnp.int32),
            pltpu.VMEM((nbuf, ch, TBL_W), jnp.float32),
        ] + [pltpu.SemaphoreType.DMA] * (2 * nbuf),
    )
    def gather(tbl_hbm, idx_hbm, out_hbm, idx_v, rows_v, *sems):
        gs = sems[:nbuf]
        ss = sems[nbuf:]
        wid = lax.axis_index("s") * info.num_cores + lax.axis_index("c")
        base = wid * epw
        pltpu.sync_copy(idx_hbm.at[pl.ds(base, epw)], idx_v)

        def body(g, carry):
            off = g * nbuf * ch
            hs = []
            for b in range(nbuf):
                hs.append(pltpu.async_copy(
                    tbl_hbm.at[idx_v.at[pl.ds(off + b * ch, ch)]],
                    rows_v.at[b], gs[b]))
            sts = []
            for b in range(nbuf):
                hs[b].wait()
                sts.append(pltpu.async_copy(
                    rows_v.at[b], out_hbm.at[pl.ds(base + off + b * ch, ch)],
                    ss[b]))
            for b in range(nbuf):
                sts[b].wait()
            return carry

        lax.fori_loop(0, ngrp, body, 0)

    return gather


def _sc_gather(tbl2, idx_flat):
    flat = tbl2.reshape(tbl2.shape[0] * tbl2.shape[1], TBL_W)
    return _make_sc_gather(idx_flat.shape[0], flat.shape[0])(flat, idx_flat)


def kernel(ped_features, neigh_mask, k_emb, neigh_index, params):
    bs, N, k = neigh_index.shape
    nn_tot = bs * N
    ne = nn_tot * k
    bn = 256
    nb = nn_tot // bn

    pf2 = ped_features.reshape(nn_tot, 6)
    kemb2 = k_emb.reshape(nn_tot, 3)
    mask2 = neigh_mask.reshape(nn_tot, k)
    gid = (neigh_index.astype(jnp.int32)
           + (jnp.arange(bs, dtype=jnp.int32) * N)[:, None, None])
    self_gid = jnp.arange(nn_tot, dtype=jnp.int32).reshape(bs, N, 1) + nn_tot
    idx_flat = jnp.where(neigh_mask != 0.0, gid, self_gid).reshape(ne)

    tbl, st = pl.pallas_call(
        _emb_body,
        out_shape=[jax.ShapeDtypeStruct((2, nn_tot, TBL_W), jnp.float32),
                   jax.ShapeDtypeStruct((nn_tot, ST_W), jnp.float32)],
    )(pf2, kemb2, mask2, params['emb']['w'], params['emb']['b'].reshape(1, HID))

    full = lambda a: pl.BlockSpec(a.shape, lambda i: (0,) * a.ndim)

    for lp in params['layers']:
        w1 = lp['f_e1']['w']
        wh1 = lp['f_h1']['w']
        weights = [
            w1[0:HID], w1[HID:2 * HID], w1[2 * HID:2 * HID + 1],
            lp['f_e1']['b'].reshape(1, HID),
            lp['f_e2']['w'], lp['f_e2']['b'].reshape(1, HID),
            lp['f_x1']['w'], lp['f_x1']['b'].reshape(1, HID),
            lp['f_x2']['w'], lp['f_x2']['b'].reshape(1, 1),
            lp['f_a1']['w'], lp['f_a1']['b'].reshape(1, HID),
            lp['f_a2']['w'], lp['f_a2']['b'].reshape(1, 1),
            wh1[0:HID], wh1[HID:2 * HID], lp['f_h1']['b'].reshape(1, HID),
            lp['f_h2']['w'], lp['f_h2']['b'].reshape(1, HID),
        ]
        g = _sc_gather(tbl, idx_flat)
        tbl, st = pl.pallas_call(
            functools.partial(_layer_body, bn, k),
            grid=(nb,),
            in_specs=[
                pl.BlockSpec((1, bn, TBL_W), lambda i: (0, i, 0)),
                pl.BlockSpec((bn, ST_W), lambda i: (i, 0)),
                pl.BlockSpec((bn * k, TBL_W), lambda i: (i, 0)),
            ] + [full(w) for w in weights],
            out_specs=[
                pl.BlockSpec((2, bn, TBL_W), lambda i: (0, i, 0)),
                pl.BlockSpec((bn, ST_W), lambda i: (i, 0)),
            ],
            out_shape=[jax.ShapeDtypeStruct((2, nn_tot, TBL_W), jnp.float32),
                       jax.ShapeDtypeStruct((nn_tot, ST_W), jnp.float32)],
        )(tbl, st, g, *weights)

    return st[:, 6:8].reshape(bs, N, 2)

# --- scband reference (transcript-rebuilt; emitter-appended) ---
"""Pipeline reference for scband-net-egnn-acce2-44822278701383 (READ-ONLY COPY).

The authoritative reference and input builder live on the scoring server;
editing this copy changes nothing except your own understanding.
"""

import jax, jax.numpy as jnp
import numpy as np

HID = 64
N_LAYERS = 3

def _lin(key, din, dout):
    w = jax.random.normal(key, (din, dout), jnp.float32) / np.sqrt(din)
    b = jnp.zeros((dout,), jnp.float32)
    return {'w': w, 'b': b}

def _apply(p, x):
    return x @ p['w'] + p['b']

def _silu(x):
    return x * jax.nn.sigmoid(x)

def _norm(x):
    return jnp.sqrt(jnp.sum(x * x, axis=-1) + 1e-12)

def _make_params(key):
    ks = jax.random.split(key, 1 + 8 * N_LAYERS)
    params = {'emb': _lin(ks[0], 5, HID), 'layers': []}
    i = 1
    for _ in range(N_LAYERS):
        lp = {
            'f_e1': _lin(ks[i + 0], 2 * HID + 1, HID),
            'f_e2': _lin(ks[i + 1], HID, HID),
            'f_x1': _lin(ks[i + 2], HID, HID),
            'f_x2': _lin(ks[i + 3], HID, 1),
            'f_a1': _lin(ks[i + 4], HID, HID),
            'f_a2': _lin(ks[i + 5], HID, 1),
            'f_h1': _lin(ks[i + 6], 2 * HID, HID),
            'f_h2': _lin(ks[i + 7], HID, HID),
        }
        params['layers'].append(lp)
        i += 8
    return params

def setup_inputs(seed: int = 0):
    key = jax.random.key(seed)
    k1, k2, k3, k4 = jax.random.split(key, 4)
    bs, N, k = 4, 1024, 32
    ped_features = jax.random.normal(k1, (bs, N, 6), jnp.float32)
    neigh_mask = jnp.ones((bs, N, k), jnp.float32)
    neigh_index = jax.random.randint(k2, (bs, N, k), 0, N, jnp.int32)
    k_emb = jax.random.normal(k3, (bs, N, 3), jnp.float32)
    params = _make_params(k4)
    return {'ped_features': ped_features, 'neigh_mask': neigh_mask, 'k_emb': k_emb, 'neigh_index': neigh_index, 'params': params}

def _forward(ped_features, neigh_mask, k_emb, neigh_index, params):
    mask = neigh_mask.astype(bool)
    h_initial = jnp.concatenate([
        _norm(ped_features[..., 2:4])[..., None],
        _norm(ped_features[..., 4:6])[..., None],
        k_emb], axis=-1)
    h_st = _apply(params['emb'], h_initial)
    acce = ped_features[..., 4:6]
    ped = ped_features
    for lp in params['layers']:
        # h_neigh = gather of current node states at neighbor indices
        h_neigh = jax.vmap(lambda h, idx: h[idx])(h_st, neigh_index)
        # get_relative_quantity: pairwise neighbor-minus-self features (bs, N, N, 6)
        rel = ped[:, None, :, :] - ped[:, :, None, :]
        rel_n = jnp.take_along_axis(rel, neigh_index[..., None], axis=2)
        h_neigh = jnp.where(mask[..., None], h_neigh, 0.0)
        rel_n = jnp.where(mask[..., None], rel_n, 0.0)
        ped_in = jnp.concatenate([ped[..., :4], acce], axis=-1)
        # ConvEGNN2
        dists = _norm(rel_n[..., :2])
        neigh_num = neigh_mask.sum(axis=-1)
        h_rep = jnp.broadcast_to(h_st[:, :, None, :], h_neigh.shape)
        tmp = jnp.concatenate([h_rep, h_neigh, dists[..., None]], axis=-1)
        m_ij = _silu(_apply(lp['f_e2'], _silu(_apply(lp['f_e1'], tmp))))
        fx = _apply(lp['f_x2'], _silu(_apply(lp['f_x1'], m_ij)))
        agg = rel_n[..., :2] * fx
        agg = jnp.where(mask[..., None], agg, 0.0)
        agg = agg.sum(axis=-2) / (neigh_num[..., None] + 1e-06)
        fa = _apply(lp['f_a2'], _silu(_apply(lp['f_a1'], h_st)))
        a_new = fa * ped_in[..., 4:6] + agg
        v_new = ped_in[..., 2:4] + a_new
        x_new = ped_in[..., :2] + v_new
        m_i = m_ij.sum(axis=-2)
        h_st = h_st + _apply(lp['f_h2'], _silu(_apply(lp['f_h1'], jnp.concatenate([h_st, m_i], axis=-1))))
        ped = jnp.concatenate([x_new, v_new, a_new], axis=-1)
    return ped[..., 4:6]

def reference(ped_features, neigh_mask, k_emb, neigh_index, params):
    return _forward(ped_features, neigh_mask, k_emb, neigh_index, params)

if __name__ == "__main__":
    import jax
    _d = setup_inputs()
    print(jax.jit(kernel)(*tuple(_d.values())))

</pallas_src>

<mosaic_0001>
#map = affine_map<(d0, d1) -> (0, 0)>
#map1 = affine_map<(d0, d1) -> (0)>
module attributes {stable_mosaic.version = 14 : i64} {
  func.func @gather(%arg0: i32, %arg1: i32, %arg2: memref<8192x80xf32, #tpu.memory_space<hbm>>, %arg3: memref<131072xi32, #tpu.memory_space<hbm>>, %arg4: memref<131072x80xf32, #tpu.memory_space<hbm>>, %arg5: memref<4096xi32, #tpu.memory_space<vmem>>, %arg6: memref<4x128x80xf32, #tpu.memory_space<vmem>>, %arg7: memref<!tpu.dma_semaphore, #tpu.memory_space<semaphore_mem>>, %arg8: memref<!tpu.dma_semaphore, #tpu.memory_space<semaphore_mem>>, %arg9: memref<!tpu.dma_semaphore, #tpu.memory_space<semaphore_mem>>, %arg10: memref<!tpu.dma_semaphore, #tpu.memory_space<semaphore_mem>>, %arg11: memref<!tpu.dma_semaphore, #tpu.memory_space<semaphore_mem>>, %arg12: memref<!tpu.dma_semaphore, #tpu.memory_space<semaphore_mem>>, %arg13: memref<!tpu.dma_semaphore, #tpu.memory_space<semaphore_mem>>, %arg14: memref<!tpu.dma_semaphore, #tpu.memory_space<semaphore_mem>>) attributes {dimension_semantics = [#tpu.dimension_semantics<core_parallel>, #tpu.dimension_semantics<subcore_parallel>], iteration_bounds = array<i64: 2, 16>, scalar_prefetch = 0 : i64, scratch_operands = 10 : i64, tpu.core_type = #tpu.core_type<sc_vector_subcore>, window_params = [{transform_indices = #map}, {transform_indices = #map1}, {transform_indices = #map}]} {
    %mul3A = arith.constant 2 : i32
    %mul3A_0 = arith.muli %arg1, %mul3A : i32
    %add3A = arith.addi %mul3A_0, %arg0 : i32
    %mul3A_1 = arith.constant 4096 : i32
    %mul3A_2 = arith.muli %add3A, %mul3A_1 : i32
    "tpu.region"() ({
      %run_scoped3A = tpu.sem_alloc : memref<!tpu.dma_semaphore, #tpu.memory_space<semaphore_mem>>
      %dma_start3A = tpu.memref_slice %arg3[%mul3A_2] : memref<131072xi32, #tpu.memory_space<hbm>> -> memref<4096xi32, #tpu.memory_space<hbm>>
      %dma_start3A_8 = tpu.memref_slice %arg3[%mul3A_2] : memref<131072xi32, #tpu.memory_space<hbm>> -> memref<4096xi32, #tpu.memory_space<hbm>>
      tpu.enqueue_dma source(%dma_start3A_8 : memref<4096xi32, #tpu.memory_space<hbm>>) target(%arg5 : memref<4096xi32, #tpu.memory_space<vmem>>) target_semaphore(%run_scoped3A : memref<!tpu.dma_semaphore, #tpu.memory_space<semaphore_mem>>)
      %dma_wait3A = tpu.memref_slice %arg3[%mul3A_2] : memref<131072xi32, #tpu.memory_space<hbm>> -> memref<4096xi32, #tpu.memory_space<hbm>>
      %dma_wait3A_9 = tpu.memref_slice %arg3[%mul3A_2] : memref<131072xi32, #tpu.memory_space<hbm>> -> memref<4096xi32, #tpu.memory_space<hbm>>
      tpu.wait_dma2 semaphore(%run_scoped3A : memref<!tpu.dma_semaphore, #tpu.memory_space<semaphore_mem>>) src(%dma_wait3A_9 : memref<4096xi32, #tpu.memory_space<hbm>>) dst(%arg5 : memref<4096xi32, #tpu.memory_space<vmem>>)
      tpu.yield
    }) : () -> ()
    %scan3A = arith.constant 0 : i32
    %scan3A_3 = arith.constant 0 : i32
    %scan3A_4 = arith.constant 8 : i32
    %scan3A_5 = arith.addi %scan3A_3, %scan3A_4 : i32
    %scan3A_6 = arith.constant 1 : i32
    scf.for %scan3A_8 = %scan3A_3 to %scan3A_5 step %scan3A_6  : i32 {
      %mul3A_9 = arith.constant 4 : i32
      %mul3A_10 = arith.muli %scan3A_8, %mul3A_9 : i32
      %mul3A_11 = arith.constant 128 : i32
      %mul3A_12 = arith.muli %mul3A_10, %mul3A_11 : i32
      %add3A_13 = arith.constant 0 : i32
      %add3A_14 = arith.addi %mul3A_12, %add3A_13 : i32
      %dma_start3A = arith.constant 0 : i32
      %dma_start3A_15 = arith.constant 0 : i32
      %dma_start3A_16 = arith.constant 0 : i32
      %dma_start3A_17 = tpu.memref_slice %arg6[%dma_start3A, %dma_start3A_15, %dma_start3A_16] : memref<4x128x80xf32, #tpu.memory_space<vmem>> -> memref<1x128x80xf32, #tpu.memory_space<vmem>>
      %dma_start3A_18 = tpu.memref_squeeze %dma_start3A_17 : memref<1x128x80xf32, #tpu.memory_space<vmem>> -> memref<128x80xf32, #tpu.memory_space<vmem>>
      %dma_start3A_19 = tpu.memref_slice %arg5[%add3A_14] : memref<4096xi32, #tpu.memory_space<vmem>> -> memref<128xi32, #tpu.memory_space<vmem>>
      %dma_start3A_20 = arith.constant 0 : i32
      %dma_start3A_21 = arith.constant 0 : i32
      %dma_start3A_22 = tpu.memref_slice %arg2[%dma_start3A_20, %dma_start3A_21] : memref<8192x80xf32, #tpu.memory_space<hbm>> -> memref<8192x80xf32, #tpu.memory_space<hbm>>
      tpu.enqueue_indirect_dma source(%dma_start3A_22 : memref<8192x80xf32, #tpu.memory_space<hbm>>) target(%dma_start3A_18 : memref<128x80xf32, #tpu.memory_space<vmem>>) offsets(%dma_start3A_19 : memref<128xi32, #tpu.memory_space<vmem>>) semaphore(%arg7 : memref<!tpu.dma_semaphore, #tpu.memory_space<semaphore_mem>>)
      %add3A_23 = arith.constant 128 : i32
      %add3A_24 = arith.addi %mul3A_12, %add3A_23 : i32
      %dma_start3A_25 = arith.constant 1 : i32
      %dma_start3A_26 = arith.constant 0 : i32
      %dma_start3A_27 = arith.constant 0 : i32
      %dma_start3A_28 = tpu.memref_slice %arg6[%dma_start3A_25, %dma_start3A_26, %dma_start3A_27] : memref<4x128x80xf32, #tpu.memory_space<vmem>> -> memref<1x128x80xf32, #tpu.memory_space<vmem>>
      %dma_start3A_29 = tpu.memref_squeeze %dma_start3A_28 : memref<1x128x80xf32, #tpu.memory_space<vmem>> -> memref<128x80xf32, #tpu.memory_space<vmem>>
      %dma_start3A_30 = tpu.memref_slice %arg5[%add3A_24] : memref<4096xi32, #tpu.memory_space<vmem>> -> memref<128xi32, #tpu.memory_space<vmem>>
      %dma_start3A_31 = arith.constant 0 : i32
      %dma_start3A_32 = arith.constant 0 : i32
      %dma_start3A_33 = tpu.memref_slice %arg2[%dma_start3A_31, %dma_start3A_32] : memref<8192x80xf32, #tpu.memory_space<hbm>> -> memref<8192x80xf32, #tpu.memory_space<hbm>>
      tpu.enqueue_indirect_dma source(%dma_start3A_33 : memref<8192x80xf32, #tpu.memory_space<hbm>>) target(%dma_start3A_29 : memref<128x80xf32, #tpu.memory_space<vmem>>) offsets(%dma_start3A_30 : memref<128xi32, #tpu.memory_space<vmem>>) semaphore(%arg8 : memref<!tpu.dma_semaphore, #tpu.memory_space<semaphore_mem>>)
      %add3A_34 = arith.constant 256 : i32
      %add3A_35 = arith.addi %mul3A_12, %add3A_34 : i32
      %dma_start3A_36 = arith.constant 2 : i32
      %dma_start3A_37 = arith.constant 0 : i32
      %dma_start3A_38 = arith.constant 0 : i32
      %dma_start3A_39 = tpu.memref_slice %arg6[%dma_start3A_36, %dma_start3A_37, %dma_start3A_38] : memref<4x128x80xf32, #tpu.memory_space<vmem>> -> memref<1x128x80xf32, #tpu.memory_space<vmem>>
      %dma_start3A_40 = tpu.memref_squeeze %dma_start3A_39 : memref<1x128x80xf32, #tpu.memory_space<vmem>> -> memref<128x80xf32, #tpu.memory_space<vmem>>
      %dma_start3A_41 = tpu.memref_slice %arg5[%add3A_35] : memref<4096xi32, #tpu.memory_space<vmem>> -> memref<128xi32, #tpu.memory_space<vmem>>
      %dma_start3A_42 = arith.constant 0 : i32
      %dma_start3A_43 = arith.constant 0 : i32
      %dma_start3A_44 = tpu.memref_slice %arg2[%dma_start3A_42, %dma_start3A_43] : memref<8192x80xf32, #tpu.memory_space<hbm>> -> memref<8192x80xf32, #tpu.memory_space<hbm>>
      tpu.enqueue_indirect_dma source(%dma_start3A_44 : memref<8192x80xf32, #tpu.memory_space<hbm>>) target(%dma_start3A_40 : memref<128x80xf32, #tpu.memory_space<vmem>>) offsets(%dma_start3A_41 : memref<128xi32, #tpu.memory_space<vmem>>) semaphore(%arg9 : memref<!tpu.dma_semaphore, #tpu.memory_space<semaphore_mem>>)
      %add3A_45 = arith.constant 384 : i32
      %add3A_46 = arith.addi %mul3A_12, %add3A_45 : i32
      %dma_start3A_47 = arith.constant 3 : i32
      %dma_start3A_48 = arith.constant 0 : i32
      %dma_start3A_49 = arith.constant 0 : i32
      %dma_start3A_50 = tpu.memref_slice %arg6[%dma_start3A_47, %dma_start3A_48, %dma_start3A_49] : memref<4x128x80xf32, #tpu.memory_space<vmem>> -> memref<1x128x80xf32, #tpu.memory_space<vmem>>
      %dma_start3A_51 = tpu.memref_squeeze %dma_start3A_50 : memref<1x128x80xf32, #tpu.memory_space<vmem>> -> memref<128x80xf32, #tpu.memory_space<vmem>>
      %dma_start3A_52 = tpu.memref_slice %arg5[%add3A_46] : memref<4096xi32, #tpu.memory_space<vmem>> -> memref<128xi32, #tpu.memory_space<vmem>>
      %dma_start3A_53 = arith.constant 0 : i32
      %dma_start3A_54 = arith.constant 0 : i32
      %dma_start3A_55 = tpu.memref_slice %arg2[%dma_start3A_53, %dma_start3A_54] : memref<8192x80xf32, #tpu.memory_space<hbm>> -> memref<8192x80xf32, #tpu.memory_space<hbm>>
      tpu.enqueue_indirect_dma source(%dma_start3A_55 : memref<8192x80xf32, #tpu.memory_space<hbm>>) target(%dma_start3A_51 : memref<128x80xf32, #tpu.memory_space<vmem>>) offsets(%dma_start3A_52 : memref<128xi32, #tpu.memory_space<vmem>>) semaphore(%arg10 : memref<!tpu.dma_semaphore, #tpu.memory_space<semaphore_mem>>)
      %dma_wait3A = arith.constant 0 : i32
      %dma_wait3A_56 = arith.constant 0 : i32
      %dma_wait3A_57 = arith.constant 0 : i32
      %dma_wait3A_58 = tpu.memref_slice %arg6[%dma_wait3A, %dma_wait3A_56, %dma_wait3A_57] : memref<4x128x80xf32, #tpu.memory_space<vmem>> -> memref<1x128x80xf32, #tpu.memory_space<vmem>>
      %dma_wait3A_59 = tpu.memref_squeeze %dma_wait3A_58 : memref<1x128x80xf32, #tpu.memory_space<vmem>> -> memref<128x80xf32, #tpu.memory_space<vmem>>
      %dma_wait3A_60 = tpu.memref_slice %arg5[%add3A_14] : memref<4096xi32, #tpu.memory_space<vmem>> -> memref<128xi32, #tpu.memory_space<vmem>>
      %dma_wait3A_61 = arith.constant 0 : i32
      %dma_wait3A_62 = arith.constant 0 : i32
      %dma_wait3A_63 = tpu.memref_slice %arg2[%dma_wait3A_61, %dma_wait3A_62] : memref<8192x80xf32, #tpu.memory_space<hbm>> -> memref<8192x80xf32, #tpu.memory_space<hbm>>
      tpu.wait_indirect_dma semaphore(%arg7 : memref<!tpu.dma_semaphore, #tpu.memory_space<semaphore_mem>>) src(%dma_wait3A_63 : memref<8192x80xf32, #tpu.memory_space<hbm>>) dst(%dma_wait3A_59 : memref<128x80xf32, #tpu.memory_space<vmem>>)
      %add3A_64 = arith.addi %mul3A_2, %mul3A_12 : i32
      %add3A_65 = arith.constant 0 : i32
      %add3A_66 = arith.addi %add3A_64, %add3A_65 : i32
      %dma_start3A_67 = arith.constant 0 : i32
      %dma_start3A_68 = arith.constant 0 : i32
      %dma_start3A_69 = arith.constant 0 : i32
      %dma_start3A_70 = tpu.memref_slice %arg6[%dma_start3A_67, %dma_start3A_68, %dma_start3A_69] : memref<4x128x80xf32, #tpu.memory_space<vmem>> -> memref<1x128x80xf32, #tpu.memory_space<vmem>>
      %dma_start3A_71 = tpu.memref_squeeze %dma_start3A_70 : memref<1x128x80xf32, #tpu.memory_space<vmem>> -> memref<128x80xf32, #tpu.memory_space<vmem>>
      %dma_start3A_72 = arith.constant 0 : i32
      %dma_start3A_73 = tpu.memref_slice %arg4[%add3A_66, %dma_start3A_72] : memref<131072x80xf32, #tpu.memory_space<hbm>> -> memref<128x80xf32, #tpu.memory_space<hbm>>
      %dma_start3A_74 = arith.constant 0 : i32
      %dma_start3A_75 = tpu.memref_slice %arg4[%add3A_66, %dma_start3A_74] : memref<131072x80xf32, #tpu.memory_space<hbm>> -> memref<128x80xf32, #tpu.memory_space<hbm>>
      %dma_start3A_76 = arith.constant 0 : i32
      %dma_start3A_77 = arith.constant 0 : i32
      %dma_start3A_78 = tpu.memref_slice %arg6[%dma_start3A_67, %dma_start3A_76, %dma_start3A_77] : memref<4x128x80xf32, #tpu.memory_space<vmem>> -> memref<1x128x80xf32, #tpu.memory_space<vmem>>
      %dma_start3A_79 = tpu.memref_squeeze %dma_start3A_78 : memref<1x128x80xf32, #tpu.memory_space<vmem>> -> memref<128x80xf32, #tpu.memory_space<vmem>>
      tpu.enqueue_dma source(%dma_start3A_79 : memref<128x80xf32, #tpu.memory_space<vmem>>) target(%dma_start3A_75 : memref<128x80xf32, #tpu.memory_space<hbm>>) target_semaphore(%arg11 : memref<!tpu.dma_semaphore, #tpu.memory_space<semaphore_mem>>)
      %dma_wait3A_80 = arith.constant 1 : i32
      %dma_wait3A_81 = arith.constant 0 : i32
      %dma_wait3A_82 = arith.constant 0 : i32
      %dma_wait3A_83 = tpu.memref_slice %arg6[%dma_wait3A_80, %dma_wait3A_81, %dma_wait3A_82] : memref<4x128x80xf32, #tpu.memory_space<vmem>> -> memref<1x128x80xf32, #tpu.memory_space<vmem>>
      %dma_wait3A_84 = tpu.memref_squeeze %dma_wait3A_83 : memref<1x128x80xf32, #tpu.memory_space<vmem>> -> memref<128x80xf32, #tpu.memory_space<vmem>>
      %dma_wait3A_85 = tpu.memref_slice %arg5[%add3A_24] : memref<4096xi32, #tpu.memory_space<vmem>> -> memref<128xi32, #tpu.memory_space<vmem>>
      %dma_wait3A_86 = arith.constant 0 : i32
      %dma_wait3A_87 = arith.constant 0 : i32
      %dma_wait3A_88 = tpu.memref_slice %arg2[%dma_wait3A_86, %dma_wait3A_87] : memref<8192x80xf32, #tpu.memory_space<hbm>> -> memref<8192x80xf32, #tpu.memory_space<hbm>>
      tpu.wait_indirect_dma semaphore(%arg8 : memref<!tpu.dma_semaphore, #tpu.memory_space<semaphore_mem>>) src(%dma_wait3A_88 : memref<8192x80xf32, #tpu.memory_space<hbm>>) dst(%dma_wait3A_84 : memref<128x80xf32, #tpu.memory_space<vmem>>)
      %add3A_89 = arith.addi %mul3A_2, %mul3A_12 : i32
      %add3A_90 = arith.constant 128 : i32
      %add3A_91 = arith.addi %add3A_89, %add3A_90 : i32
      %dma_start3A_92 = arith.constant 1 : i32
      %dma_start3A_93 = arith.constant 0 : i32
      %dma_start3A_94 = arith.constant 0 : i32
      %dma_start3A_95 = tpu.memref_slice %arg6[%dma_start3A_92, %dma_start3A_93, %dma_start3A_94] : memref<4x128x80xf32, #tpu.memory_space<vmem>> -> memref<1x128x80xf32, #tpu.memory_space<vmem>>
      %dma_start3A_96 = tpu.memref_squeeze %dma_start3A_95 : memref<1x128x80xf32, #tpu.memory_space<vmem>> -> memref<128x80xf32, #tpu.memory_space<vmem>>
      %dma_start3A_97 = arith.constant 0 : i32
      %dma_start3A_98 = tpu.memref_slice %arg4[%add3A_91, %dma_start3A_97] : memref<131072x80xf32, #tpu.memory_space<hbm>> -> memref<128x80xf32, #tpu.memory_space<hbm>>
      %dma_start3A_99 = arith.constant 0 : i32
      %dma_start3A_100 = tpu.memref_slice %arg4[%add3A_91, %dma_start3A_99] : memref<131072x80xf32, #tpu.memory_space<hbm>> -> memref<128x80xf32, #tpu.memory_space<hbm>>
      %dma_start3A_101 = arith.constant 0 : i32
      %dma_start3A_102 = arith.constant 0 : i32
      %dma_start3A_103 = tpu.memref_slice %arg6[%dma_start3A_92, %dma_start3A_101, %dma_start3A_102] : memref<4x128x80xf32, #tpu.memory_space<vmem>> -> memref<1x128x80xf32, #tpu.memory_space<vmem>>
      %dma_start3A_104 = tpu.memref_squeeze %dma_start3A_103 : memref<1x128x80xf32, #tpu.memory_space<vmem>> -> memref<128x80xf32, #tpu.memory_space<vmem>>
      tpu.enqueue_dma source(%dma_start3A_104 : memref<128x80xf32, #tpu.memory_space<vmem>>) target(%dma_start3A_100 : memref<128x80xf32, #tpu.memory_space<hbm>>) target_semaphore(%arg12 : memref<!tpu.dma_semaphore, #tpu.memory_space<semaphore_mem>>)
      %dma_wait3A_105 = arith.constant 2 : i32
      %dma_wait3A_106 = arith.constant 0 : i32
      %dma_wait3A_107 = arith.constant 0 : i32
      %dma_wait3A_108 = tpu.memref_slice %arg6[%dma_wait3A_105, %dma_wait3A_106, %dma_wait3A_107] : memref<4x128x80xf32, #tpu.memory_space<vmem>> -> memref<1x128x80xf32, #tpu.memory_space<vmem>>
      %dma_wait3A_109 = tpu.memref_squeeze %dma_wait3A_108 : memref<1x128x80xf32, #tpu.memory_space<vmem>> -> memref<128x80xf32, #tpu.memory_space<vmem>>
      %dma_wait3A_110 = tpu.memref_slice %arg5[%add3A_35] : memref<4096xi32, #tpu.memory_space<vmem>> -> memref<128xi32, #tpu.memory_space<vmem>>
      %dma_wait3A_111 = arith.constant 0 : i32
      %dma_wait3A_112 = arith.constant 0 : i32
      %dma_wait3A_113 = tpu.memref_slice %arg2[%dma_wait3A_111, %dma_wait3A_112] : memref<8192x80xf32, #tpu.memory_space<hbm>> -> memref<8192x80xf32, #tpu.memory_space<hbm>>
      tpu.wait_indirect_dma semaphore(%arg9 : memref<!tpu.dma_semaphore, #tpu.memory_space<semaphore_mem>>) src(%dma_wait3A_113 : memref<8192x80xf32, #tpu.memory_space<hbm>>) dst(%dma_wait3A_109 : memref<128x80xf32, #tpu.memory_space<vmem>>)
      %add3A_114 = arith.addi %mul3A_2, %mul3A_12 : i32
      %add3A_115 = arith.constant 256 : i32
      %add3A_116 = arith.addi %add3A_114, %add3A_115 : i32
      %dma_start3A_117 = arith.constant 2 : i32
      %dma_start3A_118 = arith.constant 0 : i32
      %dma_start3A_119 = arith.constant 0 : i32
      %dma_start3A_120 = tpu.memref_slice %arg6[%dma_start3A_117, %dma_start3A_118, %dma_start3A_119] : memref<4x128x80xf32, #tpu.memory_space<vmem>> -> memref<1x128x80xf32, #tpu.memory_space<vmem>>
      %dma_start3A_121 = tpu.memref_squeeze %dma_start3A_120 : memref<1x128x80xf32, #tpu.memory_space<vmem>> -> memref<128x80xf32, #tpu.memory_space<vmem>>
      %dma_start3A_122 = arith.constant 0 : i32
      %dma_start3A_123 = tpu.memref_slice %arg4[%add3A_116, %dma_start3A_122] : memref<131072x80xf32, #tpu.memory_space<hbm>> -> memref<128x80xf32, #tpu.memory_space<hbm>>
      %dma_start3A_124 = arith.constant 0 : i32
      %dma_start3A_125 = tpu.memref_slice %arg4[%add3A_116, %dma_start3A_124] : memref<131072x80xf32, #tpu.memory_space<hbm>> -> memref<128x80xf32, #tpu.memory_space<hbm>>
      %dma_start3A_126 = arith.constant 0 : i32
      %dma_start3A_127 = arith.constant 0 : i32
      %dma_start3A_128 = tpu.memref_slice %arg6[%dma_start3A_117, %dma_start3A_126, %dma_start3A_127] : memref<4x128x80xf32, #tpu.memory_space<vmem>> -> memref<1x128x80xf32, #tpu.memory_space<vmem>>
      %dma_start3A_129 = tpu.memref_squeeze %dma_start3A_128 : memref<1x128x80xf32, #tpu.memory_space<vmem>> -> memref<128x80xf32, #tpu.memory_space<vmem>>
      tpu.enqueue_dma source(%dma_start3A_129 : memref<128x80xf32, #tpu.memory_space<vmem>>) target(%dma_start3A_125 : memref<128x80xf32, #tpu.memory_space<hbm>>) target_semaphore(%arg13 : memref<!tpu.dma_semaphore, #tpu.memory_space<semaphore_mem>>)
      %dma_wait3A_130 = arith.constant 3 : i32
      %dma_wait3A_131 = arith.constant 0 : i32
      %dma_wait3A_132 = arith.constant 0 : i32
      %dma_wait3A_133 = tpu.memref_slice %arg6[%dma_wait3A_130, %dma_wait3A_131, %dma_wait3A_132] : memref<4x128x80xf32, #tpu.memory_space<vmem>> -> memref<1x128x80xf32, #tpu.memory_space<vmem>>
      %dma_wait3A_134 = tpu.memref_squeeze %dma_wait3A_133 : memref<1x128x80xf32, #tpu.memory_space<vmem>> -> memref<128x80xf32, #tpu.memory_space<vmem>>
      %dma_wait3A_135 = tpu.memref_slice %arg5[%add3A_46] : memref<4096xi32, #tpu.memory_space<vmem>> -> memref<128xi32, #tpu.memory_space<vmem>>
      %dma_wait3A_136 = arith.constant 0 : i32
      %dma_wait3A_137 = arith.constant 0 : i32
      %dma_wait3A_138 = tpu.memref_slice %arg2[%dma_wait3A_136, %dma_wait3A_137] : memref<8192x80xf32, #tpu.memory_space<hbm>> -> memref<8192x80xf32, #tpu.memory_space<hbm>>
      tpu.wait_indirect_dma semaphore(%arg10 : memref<!tpu.dma_semaphore, #tpu.memory_space<semaphore_mem>>) src(%dma_wait3A_138 : memref<8192x80xf32, #tpu.memory_space<hbm>>) dst(%dma_wait3A_134 : memref<128x80xf32, #tpu.memory_space<vmem>>)
      %add3A_139 = arith.addi %mul3A_2, %mul3A_12 : i32
      %add3A_140 = arith.constant 384 : i32
      %add3A_141 = arith.addi %add3A_139, %add3A_140 : i32
      %dma_start3A_142 = arith.constant 3 : i32
      %dma_start3A_143 = arith.constant 0 : i32
      %dma_start3A_144 = arith.constant 0 : i32
      %dma_start3A_145 = tpu.memref_slice %arg6[%dma_start3A_142, %dma_start3A_143, %dma_start3A_144] : memref<4x128x80xf32, #tpu.memory_space<vmem>> -> memref<1x128x80xf32, #tpu.memory_space<vmem>>
      %dma_start3A_146 = tpu.memref_squeeze %dma_start3A_145 : memref<1x128x80xf32, #tpu.memory_space<vmem>> -> memref<128x80xf32, #tpu.memory_space<vmem>>
      %dma_start3A_147 = arith.constant 0 : i32
      %dma_start3A_148 = tpu.memref_slice %arg4[%add3A_141, %dma_start3A_147] : memref<131072x80xf32, #tpu.memory_space<hbm>> -> memref<128x80xf32, #tpu.memory_space<hbm>>
      %dma_start3A_149 = arith.constant 0 : i32
      %dma_start3A_150 = tpu.memref_slice %arg4[%add3A_141, %dma_start3A_149] : memref<131072x80xf32, #tpu.memory_space<hbm>> -> memref<128x80xf32, #tpu.memory_space<hbm>>
      %dma_start3A_151 = arith.constant 0 : i32
      %dma_start3A_152 = arith.constant 0 : i32
      %dma_start3A_153 = tpu.memref_slice %arg6[%dma_start3A_142, %dma_start3A_151, %dma_start3A_152] : memref<4x128x80xf32, #tpu.memory_space<vmem>> -> memref<1x128x80xf32, #tpu.memory_space<vmem>>
      %dma_start3A_154 = tpu.memref_squeeze %dma_start3A_153 : memref<1x128x80xf32, #tpu.memory_space<vmem>> -> memref<128x80xf32, #tpu.memory_space<vmem>>
      tpu.enqueue_dma source(%dma_start3A_154 : memref<128x80xf32, #tpu.memory_space<vmem>>) target(%dma_start3A_150 : memref<128x80xf32, #tpu.memory_space<hbm>>) target_semaphore(%arg14 : memref<!tpu.dma_semaphore, #tpu.memory_space<semaphore_mem>>)
      %dma_wait3A_155 = arith.constant 0 : i32
      %dma_wait3A_156 = arith.constant 0 : i32
      %dma_wait3A_157 = arith.constant 0 : i32
      %dma_wait3A_158 = tpu.memref_slice %arg6[%dma_wait3A_155, %dma_wait3A_156, %dma_wait3A_157] : memref<4x128x80xf32, #tpu.memory_space<vmem>> -> memref<1x128x80xf32, #tpu.memory_space<vmem>>
      %dma_wait3A_159 = tpu.memref_squeeze %dma_wait3A_158 : memref<1x128x80xf32, #tpu.memory_space<vmem>> -> memref<128x80xf32, #tpu.memory_space<vmem>>
      %dma_wait3A_160 = arith.constant 0 : i32
      %dma_wait3A_161 = tpu.memref_slice %arg4[%add3A_66, %dma_wait3A_160] : memref<131072x80xf32, #tpu.memory_space<hbm>> -> memref<128x80xf32, #tpu.memory_space<hbm>>
      %dma_wait3A_162 = arith.constant 0 : i32
      %dma_wait3A_163 = tpu.memref_slice %arg4[%add3A_66, %dma_wait3A_162] : memref<131072x80xf32, #tpu.memory_space<hbm>> -> memref<128x80xf32, #tpu.memory_space<hbm>>
      %dma_wait3A_164 = arith.constant 0 : i32
      %dma_wait3A_165 = arith.constant 0 : i32
      %dma_wait3A_166 = tpu.memref_slice %arg6[%dma_wait3A_155, %dma_wait3A_164, %dma_wait3A_165] : memref<4x128x80xf32, #tpu.memory_space<vmem>> -> memref<1x128x80xf32, #tpu.memory_space<vmem>>
      %dma_wait3A_167 = tpu.memref_squeeze %dma_wait3A_166 : memref<1x128x80xf32, #tpu.memory_space<vmem>> -> memref<128x80xf32, #tpu.memory_space<vmem>>
      tpu.wait_dma2 semaphore(%arg11 : memref<!tpu.dma_semaphore, #tpu.memory_space<semaphore_mem>>) src(%dma_wait3A_167 : memref<128x80xf32, #tpu.memory_space<vmem>>) dst(%dma_wait3A_163 : memref<128x80xf32, #tpu.memory_space<hbm>>)
      %dma_wait3A_168 = arith.constant 1 : i32
      %dma_wait3A_169 = arith.constant 0 : i32
      %dma_wait3A_170 = arith.constant 0 : i32
      %dma_wait3A_171 = tpu.memref_slice %arg6[%dma_wait3A_168, %dma_wait3A_169, %dma_wait3A_170] : memref<4x128x80xf32, #tpu.memory_space<vmem>> -> memref<1x128x80xf32, #tpu.memory_space<vmem>>
      %dma_wait3A_172 = tpu.memref_squeeze %dma_wait3A_171 : memref<1x128x80xf32, #tpu.memory_space<vmem>> -> memref<128x80xf32, #tpu.memory_space<vmem>>
      %dma_wait3A_173 = arith.constant 0 : i32
      %dma_wait3A_174 = tpu.memref_slice %arg4[%add3A_91, %dma_wait3A_173] : memref<131072x80xf32, #tpu.memory_space<hbm>> -> memref<128x80xf32, #tpu.memory_space<hbm>>
      %dma_wait3A_175 = arith.constant 0 : i32
      %dma_wait3A_176 = tpu.memref_slice %arg4[%add3A_91, %dma_wait3A_175] : memref<131072x80xf32, #tpu.memory_space<hbm>> -> memref<128x80xf32, #tpu.memory_space<hbm>>
      %dma_wait3A_177 = arith.constant 0 : i32
      %dma_wait3A_178 = arith.constant 0 : i32
      %dma_wait3A_179 = tpu.memref_slice %arg6[%dma_wait3A_168, %dma_wait3A_177, %dma_wait3A_178] : memref<4x128x80xf32, #tpu.memory_space<vmem>> -> memref<1x128x80xf32, #tpu.memory_space<vmem>>
      %dma_wait3A_180 = tpu.memref_squeeze %dma_wait3A_179 : memref<1x128x80xf32, #tpu.memory_space<vmem>> -> memref<128x80xf32, #tpu.memory_space<vmem>>
      tpu.wait_dma2 semaphore(%arg12 : memref<!tpu.dma_semaphore, #tpu.memory_space<semaphore_mem>>) src(%dma_wait3A_180 : memref<128x80xf32, #tpu.memory_space<vmem>>) dst(%dma_wait3A_176 : memref<128x80xf32, #tpu.memory_space<hbm>>)
      %dma_wait3A_181 = arith.constant 2 : i32
      %dma_wait3A_182 = arith.constant 0 : i32
      %dma_wait3A_183 = arith.constant 0 : i32
      %dma_wait3A_184 = tpu.memref_slice %arg6[%dma_wait3A_181, %dma_wait3A_182, %dma_wait3A_183] : memref<4x128x80xf32, #tpu.memory_space<vmem>> -> memref<1x128x80xf32, #tpu.memory_space<vmem>>
      %dma_wait3A_185 = tpu.memref_squeeze %dma_wait3A_184 : memref<1x128x80xf32, #tpu.memory_space<vmem>> -> memref<128x80xf32, #tpu.memory_space<vmem>>
      %dma_wait3A_186 = arith.constant 0 : i32
      %dma_wait3A_187 = tpu.memref_slice %arg4[%add3A_116, %dma_wait3A_186] : memref<131072x80xf32, #tpu.memory_space<hbm>> -> memref<128x80xf32, #tpu.memory_space<hbm>>
      %dma_wait3A_188 = arith.constant 0 : i32
      %dma_wait3A_189 = tpu.memref_slice %arg4[%add3A_116, %dma_wait3A_188] : memref<131072x80xf32, #tpu.memory_space<hbm>> -> memref<128x80xf32, #tpu.memory_space<hbm>>
      %dma_wait3A_190 = arith.constant 0 : i32
      %dma_wait3A_191 = arith.constant 0 : i32
      %dma_wait3A_192 = tpu.memref_slice %arg6[%dma_wait3A_181, %dma_wait3A_190, %dma_wait3A_191] : memref<4x128x80xf32, #tpu.memory_space<vmem>> -> memref<1x128x80xf32, #tpu.memory_space<vmem>>
      %dma_wait3A_193 = tpu.memref_squeeze %dma_wait3A_192 : memref<1x128x80xf32, #tpu.memory_space<vmem>> -> memref<128x80xf32, #tpu.memory_space<vmem>>
      tpu.wait_dma2 semaphore(%arg13 : memref<!tpu.dma_semaphore, #tpu.memory_space<semaphore_mem>>) src(%dma_wait3A_193 : memref<128x80xf32, #tpu.memory_space<vmem>>) dst(%dma_wait3A_189 : memref<128x80xf32, #tpu.memory_space<hbm>>)
      %dma_wait3A_194 = arith.constant 3 : i32
      %dma_wait3A_195 = arith.constant 0 : i32
      %dma_wait3A_196 = arith.constant 0 : i32
      %dma_wait3A_197 = tpu.memref_slice %arg6[%dma_wait3A_194, %dma_wait3A_195, %dma_wait3A_196] : memref<4x128x80xf32, #tpu.memory_space<vmem>> -> memref<1x128x80xf32, #tpu.memory_space<vmem>>
      %dma_wait3A_198 = tpu.memref_squeeze %dma_wait3A_197 : memref<1x128x80xf32, #tpu.memory_space<vmem>> -> memref<128x80xf32, #tpu.memory_space<vmem>>
      %dma_wait3A_199 = arith.constant 0 : i32
      %dma_wait3A_200 = tpu.memref_slice %arg4[%add3A_141, %dma_wait3A_199] : memref<131072x80xf32, #tpu.memory_space<hbm>> -> memref<128x80xf32, #tpu.memory_space<hbm>>
      %dma_wait3A_201 = arith.constant 0 : i32
      %dma_wait3A_202 = tpu.memref_slice %arg4[%add3A_141, %dma_wait3A_201] : memref<131072x80xf32, #tpu.memory_space<hbm>> -> memref<128x80xf32, #tpu.memory_space<hbm>>
      %dma_wait3A_203 = arith.constant 0 : i32
      %dma_wait3A_204 = arith.constant 0 : i32
      %dma_wait3A_205 = tpu.memref_slice %arg6[%dma_wait3A_194, %dma_wait3A_203, %dma_wait3A_204] : memref<4x128x80xf32, #tpu.memory_space<vmem>> -> memref<1x128x80xf32, #tpu.memory_space<vmem>>
      %dma_wait3A_206 = tpu.memref_squeeze %dma_wait3A_205 : memref<1x128x80xf32, #tpu.memory_space<vmem>> -> memref<128x80xf32, #tpu.memory_space<vmem>>
      tpu.wait_dma2 semaphore(%arg14 : memref<!tpu.dma_semaphore, #tpu.memory_space<semaphore_mem>>) src(%dma_wait3A_206 : memref<128x80xf32, #tpu.memory_space<vmem>>) dst(%dma_wait3A_202 : memref<128x80xf32, #tpu.memory_space<hbm>>)
    }
    %scan3A_7 = arith.constant 8 : i32
    return
  }
}

#map = affine_map<(d0, d1) -> (0, 0)>
#map1 = affine_map<(d0, d1) -> (0)>
module attributes {stable_mosaic.version = 14 : i64} {
  func.func @gather(%arg0: i32, %arg1: i32, %arg2: memref<8192x80xf32, #tpu.memory_space<hbm>>, %arg3: memref<131072xi32, #tpu.memory_space<hbm>>, %arg4: memref<131072x80xf32, #tpu.memory_space<hbm>>, %arg5: memref<4096xi32, #tpu.memory_space<vmem>>, %arg6: memref<4x128x80xf32, #tpu.memory_space<vmem>>, %arg7: memref<!tpu.dma_semaphore, #tpu.memory_space<semaphore_mem>>, %arg8: memref<!tpu.dma_semaphore, #tpu.memory_space<semaphore_mem>>, %arg9: memref<!tpu.dma_semaphore, #tpu.memory_space<semaphore_mem>>, %arg10: memref<!tpu.dma_semaphore, #tpu.memory_space<semaphore_mem>>, %arg11: memref<!tpu.dma_semaphore, #tpu.memory_space<semaphore_mem>>, %arg12: memref<!tpu.dma_semaphore, #tpu.memory_space<semaphore_mem>>, %arg13: memref<!tpu.dma_semaphore, #tpu.memory_space<semaphore_mem>>, %arg14: memref<!tpu.dma_semaphore, #tpu.memory_space<semaphore_mem>>) attributes {dimension_semantics = [#tpu.dimension_semantics<core_parallel>, #tpu.dimension_semantics<subcore_parallel>], iteration_bounds = array<i64: 2, 16>, scalar_prefetch = 0 : i64, scratch_operands = 10 : i64, tpu.core_type = #tpu.core_type<sc_vector_subcore>, window_params = [{transform_indices = #map}, {transform_indices = #map1}, {transform_indices = #map}]} {
    %mul3A = arith.constant 2 : i32
    %mul3A_0 = arith.muli %arg1, %mul3A : i32
    %add3A = arith.addi %mul3A_0, %arg0 : i32
    %mul3A_1 = arith.constant 4096 : i32
    %mul3A_2 = arith.muli %add3A, %mul3A_1 : i32
    "tpu.region"() ({
      %run_scoped3A = tpu.sem_alloc : memref<!tpu.dma_semaphore, #tpu.memory_space<semaphore_mem>>
      %dma_start3A = tpu.memref_slice %arg3[%mul3A_2] : memref<131072xi32, #tpu.memory_space<hbm>> -> memref<4096xi32, #tpu.memory_space<hbm>>
      %dma_start3A_8 = tpu.memref_slice %arg3[%mul3A_2] : memref<131072xi32, #tpu.memory_space<hbm>> -> memref<4096xi32, #tpu.memory_space<hbm>>
      tpu.enqueue_dma source(%dma_start3A_8 : memref<4096xi32, #tpu.memory_space<hbm>>) target(%arg5 : memref<4096xi32, #tpu.memory_space<vmem>>) target_semaphore(%run_scoped3A : memref<!tpu.dma_semaphore, #tpu.memory_space<semaphore_mem>>)
      %dma_wait3A = tpu.memref_slice %arg3[%mul3A_2] : memref<131072xi32, #tpu.memory_space<hbm>> -> memref<4096xi32, #tpu.memory_space<hbm>>
      %dma_wait3A_9 = tpu.memref_slice %arg3[%mul3A_2] : memref<131072xi32, #tpu.memory_space<hbm>> -> memref<4096xi32, #tpu.memory_space<hbm>>
      tpu.wait_dma2 semaphore(%run_scoped3A : memref<!tpu.dma_semaphore, #tpu.memory_space<semaphore_mem>>) src(%dma_wait3A_9 : memref<4096xi32, #tpu.memory_space<hbm>>) dst(%arg5 : memref<4096xi32, #tpu.memory_space<vmem>>)
      tpu.yield
    }) : () -> ()
    %scan3A = arith.constant 0 : i32
    %scan3A_3 = arith.constant 0 : i32
    %scan3A_4 = arith.constant 8 : i32
    %scan3A_5 = arith.addi %scan3A_3, %scan3A_4 : i32
    %scan3A_6 = arith.constant 1 : i32
    scf.for %scan3A_8 = %scan3A_3 to %scan3A_5 step %scan3A_6  : i32 {
      %mul3A_9 = arith.constant 4 : i32
      %mul3A_10 = arith.muli %scan3A_8, %mul3A_9 : i32
      %mul3A_11 = arith.constant 128 : i32
      %mul3A_12 = arith.muli %mul3A_10, %mul3A_11 : i32
      %add3A_13 = arith.constant 0 : i32
      %add3A_14 = arith.addi %mul3A_12, %add3A_13 : i32
      %dma_start3A = arith.constant 0 : i32
      %dma_start3A_15 = arith.constant 0 : i32
      %dma_start3A_16 = arith.constant 0 : i32
      %dma_start3A_17 = tpu.memref_slice %arg6[%dma_start3A, %dma_start3A_15, %dma_start3A_16] : memref<4x128x80xf32, #tpu.memory_space<vmem>> -> memref<1x128x80xf32, #tpu.memory_space<vmem>>
      %dma_start3A_18 = tpu.memref_squeeze %dma_start3A_17 : memref<1x128x80xf32, #tpu.memory_space<vmem>> -> memref<128x80xf32, #tpu.memory_space<vmem>>
      %dma_start3A_19 = tpu.memref_slice %arg5[%add3A_14] : memref<4096xi32, #tpu.memory_space<vmem>> -> memref<128xi32, #tpu.memory_space<vmem>>
      %dma_start3A_20 = arith.constant 0 : i32
      %dma_start3A_21 = arith.constant 0 : i32
      %dma_start3A_22 = tpu.memref_slice %arg2[%dma_start3A_20, %dma_start3A_21] : memref<8192x80xf32, #tpu.memory_space<hbm>> -> memref<8192x80xf32, #tpu.memory_space<hbm>>
      tpu.enqueue_indirect_dma source(%dma_start3A_22 : memref<8192x80xf32, #tpu.memory_space<hbm>>) target(%dma_start3A_18 : memref<128x80xf32, #tpu.memory_space<vmem>>) offsets(%dma_start3A_19 : memref<128xi32, #tpu.memory_space<vmem>>) semaphore(%arg7 : memref<!tpu.dma_semaphore, #tpu.memory_space<semaphore_mem>>)
      %add3A_23 = arith.constant 128 : i32
      %add3A_24 = arith.addi %mul3A_12, %add3A_23 : i32
      %dma_start3A_25 = arith.constant 1 : i32
      %dma_start3A_26 = arith.constant 0 : i32
      %dma_start3A_27 = arith.constant 0 : i32
      %dma_start3A_28 = tpu.memref_slice %arg6[%dma_start3A_25, %dma_start3A_26, %dma_start3A_27] : memref<4x128x80xf32, #tpu.memory_space<vmem>> -> memref<1x128x80xf32, #tpu.memory_space<vmem>>
      %dma_start3A_29 = tpu.memref_squeeze %dma_start3A_28 : memref<1x128x80xf32, #tpu.memory_space<vmem>> -> memref<128x80xf32, #tpu.memory_space<vmem>>
      %dma_start3A_30 = tpu.memref_slice %arg5[%add3A_24] : memref<4096xi32, #tpu.memory_space<vmem>> -> memref<128xi32, #tpu.memory_space<vmem>>
      %dma_start3A_31 = arith.constant 0 : i32
      %dma_start3A_32 = arith.constant 0 : i32
      %dma_start3A_33 = tpu.memref_slice %arg2[%dma_start3A_31, %dma_start3A_32] : memref<8192x80xf32, #tpu.memory_space<hbm>> -> memref<8192x80xf32, #tpu.memory_space<hbm>>
      tpu.enqueue_indirect_dma source(%dma_start3A_33 : memref<8192x80xf32, #tpu.memory_space<hbm>>) target(%dma_start3A_29 : memref<128x80xf32, #tpu.memory_space<vmem>>) offsets(%dma_start3A_30 : memref<128xi32, #tpu.memory_space<vmem>>) semaphore(%arg8 : memref<!tpu.dma_semaphore, #tpu.memory_space<semaphore_mem>>)
      %add3A_34 = arith.constant 256 : i32
      %add3A_35 = arith.addi %mul3A_12, %add3A_34 : i32
      %dma_start3A_36 = arith.constant 2 : i32
      %dma_start3A_37 = arith.constant 0 : i32
      %dma_start3A_38 = arith.constant 0 : i32
      %dma_start3A_39 = tpu.memref_slice %arg6[%dma_start3A_36, %dma_start3A_37, %dma_start3A_38] : memref<4x128x80xf32, #tpu.memory_space<vmem>> -> memref<1x128x80xf32, #tpu.memory_space<vmem>>
      %dma_start3A_40 = tpu.memref_squeeze %dma_start3A_39 : memref<1x128x80xf32, #tpu.memory_space<vmem>> -> memref<128x80xf32, #tpu.memory_space<vmem>>
      %dma_start3A_41 = tpu.memref_slice %arg5[%add3A_35] : memref<4096xi32, #tpu.memory_space<vmem>> -> memref<128xi32, #tpu.memory_space<vmem>>
      %dma_start3A_42 = arith.constant 0 : i32
      %dma_start3A_43 = arith.constant 0 : i32
      %dma_start3A_44 = tpu.memref_slice %arg2[%dma_start3A_42, %dma_start3A_43] : memref<8192x80xf32, #tpu.memory_space<hbm>> -> memref<8192x80xf32, #tpu.memory_space<hbm>>
      tpu.enqueue_indirect_dma source(%dma_start3A_44 : memref<8192x80xf32, #tpu.memory_space<hbm>>) target(%dma_start3A_40 : memref<128x80xf32, #tpu.memory_space<vmem>>) offsets(%dma_start3A_41 : memref<128xi32, #tpu.memory_space<vmem>>) semaphore(%arg9 : memref<!tpu.dma_semaphore, #tpu.memory_space<semaphore_mem>>)
      %add3A_45 = arith.constant 384 : i32
      %add3A_46 = arith.addi %mul3A_12, %add3A_45 : i32
      %dma_start3A_47 = arith.constant 3 : i32
      %dma_start3A_48 = arith.constant 0 : i32
      %dma_start3A_49 = arith.constant 0 : i32
      %dma_start3A_50 = tpu.memref_slice %arg6[%dma_start3A_47, %dma_start3A_48, %dma_start3A_49] : memref<4x128x80xf32, #tpu.memory_space<vmem>> -> memref<1x128x80xf32, #tpu.memory_space<vmem>>
      %dma_start3A_51 = tpu.memref_squeeze %dma_start3A_50 : memref<1x128x80xf32, #tpu.memory_space<vmem>> -> memref<128x80xf32, #tpu.memory_space<vmem>>
      %dma_start3A_52 = tpu.memref_slice %arg5[%add3A_46] : memref<4096xi32, #tpu.memory_space<vmem>> -> memref<128xi32, #tpu.memory_space<vmem>>
      %dma_start3A_53 = arith.constant 0 : i32
      %dma_start3A_54 = arith.constant 0 : i32
      %dma_start3A_55 = tpu.memref_slice %arg2[%dma_start3A_53, %dma_start3A_54] : memref<8192x80xf32, #tpu.memory_space<hbm>> -> memref<8192x80xf32, #tpu.memory_space<hbm>>
      tpu.enqueue_indirect_dma source(%dma_start3A_55 : memref<8192x80xf32, #tpu.memory_space<hbm>>) target(%dma_start3A_51 : memref<128x80xf32, #tpu.memory_space<vmem>>) offsets(%dma_start3A_52 : memref<128xi32, #tpu.memory_space<vmem>>) semaphore(%arg10 : memref<!tpu.dma_semaphore, #tpu.memory_space<semaphore_mem>>)
      %dma_wait3A = arith.constant 0 : i32
      %dma_wait3A_56 = arith.constant 0 : i32
      %dma_wait3A_57 = arith.constant 0 : i32
      %dma_wait3A_58 = tpu.memref_slice %arg6[%dma_wait3A, %dma_wait3A_56, %dma_wait3A_57] : memref<4x128x80xf32, #tpu.memory_space<vmem>> -> memref<1x128x80xf32, #tpu.memory_space<vmem>>
      %dma_wait3A_59 = tpu.memref_squeeze %dma_wait3A_58 : memref<1x128x80xf32, #tpu.memory_space<vmem>> -> memref<128x80xf32, #tpu.memory_space<vmem>>
      %dma_wait3A_60 = tpu.memref_slice %arg5[%add3A_14] : memref<4096xi32, #tpu.memory_space<vmem>> -> memref<128xi32, #tpu.memory_space<vmem>>
      %dma_wait3A_61 = arith.constant 0 : i32
      %dma_wait3A_62 = arith.constant 0 : i32
      %dma_wait3A_63 = tpu.memref_slice %arg2[%dma_wait3A_61, %dma_wait3A_62] : memref<8192x80xf32, #tpu.memory_space<hbm>> -> memref<8192x80xf32, #tpu.memory_space<hbm>>
      tpu.wait_indirect_dma semaphore(%arg7 : memref<!tpu.dma_semaphore, #tpu.memory_space<semaphore_mem>>) src(%dma_wait3A_63 : memref<8192x80xf32, #tpu.memory_space<hbm>>) dst(%dma_wait3A_59 : memref<128x80xf32, #tpu.memory_space<vmem>>)
      %add3A_64 = arith.addi %mul3A_2, %mul3A_12 : i32
      %add3A_65 = arith.constant 0 : i32
      %add3A_66 = arith.addi %add3A_64, %add3A_65 : i32
      %dma_start3A_67 = arith.constant 0 : i32
      %dma_start3A_68 = arith.constant 0 : i32
      %dma_start3A_69 = arith.constant 0 : i32
      %dma_start3A_70 = tpu.memref_slice %arg6[%dma_start3A_67, %dma_start3A_68, %dma_start3A_69] : memref<4x128x80xf32, #tpu.memory_space<vmem>> -> memref<1x128x80xf32, #tpu.memory_space<vmem>>
      %dma_start3A_71 = tpu.memref_squeeze %dma_start3A_70 : memref<1x128x80xf32, #tpu.memory_space<vmem>> -> memref<128x80xf32, #tpu.memory_space<vmem>>
      %dma_start3A_72 = arith.constant 0 : i32
      %dma_start3A_73 = tpu.memref_slice %arg4[%add3A_66, %dma_start3A_72] : memref<131072x80xf32, #tpu.memory_space<hbm>> -> memref<128x80xf32, #tpu.memory_space<hbm>>
      %dma_start3A_74 = arith.constant 0 : i32
      %dma_start3A_75 = tpu.memref_slice %arg4[%add3A_66, %dma_start3A_74] : memref<131072x80xf32, #tpu.memory_space<hbm>> -> memref<128x80xf32, #tpu.memory_space<hbm>>
      %dma_start3A_76 = arith.constant 0 : i32
      %dma_start3A_77 = arith.constant 0 : i32
      %dma_start3A_78 = tpu.memref_slice %arg6[%dma_start3A_67, %dma_start3A_76, %dma_start3A_77] : memref<4x128x80xf32, #tpu.memory_space<vmem>> -> memref<1x128x80xf32, #tpu.memory_space<vmem>>
      %dma_start3A_79 = tpu.memref_squeeze %dma_start3A_78 : memref<1x128x80xf32, #tpu.memory_space<vmem>> -> memref<128x80xf32, #tpu.memory_space<vmem>>
      tpu.enqueue_dma source(%dma_start3A_79 : memref<128x80xf32, #tpu.memory_space<vmem>>) target(%dma_start3A_75 : memref<128x80xf32, #tpu.memory_space<hbm>>) target_semaphore(%arg11 : memref<!tpu.dma_semaphore, #tpu.memory_space<semaphore_mem>>)
      %dma_wait3A_80 = arith.constant 1 : i32
      %dma_wait3A_81 = arith.constant 0 : i32
      %dma_wait3A_82 = arith.constant 0 : i32
      %dma_wait3A_83 = tpu.memref_slice %arg6[%dma_wait3A_80, %dma_wait3A_81, %dma_wait3A_82] : memref<4x128x80xf32, #tpu.memory_space<vmem>> -> memref<1x128x80xf32, #tpu.memory_space<vmem>>
      %dma_wait3A_84 = tpu.memref_squeeze %dma_wait3A_83 : memref<1x128x80xf32, #tpu.memory_space<vmem>> -> memref<128x80xf32, #tpu.memory_space<vmem>>
      %dma_wait3A_85 = tpu.memref_slice %arg5[%add3A_24] : memref<4096xi32, #tpu.memory_space<vmem>> -> memref<128xi32, #tpu.memory_space<vmem>>
      %dma_wait3A_86 = arith.constant 0 : i32
      %dma_wait3A_87 = arith.constant 0 : i32
      %dma_wait3A_88 = tpu.memref_slice %arg2[%dma_wait3A_86, %dma_wait3A_87] : memref<8192x80xf32, #tpu.memory_space<hbm>> -> memref<8192x80xf32, #tpu.memory_space<hbm>>
      tpu.wait_indirect_dma semaphore(%arg8 : memref<!tpu.dma_semaphore, #tpu.memory_space<semaphore_mem>>) src(%dma_wait3A_88 : memref<8192x80xf32, #tpu.memory_space<hbm>>) dst(%dma_wait3A_84 : memref<128x80xf32, #tpu.memory_space<vmem>>)
      %add3A_89 = arith.addi %mul3A_2, %mul3A_12 : i32
      %add3A_90 = arith.constant 128 : i32
      %add3A_91 = arith.addi %add3A_89, %add3A_90 : i32
      %dma_start3A_92 = arith.constant 1 : i32
      %dma_start3A_93 = arith.constant 0 : i32
      %dma_start3A_94 = arith.constant 0 : i32
      %dma_start3A_95 = tpu.memref_slice %arg6[%dma_start3A_92, %dma_start3A_93, %dma_start3A_94] : memref<4x128x80xf32, #tpu.memory_space<vmem>> -> memref<1x128x80xf32, #tpu.memory_space<vmem>>
      %dma_start3A_96 = tpu.memref_squeeze %dma_start3A_95 : memref<1x128x80xf32, #tpu.memory_space<vmem>> -> memref<128x80xf32, #tpu.memory_space<vmem>>
      %dma_start3A_97 = arith.constant 0 : i32
      %dma_start3A_98 = tpu.memref_slice %arg4[%add3A_91, %dma_start3A_97] : memref<131072x80xf32, #tpu.memory_space<hbm>> -> memref<128x80xf32, #tpu.memory_space<hbm>>
      %dma_start3A_99 = arith.constant 0 : i32
      %dma_start3A_100 = tpu.memref_slice %arg4[%add3A_91, %dma_start3A_99] : memref<131072x80xf32, #tpu.memory_space<hbm>> -> memref<128x80xf32, #tpu.memory_space<hbm>>
      %dma_start3A_101 = arith.constant 0 : i32
      %dma_start3A_102 = arith.constant 0 : i32
      %dma_start3A_103 = tpu.memref_slice %arg6[%dma_start3A_92, %dma_start3A_101, %dma_start3A_102] : memref<4x128x80xf32, #tpu.memory_space<vmem>> -> memref<1x128x80xf32, #tpu.memory_space<vmem>>
      %dma_start3A_104 = tpu.memref_squeeze %dma_start3A_103 : memref<1x128x80xf32, #tpu.memory_space<vmem>> -> memref<128x80xf32, #tpu.memory_space<vmem>>
      tpu.enqueue_dma source(%dma_start3A_104 : memref<128x80xf32, #tpu.memory_space<vmem>>) target(%dma_start3A_100 : memref<128x80xf32, #tpu.memory_space<hbm>>) target_semaphore(%arg12 : memref<!tpu.dma_semaphore, #tpu.memory_space<semaphore_mem>>)
      %dma_wait3A_105 = arith.constant 2 : i32
      %dma_wait3A_106 = arith.constant 0 : i32
      %dma_wait3A_107 = arith.constant 0 : i32
      %dma_wait3A_108 = tpu.memref_slice %arg6[%dma_wait3A_105, %dma_wait3A_106, %dma_wait3A_107] : memref<4x128x80xf32, #tpu.memory_space<vmem>> -> memref<1x128x80xf32, #tpu.memory_space<vmem>>
      %dma_wait3A_109 = tpu.memref_squeeze %dma_wait3A_108 : memref<1x128x80xf32, #tpu.memory_space<vmem>> -> memref<128x80xf32, #tpu.memory_space<vmem>>
      %dma_wait3A_110 = tpu.memref_slice %arg5[%add3A_35] : memref<4096xi32, #tpu.memory_space<vmem>> -> memref<128xi32, #tpu.memory_space<vmem>>
      %dma_wait3A_111 = arith.constant 0 : i32
      %dma_wait3A_112 = arith.constant 0 : i32
      %dma_wait3A_113 = tpu.memref_slice %arg2[%dma_wait3A_111, %dma_wait3A_112] : memref<8192x80xf32, #tpu.memory_space<hbm>> -> memref<8192x80xf32, #tpu.memory_space<hbm>>
      tpu.wait_indirect_dma semaphore(%arg9 : memref<!tpu.dma_semaphore, #tpu.memory_space<semaphore_mem>>) src(%dma_wait3A_113 : memref<8192x80xf32, #tpu.memory_space<hbm>>) dst(%dma_wait3A_109 : memref<128x80xf32, #tpu.memory_space<vmem>>)
      %add3A_114 = arith.addi %mul3A_2, %mul3A_12 : i32
      %add3A_115 = arith.constant 256 : i32
      %add3A_116 = arith.addi %add3A_114, %add3A_115 : i32
      %dma_start3A_117 = arith.constant 2 : i32
      %dma_start3A_118 = arith.constant 0 : i32
      %dma_start3A_119 = arith.constant 0 : i32
      %dma_start3A_120 = tpu.memref_slice %arg6[%dma_start3A_117, %dma_start3A_118, %dma_start3A_119] : memref<4x128x80xf32, #tpu.memory_space<vmem>> -> memref<1x128x80xf32, #tpu.memory_space<vmem>>
      %dma_start3A_121 = tpu.memref_squeeze %dma_start3A_120 : memref<1x128x80xf32, #tpu.memory_space<vmem>> -> memref<128x80xf32, #tpu.memory_space<vmem>>
      %dma_start3A_122 = arith.constant 0 : i32
      %dma_start3A_123 = tpu.memref_slice %arg4[%add3A_116, %dma_start3A_122] : memref<131072x80xf32, #tpu.memory_space<hbm>> -> memref<128x80xf32, #tpu.memory_space<hbm>>
      %dma_start3A_124 = arith.constant 0 : i32
      %dma_start3A_125 = tpu.memref_slice %arg4[%add3A_116, %dma_start3A_124] : memref<131072x80xf32, #tpu.memory_space<hbm>> -> memref<128x80xf32, #tpu.memory_space<hbm>>
      %dma_start3A_126 = arith.constant 0 : i32
      %dma_start3A_127 = arith.constant 0 : i32
      %dma_start3A_128 = tpu.memref_slice %arg6[%dma_start3A_117, %dma_start3A_126, %dma_start3A_127] : memref<4x128x80xf32, #tpu.memory_space<vmem>> -> memref<1x128x80xf32, #tpu.memory_space<vmem>>
      %dma_start3A_129 = tpu.memref_squeeze %dma_start3A_128 : memref<1x128x80xf32, #tpu.memory_space<vmem>> -> memref<128x80xf32, #tpu.memory_space<vmem>>
      tpu.enqueue_dma source(%dma_start3A_129 : memref<128x80xf32, #tpu.memory_space<vmem>>) target(%dma_start3A_125 : memref<128x80xf32, #tpu.memory_space<hbm>>) target_semaphore(%arg13 : memref<!tpu.dma_semaphore, #tpu.memory_space<semaphore_mem>>)
      %dma_wait3A_130 = arith.constant 3 : i32
      %dma_wait3A_131 = arith.constant 0 : i32
      %dma_wait3A_132 = arith.constant 0 : i32
      %dma_wait3A_133 = tpu.memref_slice %arg6[%dma_wait3A_130, %dma_wait3A_131, %dma_wait3A_132] : memref<4x128x80xf32, #tpu.memory_space<vmem>> -> memref<1x128x80xf32, #tpu.memory_space<vmem>>
      %dma_wait3A_134 = tpu.memref_squeeze %dma_wait3A_133 : memref<1x128x80xf32, #tpu.memory_space<vmem>> -> memref<128x80xf32, #tpu.memory_space<vmem>>
      %dma_wait3A_135 = tpu.memref_slice %arg5[%add3A_46] : memref<4096xi32, #tpu.memory_space<vmem>> -> memref<128xi32, #tpu.memory_space<vmem>>
      %dma_wait3A_136 = arith.constant 0 : i32
      %dma_wait3A_137 = arith.constant 0 : i32
      %dma_wait3A_138 = tpu.memref_slice %arg2[%dma_wait3A_136, %dma_wait3A_137] : memref<8192x80xf32, #tpu.memory_space<hbm>> -> memref<8192x80xf32, #tpu.memory_space<hbm>>
      tpu.wait_indirect_dma semaphore(%arg10 : memref<!tpu.dma_semaphore, #tpu.memory_space<semaphore_mem>>) src(%dma_wait3A_138 : memref<8192x80xf32, #tpu.memory_space<hbm>>) dst(%dma_wait3A_134 : memref<128x80xf32, #tpu.memory_space<vmem>>)
      %add3A_139 = arith.addi %mul3A_2, %mul3A_12 : i32
      %add3A_140 = arith.constant 384 : i32
      %add3A_141 = arith.addi %add3A_139, %add3A_140 : i32
      %dma_start3A_142 = arith.constant 3 : i32
      %dma_start3A_143 = arith.constant 0 : i32
      %dma_start3A_144 = arith.constant 0 : i32
      %dma_start3A_145 = tpu.memref_slice %arg6[%dma_start3A_142, %dma_start3A_143, %dma_start3A_144] : memref<4x128x80xf32, #tpu.memory_space<vmem>> -> memref<1x128x80xf32, #tpu.memory_space<vmem>>
      %dma_start3A_146 = tpu.memref_squeeze %dma_start3A_145 : memref<1x128x80xf32, #tpu.memory_space<vmem>> -> memref<128x80xf32, #tpu.memory_space<vmem>>
      %dma_start3A_147 = arith.constant 0 : i32
      %dma_start3A_148 = tpu.memref_slice %arg4[%add3A_141, %dma_start3A_147] : memref<131072x80xf32, #tpu.memory_space<hbm>> -> memref<128x80xf32, #tpu.memory_space<hbm>>
      %dma_start3A_149 = arith.constant 0 : i32
      %dma_start3A_150 = tpu.memref_slice %arg4[%add3A_141, %dma_start3A_149] : memref<131072x80xf32, #tpu.memory_space<hbm>> -> memref<128x80xf32, #tpu.memory_space<hbm>>
      %dma_start3A_151 = arith.constant 0 : i32
      %dma_start3A_152 = arith.constant 0 : i32
      %dma_start3A_153 = tpu.memref_slice %arg6[%dma_start3A_142, %dma_start3A_151, %dma_start3A_152] : memref<4x128x80xf32, #tpu.memory_space<vmem>> -> memref<1x128x80xf32, #tpu.memory_space<vmem>>
      %dma_start3A_154 = tpu.memref_squeeze %dma_start3A_153 : memref<1x128x80xf32, #tpu.memory_space<vmem>> -> memref<128x80xf32, #tpu.memory_space<vmem>>
      tpu.enqueue_dma source(%dma_start3A_154 : memref<128x80xf32, #tpu.memory_space<vmem>>) target(%dma_start3A_150 : memref<128x80xf32, #tpu.memory_space<hbm>>) target_semaphore(%arg14 : memref<!tpu.dma_semaphore, #tpu.memory_space<semaphore_mem>>)
      %dma_wait3A_155 = arith.constant 0 : i32
      %dma_wait3A_156 = arith.constant 0 : i32
      %dma_wait3A_157 = arith.constant 0 : i32
      %dma_wait3A_158 = tpu.memref_slice %arg6[%dma_wait3A_155, %dma_wait3A_156, %dma_wait3A_157] : memref<4x128x80xf32, #tpu.memory_space<vmem>> -> memref<1x128x80xf32, #tpu.memory_space<vmem>>
      %dma_wait3A_159 = tpu.memref_squeeze %dma_wait3A_158 : memref<1x128x80xf32, #tpu.memory_space<vmem>> -> memref<128x80xf32, #tpu.memory_space<vmem>>
      %dma_wait3A_160 = arith.constant 0 : i32
      %dma_wait3A_161 = tpu.memref_slice %arg4[%add3A_66, %dma_wait3A_160] : memref<131072x80xf32, #tpu.memory_space<hbm>> -> memref<128x80xf32, #tpu.memory_space<hbm>>
      %dma_wait3A_162 = arith.constant 0 : i32
      %dma_wait3A_163 = tpu.memref_slice %arg4[%add3A_66, %dma_wait3A_162] : memref<131072x80xf32, #tpu.memory_space<hbm>> -> memref<128x80xf32, #tpu.memory_space<hbm>>
      %dma_wait3A_164 = arith.constant 0 : i32
      %dma_wait3A_165 = arith.constant 0 : i32
      %dma_wait3A_166 = tpu.memref_slice %arg6[%dma_wait3A_155, %dma_wait3A_164, %dma_wait3A_165] : memref<4x128x80xf32, #tpu.memory_space<vmem>> -> memref<1x128x80xf32, #tpu.memory_space<vmem>>
      %dma_wait3A_167 = tpu.memref_squeeze %dma_wait3A_166 : memref<1x128x80xf32, #tpu.memory_space<vmem>> -> memref<128x80xf32, #tpu.memory_space<vmem>>
      tpu.wait_dma2 semaphore(%arg11 : memref<!tpu.dma_semaphore, #tpu.memory_space<semaphore_mem>>) src(%dma_wait3A_167 : memref<128x80xf32, #tpu.memory_space<vmem>>) dst(%dma_wait3A_163 : memref<128x80xf32, #tpu.memory_space<hbm>>)
      %dma_wait3A_168 = arith.constant 1 : i32
      %dma_wait3A_169 = arith.constant 0 : i32
      %dma_wait3A_170 = arith.constant 0 : i32
      %dma_wait3A_171 = tpu.memref_slice %arg6[%dma_wait3A_168, %dma_wait3A_169, %dma_wait3A_170] : memref<4x128x80xf32, #tpu.memory_space<vmem>> -> memref<1x128x80xf32, #tpu.memory_space<vmem>>
      %dma_wait3A_172 = tpu.memref_squeeze %dma_wait3A_171 : memref<1x128x80xf32, #tpu.memory_space<vmem>> -> memref<128x80xf32, #tpu.memory_space<vmem>>
      %dma_wait3A_173 = arith.constant 0 : i32
      %dma_wait3A_174 = tpu.memref_slice %arg4[%add3A_91, %dma_wait3A_173] : memref<131072x80xf32, #tpu.memory_space<hbm>> -> memref<128x80xf32, #tpu.memory_space<hbm>>
      %dma_wait3A_175 = arith.constant 0 : i32
      %dma_wait3A_176 = tpu.memref_slice %arg4[%add3A_91, %dma_wait3A_175] : memref<131072x80xf32, #tpu.memory_space<hbm>> -> memref<128x80xf32, #tpu.memory_space<hbm>>
      %dma_wait3A_177 = arith.constant 0 : i32
      %dma_wait3A_178 = arith.constant 0 : i32
      %dma_wait3A_179 = tpu.memref_slice %arg6[%dma_wait3A_168, %dma_wait3A_177, %dma_wait3A_178] : memref<4x128x80xf32, #tpu.memory_space<vmem>> -> memref<1x128x80xf32, #tpu.memory_space<vmem>>
      %dma_wait3A_180 = tpu.memref_squeeze %dma_wait3A_179 : memref<1x128x80xf32, #tpu.memory_space<vmem>> -> memref<128x80xf32, #tpu.memory_space<vmem>>
      tpu.wait_dma2 semaphore(%arg12 : memref<!tpu.dma_semaphore, #tpu.memory_space<semaphore_mem>>) src(%dma_wait3A_180 : memref<128x80xf32, #tpu.memory_space<vmem>>) dst(%dma_wait3A_176 : memref<128x80xf32, #tpu.memory_space<hbm>>)
      %dma_wait3A_181 = arith.constant 2 : i32
      %dma_wait3A_182 = arith.constant 0 : i32
      %dma_wait3A_183 = arith.constant 0 : i32
      %dma_wait3A_184 = tpu.memref_slice %arg6[%dma_wait3A_181, %dma_wait3A_182, %dma_wait3A_183] : memref<4x128x80xf32, #tpu.memory_space<vmem>> -> memref<1x128x80xf32, #tpu.memory_space<vmem>>
      %dma_wait3A_185 = tpu.memref_squeeze %dma_wait3A_184 : memref<1x128x80xf32, #tpu.memory_space<vmem>> -> memref<128x80xf32, #tpu.memory_space<vmem>>
      %dma_wait3A_186 = arith.constant 0 : i32
      %dma_wait3A_187 = tpu.memref_slice %arg4[%add3A_116, %dma_wait3A_186] : memref<131072x80xf32, #tpu.memory_space<hbm>> -> memref<128x80xf32, #tpu.memory_space<hbm>>
      %dma_wait3A_188 = arith.constant 0 : i32
      %dma_wait3A_189 = tpu.memref_slice %arg4[%add3A_116, %dma_wait3A_188] : memref<131072x80xf32, #tpu.memory_space<hbm>> -> memref<128x80xf32, #tpu.memory_space<hbm>>
      %dma_wait3A_190 = arith.constant 0 : i32
      %dma_wait3A_191 = arith.constant 0 : i32
      %dma_wait3A_192 = tpu.memref_slice %arg6[%dma_wait3A_181, %dma_wait3A_190, %dma_wait3A_191] : memref<4x128x80xf32, #tpu.memory_space<vmem>> -> memref<1x128x80xf32, #tpu.memory_space<vmem>>
      %dma_wait3A_193 = tpu.memref_squeeze %dma_wait3A_192 : memref<1x128x80xf32, #tpu.memory_space<vmem>> -> memref<128x80xf32, #tpu.memory_space<vmem>>
      tpu.wait_dma2 semaphore(%arg13 : memref<!tpu.dma_semaphore, #tpu.memory_space<semaphore_mem>>) src(%dma_wait3A_193 : memref<128x80xf32, #tpu.memory_space<vmem>>) dst(%dma_wait3A_189 : memref<128x80xf32, #tpu.memory_space<hbm>>)
      %dma_wait3A_194 = arith.constant 3 : i32
      %dma_wait3A_195 = arith.constant 0 : i32
      %dma_wait3A_196 = arith.constant 0 : i32
      %dma_wait3A_197 = tpu.memref_slice %arg6[%dma_wait3A_194, %dma_wait3A_195, %dma_wait3A_196] : memref<4x128x80xf32, #tpu.memory_space<vmem>> -> memref<1x128x80xf32, #tpu.memory_space<vmem>>
      %dma_wait3A_198 = tpu.memref_squeeze %dma_wait3A_197 : memref<1x128x80xf32, #tpu.memory_space<vmem>> -> memref<128x80xf32, #tpu.memory_space<vmem>>
      %dma_wait3A_199 = arith.constant 0 : i32
      %dma_wait3A_200 = tpu.memref_slice %arg4[%add3A_141, %dma_wait3A_199] : memref<131072x80xf32, #tpu.memory_space<hbm>> -> memref<128x80xf32, #tpu.memory_space<hbm>>
      %dma_wait3A_201 = arith.constant 0 : i32
      %dma_wait3A_202 = tpu.memref_slice %arg4[%add3A_141, %dma_wait3A_201] : memref<131072x80xf32, #tpu.memory_space<hbm>> -> memref<128x80xf32, #tpu.memory_space<hbm>>
      %dma_wait3A_203 = arith.constant 0 : i32
      %dma_wait3A_204 = arith.constant 0 : i32
      %dma_wait3A_205 = tpu.memref_slice %arg6[%dma_wait3A_194, %dma_wait3A_203, %dma_wait3A_204] : memref<4x128x80xf32, #tpu.memory_space<vmem>> -> memref<1x128x80xf32, #tpu.memory_space<vmem>>
      %dma_wait3A_206 = tpu.memref_squeeze %dma_wait3A_205 : memref<1x128x80xf32, #tpu.memory_space<vmem>> -> memref<128x80xf32, #tpu.memory_space<vmem>>
      tpu.wait_dma2 semaphore(%arg14 : memref<!tpu.dma_semaphore, #tpu.memory_space<semaphore_mem>>) src(%dma_wait3A_206 : memref<128x80xf32, #tpu.memory_space<vmem>>) dst(%dma_wait3A_202 : memref<128x80xf32, #tpu.memory_space<hbm>>)
    }
    %scan3A_7 = arith.constant 8 : i32
    return
  }
}

#map = affine_map<(d0, d1) -> (0, 0)>
#map1 = affine_map<(d0, d1) -> (0)>
module attributes {stable_mosaic.version = 14 : i64} {
  func.func @gather(%arg0: i32, %arg1: i32, %arg2: memref<8192x80xf32, #tpu.memory_space<hbm>>, %arg3: memref<131072xi32, #tpu.memory_space<hbm>>, %arg4: memref<131072x80xf32, #tpu.memory_space<hbm>>, %arg5: memref<4096xi32, #tpu.memory_space<vmem>>, %arg6: memref<4x128x80xf32, #tpu.memory_space<vmem>>, %arg7: memref<!tpu.dma_semaphore, #tpu.memory_space<semaphore_mem>>, %arg8: memref<!tpu.dma_semaphore, #tpu.memory_space<semaphore_mem>>, %arg9: memref<!tpu.dma_semaphore, #tpu.memory_space<semaphore_mem>>, %arg10: memref<!tpu.dma_semaphore, #tpu.memory_space<semaphore_mem>>, %arg11: memref<!tpu.dma_semaphore, #tpu.memory_space<semaphore_mem>>, %arg12: memref<!tpu.dma_semaphore, #tpu.memory_space<semaphore_mem>>, %arg13: memref<!tpu.dma_semaphore, #tpu.memory_space<semaphore_mem>>, %arg14: memref<!tpu.dma_semaphore, #tpu.memory_space<semaphore_mem>>) attributes {dimension_semantics = [#tpu.dimension_semantics<core_parallel>, #tpu.dimension_semantics<subcore_parallel>], iteration_bounds = array<i64: 2, 16>, scalar_prefetch = 0 : i64, scratch_operands = 10 : i64, tpu.core_type = #tpu.core_type<sc_vector_subcore>, window_params = [{transform_indices = #map}, {transform_indices = #map1}, {transform_indices = #map}]} {
    %mul3A = arith.constant 2 : i32
    %mul3A_0 = arith.muli %arg1, %mul3A : i32
    %add3A = arith.addi %mul3A_0, %arg0 : i32
    %mul3A_1 = arith.constant 4096 : i32
    %mul3A_2 = arith.muli %add3A, %mul3A_1 : i32
    "tpu.region"() ({
      %run_scoped3A = tpu.sem_alloc : memref<!tpu.dma_semaphore, #tpu.memory_space<semaphore_mem>>
      %dma_start3A = tpu.memref_slice %arg3[%mul3A_2] : memref<131072xi32, #tpu.memory_space<hbm>> -> memref<4096xi32, #tpu.memory_space<hbm>>
      %dma_start3A_8 = tpu.memref_slice %arg3[%mul3A_2] : memref<131072xi32, #tpu.memory_space<hbm>> -> memref<4096xi32, #tpu.memory_space<hbm>>
      tpu.enqueue_dma source(%dma_start3A_8 : memref<4096xi32, #tpu.memory_space<hbm>>) target(%arg5 : memref<4096xi32, #tpu.memory_space<vmem>>) target_semaphore(%run_scoped3A : memref<!tpu.dma_semaphore, #tpu.memory_space<semaphore_mem>>)
      %dma_wait3A = tpu.memref_slice %arg3[%mul3A_2] : memref<131072xi32, #tpu.memory_space<hbm>> -> memref<4096xi32, #tpu.memory_space<hbm>>
      %dma_wait3A_9 = tpu.memref_slice %arg3[%mul3A_2] : memref<131072xi32, #tpu.memory_space<hbm>> -> memref<4096xi32, #tpu.memory_space<hbm>>
      tpu.wait_dma2 semaphore(%run_scoped3A : memref<!tpu.dma_semaphore, #tpu.memory_space<semaphore_mem>>) src(%dma_wait3A_9 : memref<4096xi32, #tpu.memory_space<hbm>>) dst(%arg5 : memref<4096xi32, #tpu.memory_space<vmem>>)
      tpu.yield
    }) : () -> ()
    %scan3A = arith.constant 0 : i32
    %scan3A_3 = arith.constant 0 : i32
    %scan3A_4 = arith.constant 8 : i32
    %scan3A_5 = arith.addi %scan3A_3, %scan3A_4 : i32
    %scan3A_6 = arith.constant 1 : i32
    scf.for %scan3A_8 = %scan3A_3 to %scan3A_5 step %scan3A_6  : i32 {
      %mul3A_9 = arith.constant 4 : i32
      %mul3A_10 = arith.muli %scan3A_8, %mul3A_9 : i32
      %mul3A_11 = arith.constant 128 : i32
      %mul3A_12 = arith.muli %mul3A_10, %mul3A_11 : i32
      %add3A_13 = arith.constant 0 : i32
      %add3A_14 = arith.addi %mul3A_12, %add3A_13 : i32
      %dma_start3A = arith.constant 0 : i32
      %dma_start3A_15 = arith.constant 0 : i32
      %dma_start3A_16 = arith.constant 0 : i32
      %dma_start3A_17 = tpu.memref_slice %arg6[%dma_start3A, %dma_start3A_15, %dma_start3A_16] : memref<4x128x80xf32, #tpu.memory_space<vmem>> -> memref<1x128x80xf32, #tpu.memory_space<vmem>>
      %dma_start3A_18 = tpu.memref_squeeze %dma_start3A_17 : memref<1x128x80xf32, #tpu.memory_space<vmem>> -> memref<128x80xf32, #tpu.memory_space<vmem>>
      %dma_start3A_19 = tpu.memref_slice %arg5[%add3A_14] : memref<4096xi32, #tpu.memory_space<vmem>> -> memref<128xi32, #tpu.memory_space<vmem>>
      %dma_start3A_20 = arith.constant 0 : i32
      %dma_start3A_21 = arith.constant 0 : i32
      %dma_start3A_22 = tpu.memref_slice %arg2[%dma_start3A_20, %dma_start3A_21] : memref<8192x80xf32, #tpu.memory_space<hbm>> -> memref<8192x80xf32, #tpu.memory_space<hbm>>
      tpu.enqueue_indirect_dma source(%dma_start3A_22 : memref<8192x80xf32, #tpu.memory_space<hbm>>) target(%dma_start3A_18 : memref<128x80xf32, #tpu.memory_space<vmem>>) offsets(%dma_start3A_19 : memref<128xi32, #tpu.memory_space<vmem>>) semaphore(%arg7 : memref<!tpu.dma_semaphore, #tpu.memory_space<semaphore_mem>>)
      %add3A_23 = arith.constant 128 : i32
      %add3A_24 = arith.addi %mul3A_12, %add3A_23 : i32
      %dma_start3A_25 = arith.constant 1 : i32
      %dma_start3A_26 = arith.constant 0 : i32
      %dma_start3A_27 = arith.constant 0 : i32
      %dma_start3A_28 = tpu.memref_slice %arg6[%dma_start3A_25, %dma_start3A_26, %dma_start3A_27] : memref<4x128x80xf32, #tpu.memory_space<vmem>> -> memref<1x128x80xf32, #tpu.memory_space<vmem>>
      %dma_start3A_29 = tpu.memref_squeeze %dma_start3A_28 : memref<1x128x80xf32, #tpu.memory_space<vmem>> -> memref<128x80xf32, #tpu.memory_space<vmem>>
      %dma_start3A_30 = tpu.memref_slice %arg5[%add3A_24] : memref<4096xi32, #tpu.memory_space<vmem>> -> memref<128xi32, #tpu.memory_space<vmem>>
      %dma_start3A_31 = arith.constant 0 : i32
      %dma_start3A_32 = arith.constant 0 : i32
      %dma_start3A_33 = tpu.memref_slice %arg2[%dma_start3A_31, %dma_start3A_32] : memref<8192x80xf32, #tpu.memory_space<hbm>> -> memref<8192x80xf32, #tpu.memory_space<hbm>>
      tpu.enqueue_indirect_dma source(%dma_start3A_33 : memref<8192x80xf32, #tpu.memory_space<hbm>>) target(%dma_start3A_29 : memref<128x80xf32, #tpu.memory_space<vmem>>) offsets(%dma_start3A_30 : memref<128xi32, #tpu.memory_space<vmem>>) semaphore(%arg8 : memref<!tpu.dma_semaphore, #tpu.memory_space<semaphore_mem>>)
      %add3A_34 = arith.constant 256 : i32
      %add3A_35 = arith.addi %mul3A_12, %add3A_34 : i32
      %dma_start3A_36 = arith.constant 2 : i32
      %dma_start3A_37 = arith.constant 0 : i32
      %dma_start3A_38 = arith.constant 0 : i32
      %dma_start3A_39 = tpu.memref_slice %arg6[%dma_start3A_36, %dma_start3A_37, %dma_start3A_38] : memref<4x128x80xf32, #tpu.memory_space<vmem>> -> memref<1x128x80xf32, #tpu.memory_space<vmem>>
      %dma_start3A_40 = tpu.memref_squeeze %dma_start3A_39 : memref<1x128x80xf32, #tpu.memory_space<vmem>> -> memref<128x80xf32, #tpu.memory_space<vmem>>
      %dma_start3A_41 = tpu.memref_slice %arg5[%add3A_35] : memref<4096xi32, #tpu.memory_space<vmem>> -> memref<128xi32, #tpu.memory_space<vmem>>
      %dma_start3A_42 = arith.constant 0 : i32
      %dma_start3A_43 = arith.constant 0 : i32
      %dma_start3A_44 = tpu.memref_slice %arg2[%dma_start3A_42, %dma_start3A_43] : memref<8192x80xf32, #tpu.memory_space<hbm>> -> memref<8192x80xf32, #tpu.memory_space<hbm>>
      tpu.enqueue_indirect_dma source(%dma_start3A_44 : memref<8192x80xf32, #tpu.memory_space<hbm>>) target(%dma_start3A_40 : memref<128x80xf32, #tpu.memory_space<vmem>>) offsets(%dma_start3A_41 : memref<128xi32, #tpu.memory_space<vmem>>) semaphore(%arg9 : memref<!tpu.dma_semaphore, #tpu.memory_space<semaphore_mem>>)
      %add3A_45 = arith.constant 384 : i32
      %add3A_46 = arith.addi %mul3A_12, %add3A_45 : i32
      %dma_start3A_47 = arith.constant 3 : i32
      %dma_start3A_48 = arith.constant 0 : i32
      %dma_start3A_49 = arith.constant 0 : i32
      %dma_start3A_50 = tpu.memref_slice %arg6[%dma_start3A_47, %dma_start3A_48, %dma_start3A_49] : memref<4x128x80xf32, #tpu.memory_space<vmem>> -> memref<1x128x80xf32, #tpu.memory_space<vmem>>
      %dma_start3A_51 = tpu.memref_squeeze %dma_start3A_50 : memref<1x128x80xf32, #tpu.memory_space<vmem>> -> memref<128x80xf32, #tpu.memory_space<vmem>>
      %dma_start3A_52 = tpu.memref_slice %arg5[%add3A_46] : memref<4096xi32, #tpu.memory_space<vmem>> -> memref<128xi32, #tpu.memory_space<vmem>>
      %dma_start3A_53 = arith.constant 0 : i32
      %dma_start3A_54 = arith.constant 0 : i32
      %dma_start3A_55 = tpu.memref_slice %arg2[%dma_start3A_53, %dma_start3A_54] : memref<8192x80xf32, #tpu.memory_space<hbm>> -> memref<8192x80xf32, #tpu.memory_space<hbm>>
      tpu.enqueue_indirect_dma source(%dma_start3A_55 : memref<8192x80xf32, #tpu.memory_space<hbm>>) target(%dma_start3A_51 : memref<128x80xf32, #tpu.memory_space<vmem>>) offsets(%dma_start3A_52 : memref<128xi32, #tpu.memory_space<vmem>>) semaphore(%arg10 : memref<!tpu.dma_semaphore, #tpu.memory_space<semaphore_mem>>)
      %dma_wait3A = arith.constant 0 : i32
      %dma_wait3A_56 = arith.constant 0 : i32
      %dma_wait3A_57 = arith.constant 0 : i32
      %dma_wait3A_58 = tpu.memref_slice %arg6[%dma_wait3A, %dma_wait3A_56, %dma_wait3A_57] : memref<4x128x80xf32, #tpu.memory_space<vmem>> -> memref<1x128x80xf32, #tpu.memory_space<vmem>>
      %dma_wait3A_59 = tpu.memref_squeeze %dma_wait3A_58 : memref<1x128x80xf32, #tpu.memory_space<vmem>> -> memref<128x80xf32, #tpu.memory_space<vmem>>
      %dma_wait3A_60 = tpu.memref_slice %arg5[%add3A_14] : memref<4096xi32, #tpu.memory_space<vmem>> -> memref<128xi32, #tpu.memory_space<vmem>>
      %dma_wait3A_61 = arith.constant 0 : i32
      %dma_wait3A_62 = arith.constant 0 : i32
      %dma_wait3A_63 = tpu.memref_slice %arg2[%dma_wait3A_61, %dma_wait3A_62] : memref<8192x80xf32, #tpu.memory_space<hbm>> -> memref<8192x80xf32, #tpu.memory_space<hbm>>
      tpu.wait_indirect_dma semaphore(%arg7 : memref<!tpu.dma_semaphore, #tpu.memory_space<semaphore_mem>>) src(%dma_wait3A_63 : memref<8192x80xf32, #tpu.memory_space<hbm>>) dst(%dma_wait3A_59 : memref<128x80xf32, #tpu.memory_space<vmem>>)
      %add3A_64 = arith.addi %mul3A_2, %mul3A_12 : i32
      %add3A_65 = arith.constant 0 : i32
      %add3A_66 = arith.addi %add3A_64, %add3A_65 : i32
      %dma_start3A_67 = arith.constant 0 : i32
      %dma_start3A_68 = arith.constant 0 : i32
      %dma_start3A_69 = arith.constant 0 : i32
      %dma_start3A_70 = tpu.memref_slice %arg6[%dma_start3A_67, %dma_start3A_68, %dma_start3A_69] : memref<4x128x80xf32, #tpu.memory_space<vmem>> -> memref<1x128x80xf32, #tpu.memory_space<vmem>>
      %dma_start3A_71 = tpu.memref_squeeze %dma_start3A_70 : memref<1x128x80xf32, #tpu.memory_space<vmem>> -> memref<128x80xf32, #tpu.memory_space<vmem>>
      %dma_start3A_72 = arith.constant 0 : i32
      %dma_start3A_73 = tpu.memref_slice %arg4[%add3A_66, %dma_start3A_72] : memref<131072x80xf32, #tpu.memory_space<hbm>> -> memref<128x80xf32, #tpu.memory_space<hbm>>
      %dma_start3A_74 = arith.constant 0 : i32
      %dma_start3A_75 = tpu.memref_slice %arg4[%add3A_66, %dma_start3A_74] : memref<131072x80xf32, #tpu.memory_space<hbm>> -> memref<128x80xf32, #tpu.memory_space<hbm>>
      %dma_start3A_76 = arith.constant 0 : i32
      %dma_start3A_77 = arith.constant 0 : i32
      %dma_start3A_78 = tpu.memref_slice %arg6[%dma_start3A_67, %dma_start3A_76, %dma_start3A_77] : memref<4x128x80xf32, #tpu.memory_space<vmem>> -> memref<1x128x80xf32, #tpu.memory_space<vmem>>
      %dma_start3A_79 = tpu.memref_squeeze %dma_start3A_78 : memref<1x128x80xf32, #tpu.memory_space<vmem>> -> memref<128x80xf32, #tpu.memory_space<vmem>>
      tpu.enqueue_dma source(%dma_start3A_79 : memref<128x80xf32, #tpu.memory_space<vmem>>) target(%dma_start3A_75 : memref<128x80xf32, #tpu.memory_space<hbm>>) target_semaphore(%arg11 : memref<!tpu.dma_semaphore, #tpu.memory_space<semaphore_mem>>)
      %dma_wait3A_80 = arith.constant 1 : i32
      %dma_wait3A_81 = arith.constant 0 : i32
      %dma_wait3A_82 = arith.constant 0 : i32
      %dma_wait3A_83 = tpu.memref_slice %arg6[%dma_wait3A_80, %dma_wait3A_81, %dma_wait3A_82] : memref<4x128x80xf32, #tpu.memory_space<vmem>> -> memref<1x128x80xf32, #tpu.memory_space<vmem>>
      %dma_wait3A_84 = tpu.memref_squeeze %dma_wait3A_83 : memref<1x128x80xf32, #tpu.memory_space<vmem>> -> memref<128x80xf32, #tpu.memory_space<vmem>>
      %dma_wait3A_85 = tpu.memref_slice %arg5[%add3A_24] : memref<4096xi32, #tpu.memory_space<vmem>> -> memref<128xi32, #tpu.memory_space<vmem>>
      %dma_wait3A_86 = arith.constant 0 : i32
      %dma_wait3A_87 = arith.constant 0 : i32
      %dma_wait3A_88 = tpu.memref_slice %arg2[%dma_wait3A_86, %dma_wait3A_87] : memref<8192x80xf32, #tpu.memory_space<hbm>> -> memref<8192x80xf32, #tpu.memory_space<hbm>>
      tpu.wait_indirect_dma semaphore(%arg8 : memref<!tpu.dma_semaphore, #tpu.memory_space<semaphore_mem>>) src(%dma_wait3A_88 : memref<8192x80xf32, #tpu.memory_space<hbm>>) dst(%dma_wait3A_84 : memref<128x80xf32, #tpu.memory_space<vmem>>)
      %add3A_89 = arith.addi %mul3A_2, %mul3A_12 : i32
      %add3A_90 = arith.constant 128 : i32
      %add3A_91 = arith.addi %add3A_89, %add3A_90 : i32
      %dma_start3A_92 = arith.constant 1 : i32
      %dma_start3A_93 = arith.constant 0 : i32
      %dma_start3A_94 = arith.constant 0 : i32
      %dma_start3A_95 = tpu.memref_slice %arg6[%dma_start3A_92, %dma_start3A_93, %dma_start3A_94] : memref<4x128x80xf32, #tpu.memory_space<vmem>> -> memref<1x128x80xf32, #tpu.memory_space<vmem>>
      %dma_start3A_96 = tpu.memref_squeeze %dma_start3A_95 : memref<1x128x80xf32, #tpu.memory_space<vmem>> -> memref<128x80xf32, #tpu.memory_space<vmem>>
      %dma_start3A_97 = arith.constant 0 : i32
      %dma_start3A_98 = tpu.memref_slice %arg4[%add3A_91, %dma_start3A_97] : memref<131072x80xf32, #tpu.memory_space<hbm>> -> memref<128x80xf32, #tpu.memory_space<hbm>>
      %dma_start3A_99 = arith.constant 0 : i32
      %dma_start3A_100 = tpu.memref_slice %arg4[%add3A_91, %dma_start3A_99] : memref<131072x80xf32, #tpu.memory_space<hbm>> -> memref<128x80xf32, #tpu.memory_space<hbm>>
      %dma_start3A_101 = arith.constant 0 : i32
      %dma_start3A_102 = arith.constant 0 : i32
      %dma_start3A_103 = tpu.memref_slice %arg6[%dma_start3A_92, %dma_start3A_101, %dma_start3A_102] : memref<4x128x80xf32, #tpu.memory_space<vmem>> -> memref<1x128x80xf32, #tpu.memory_space<vmem>>
      %dma_start3A_104 = tpu.memref_squeeze %dma_start3A_103 : memref<1x128x80xf32, #tpu.memory_space<vmem>> -> memref<128x80xf32, #tpu.memory_space<vmem>>
      tpu.enqueue_dma source(%dma_start3A_104 : memref<128x80xf32, #tpu.memory_space<vmem>>) target(%dma_start3A_100 : memref<128x80xf32, #tpu.memory_space<hbm>>) target_semaphore(%arg12 : memref<!tpu.dma_semaphore, #tpu.memory_space<semaphore_mem>>)
      %dma_wait3A_105 = arith.constant 2 : i32
      %dma_wait3A_106 = arith.constant 0 : i32
      %dma_wait3A_107 = arith.constant 0 : i32
      %dma_wait3A_108 = tpu.memref_slice %arg6[%dma_wait3A_105, %dma_wait3A_106, %dma_wait3A_107] : memref<4x128x80xf32, #tpu.memory_space<vmem>> -> memref<1x128x80xf32, #tpu.memory_space<vmem>>
      %dma_wait3A_109 = tpu.memref_squeeze %dma_wait3A_108 : memref<1x128x80xf32, #tpu.memory_space<vmem>> -> memref<128x80xf32, #tpu.memory_space<vmem>>
      %dma_wait3A_110 = tpu.memref_slice %arg5[%add3A_35] : memref<4096xi32, #tpu.memory_space<vmem>> -> memref<128xi32, #tpu.memory_space<vmem>>
      %dma_wait3A_111 = arith.constant 0 : i32
      %dma_wait3A_112 = arith.constant 0 : i32
      %dma_wait3A_113 = tpu.memref_slice %arg2[%dma_wait3A_111, %dma_wait3A_112] : memref<8192x80xf32, #tpu.memory_space<hbm>> -> memref<8192x80xf32, #tpu.memory_space<hbm>>
      tpu.wait_indirect_dma semaphore(%arg9 : memref<!tpu.dma_semaphore, #tpu.memory_space<semaphore_mem>>) src(%dma_wait3A_113 : memref<8192x80xf32, #tpu.memory_space<hbm>>) dst(%dma_wait3A_109 : memref<128x80xf32, #tpu.memory_space<vmem>>)
      %add3A_114 = arith.addi %mul3A_2, %mul3A_12 : i32
      %add3A_115 = arith.constant 256 : i32
      %add3A_116 = arith.addi %add3A_114, %add3A_115 : i32
      %dma_start3A_117 = arith.constant 2 : i32
      %dma_start3A_118 = arith.constant 0 : i32
      %dma_start3A_119 = arith.constant 0 : i32
      %dma_start3A_120 = tpu.memref_slice %arg6[%dma_start3A_117, %dma_start3A_118, %dma_start3A_119] : memref<4x128x80xf32, #tpu.memory_space<vmem>> -> memref<1x128x80xf32, #tpu.memory_space<vmem>>
      %dma_start3A_121 = tpu.memref_squeeze %dma_start3A_120 : memref<1x128x80xf32, #tpu.memory_space<vmem>> -> memref<128x80xf32, #tpu.memory_space<vmem>>
      %dma_start3A_122 = arith.constant 0 : i32
      %dma_start3A_123 = tpu.memref_slice %arg4[%add3A_116, %dma_start3A_122] : memref<131072x80xf32, #tpu.memory_space<hbm>> -> memref<128x80xf32, #tpu.memory_space<hbm>>
      %dma_start3A_124 = arith.constant 0 : i32
      %dma_start3A_125 = tpu.memref_slice %arg4[%add3A_116, %dma_start3A_124] : memref<131072x80xf32, #tpu.memory_space<hbm>> -> memref<128x80xf32, #tpu.memory_space<hbm>>
      %dma_start3A_126 = arith.constant 0 : i32
      %dma_start3A_127 = arith.constant 0 : i32
      %dma_start3A_128 = tpu.memref_slice %arg6[%dma_start3A_117, %dma_start3A_126, %dma_start3A_127] : memref<4x128x80xf32, #tpu.memory_space<vmem>> -> memref<1x128x80xf32, #tpu.memory_space<vmem>>
      %dma_start3A_129 = tpu.memref_squeeze %dma_start3A_128 : memref<1x128x80xf32, #tpu.memory_space<vmem>> -> memref<128x80xf32, #tpu.memory_space<vmem>>
      tpu.enqueue_dma source(%dma_start3A_129 : memref<128x80xf32, #tpu.memory_space<vmem>>) target(%dma_start3A_125 : memref<128x80xf32, #tpu.memory_space<hbm>>) target_semaphore(%arg13 : memref<!tpu.dma_semaphore, #tpu.memory_space<semaphore_mem>>)
      %dma_wait3A_130 = arith.constant 3 : i32
      %dma_wait3A_131 = arith.constant 0 : i32
      %dma_wait3A_132 = arith.constant 0 : i32
      %dma_wait3A_133 = tpu.memref_slice %arg6[%dma_wait3A_130, %dma_wait3A_131, %dma_wait3A_132] : memref<4x128x80xf32, #tpu.memory_space<vmem>> -> memref<1x128x80xf32, #tpu.memory_space<vmem>>
      %dma_wait3A_134 = tpu.memref_squeeze %dma_wait3A_133 : memref<1x128x80xf32, #tpu.memory_space<vmem>> -> memref<128x80xf32, #tpu.memory_space<vmem>>
      %dma_wait3A_135 = tpu.memref_slice %arg5[%add3A_46] : memref<4096xi32, #tpu.memory_space<vmem>> -> memref<128xi32, #tpu.memory_space<vmem>>
      %dma_wait3A_136 = arith.constant 0 : i32
      %dma_wait3A_137 = arith.constant 0 : i32
      %dma_wait3A_138 = tpu.memref_slice %arg2[%dma_wait3A_136, %dma_wait3A_137] : memref<8192x80xf32, #tpu.memory_space<hbm>> -> memref<8192x80xf32, #tpu.memory_space<hbm>>
      tpu.wait_indirect_dma semaphore(%arg10 : memref<!tpu.dma_semaphore, #tpu.memory_space<semaphore_mem>>) src(%dma_wait3A_138 : memref<8192x80xf32, #tpu.memory_space<hbm>>) dst(%dma_wait3A_134 : memref<128x80xf32, #tpu.memory_space<vmem>>)
      %add3A_139 = arith.addi %mul3A_2, %mul3A_12 : i32
      %add3A_140 = arith.constant 384 : i32
      %add3A_141 = arith.addi %add3A_139, %add3A_140 : i32
      %dma_start3A_142 = arith.constant 3 : i32
      %dma_start3A_143 = arith.constant 0 : i32
      %dma_start3A_144 = arith.constant 0 : i32
      %dma_start3A_145 = tpu.memref_slice %arg6[%dma_start3A_142, %dma_start3A_143, %dma_start3A_144] : memref<4x128x80xf32, #tpu.memory_space<vmem>> -> memref<1x128x80xf32, #tpu.memory_space<vmem>>
      %dma_start3A_146 = tpu.memref_squeeze %dma_start3A_145 : memref<1x128x80xf32, #tpu.memory_space<vmem>> -> memref<128x80xf32, #tpu.memory_space<vmem>>
      %dma_start3A_147 = arith.constant 0 : i32
      %dma_start3A_148 = tpu.memref_slice %arg4[%add3A_141, %dma_start3A_147] : memref<131072x80xf32, #tpu.memory_space<hbm>> -> memref<128x80xf32, #tpu.memory_space<hbm>>
      %dma_start3A_149 = arith.constant 0 : i32
      %dma_start3A_150 = tpu.memref_slice %arg4[%add3A_141, %dma_start3A_149] : memref<131072x80xf32, #tpu.memory_space<hbm>> -> memref<128x80xf32, #tpu.memory_space<hbm>>
      %dma_start3A_151 = arith.constant 0 : i32
      %dma_start3A_152 = arith.constant 0 : i32
      %dma_start3A_153 = tpu.memref_slice %arg6[%dma_start3A_142, %dma_start3A_151, %dma_start3A_152] : memref<4x128x80xf32, #tpu.memory_space<vmem>> -> memref<1x128x80xf32, #tpu.memory_space<vmem>>
      %dma_start3A_154 = tpu.memref_squeeze %dma_start3A_153 : memref<1x128x80xf32, #tpu.memory_space<vmem>> -> memref<128x80xf32, #tpu.memory_space<vmem>>
      tpu.enqueue_dma source(%dma_start3A_154 : memref<128x80xf32, #tpu.memory_space<vmem>>) target(%dma_start3A_150 : memref<128x80xf32, #tpu.memory_space<hbm>>) target_semaphore(%arg14 : memref<!tpu.dma_semaphore, #tpu.memory_space<semaphore_mem>>)
      %dma_wait3A_155 = arith.constant 0 : i32
      %dma_wait3A_156 = arith.constant 0 : i32
      %dma_wait3A_157 = arith.constant 0 : i32
      %dma_wait3A_158 = tpu.memref_slice %arg6[%dma_wait3A_155, %dma_wait3A_156, %dma_wait3A_157] : memref<4x128x80xf32, #tpu.memory_space<vmem>> -> memref<1x128x80xf32, #tpu.memory_space<vmem>>
      %dma_wait3A_159 = tpu.memref_squeeze %dma_wait3A_158 : memref<1x128x80xf32, #tpu.memory_space<vmem>> -> memref<128x80xf32, #tpu.memory_space<vmem>>
      %dma_wait3A_160 = arith.constant 0 : i32
      %dma_wait3A_161 = tpu.memref_slice %arg4[%add3A_66, %dma_wait3A_160] : memref<131072x80xf32, #tpu.memory_space<hbm>> -> memref<128x80xf32, #tpu.memory_space<hbm>>
      %dma_wait3A_162 = arith.constant 0 : i32
      %dma_wait3A_163 = tpu.memref_slice %arg4[%add3A_66, %dma_wait3A_162] : memref<131072x80xf32, #tpu.memory_space<hbm>> -> memref<128x80xf32, #tpu.memory_space<hbm>>
      %dma_wait3A_164 = arith.constant 0 : i32
      %dma_wait3A_165 = arith.constant 0 : i32
      %dma_wait3A_166 = tpu.memref_slice %arg6[%dma_wait3A_155, %dma_wait3A_164, %dma_wait3A_165] : memref<4x128x80xf32, #tpu.memory_space<vmem>> -> memref<1x128x80xf32, #tpu.memory_space<vmem>>
      %dma_wait3A_167 = tpu.memref_squeeze %dma_wait3A_166 : memref<1x128x80xf32, #tpu.memory_space<vmem>> -> memref<128x80xf32, #tpu.memory_space<vmem>>
      tpu.wait_dma2 semaphore(%arg11 : memref<!tpu.dma_semaphore, #tpu.memory_space<semaphore_mem>>) src(%dma_wait3A_167 : memref<128x80xf32, #tpu.memory_space<vmem>>) dst(%dma_wait3A_163 : memref<128x80xf32, #tpu.memory_space<hbm>>)
      %dma_wait3A_168 = arith.constant 1 : i32
      %dma_wait3A_169 = arith.constant 0 : i32
      %dma_wait3A_170 = arith.constant 0 : i32
      %dma_wait3A_171 = tpu.memref_slice %arg6[%dma_wait3A_168, %dma_wait3A_169, %dma_wait3A_170] : memref<4x128x80xf32, #tpu.memory_space<vmem>> -> memref<1x128x80xf32, #tpu.memory_space<vmem>>
      %dma_wait3A_172 = tpu.memref_squeeze %dma_wait3A_171 : memref<1x128x80xf32, #tpu.memory_space<vmem>> -> memref<128x80xf32, #tpu.memory_space<vmem>>
      %dma_wait3A_173 = arith.constant 0 : i32
      %dma_wait3A_174 = tpu.memref_slice %arg4[%add3A_91, %dma_wait3A_173] : memref<131072x80xf32, #tpu.memory_space<hbm>> -> memref<128x80xf32, #tpu.memory_space<hbm>>
      %dma_wait3A_175 = arith.constant 0 : i32
      %dma_wait3A_176 = tpu.memref_slice %arg4[%add3A_91, %dma_wait3A_175] : memref<131072x80xf32, #tpu.memory_space<hbm>> -> memref<128x80xf32, #tpu.memory_space<hbm>>
      %dma_wait3A_177 = arith.constant 0 : i32
      %dma_wait3A_178 = arith.constant 0 : i32
      %dma_wait3A_179 = tpu.memref_slice %arg6[%dma_wait3A_168, %dma_wait3A_177, %dma_wait3A_178] : memref<4x128x80xf32, #tpu.memory_space<vmem>> -> memref<1x128x80xf32, #tpu.memory_space<vmem>>
      %dma_wait3A_180 = tpu.memref_squeeze %dma_wait3A_179 : memref<1x128x80xf32, #tpu.memory_space<vmem>> -> memref<128x80xf32, #tpu.memory_space<vmem>>
      tpu.wait_dma2 semaphore(%arg12 : memref<!tpu.dma_semaphore, #tpu.memory_space<semaphore_mem>>) src(%dma_wait3A_180 : memref<128x80xf32, #tpu.memory_space<vmem>>) dst(%dma_wait3A_176 : memref<128x80xf32, #tpu.memory_space<hbm>>)
      %dma_wait3A_181 = arith.constant 2 : i32
      %dma_wait3A_182 = arith.constant 0 : i32
      %dma_wait3A_183 = arith.constant 0 : i32
      %dma_wait3A_184 = tpu.memref_slice %arg6[%dma_wait3A_181, %dma_wait3A_182, %dma_wait3A_183] : memref<4x128x80xf32, #tpu.memory_space<vmem>> -> memref<1x128x80xf32, #tpu.memory_space<vmem>>
      %dma_wait3A_185 = tpu.memref_squeeze %dma_wait3A_184 : memref<1x128x80xf32, #tpu.memory_space<vmem>> -> memref<128x80xf32, #tpu.memory_space<vmem>>
      %dma_wait3A_186 = arith.constant 0 : i32
      %dma_wait3A_187 = tpu.memref_slice %arg4[%add3A_116, %dma_wait3A_186] : memref<131072x80xf32, #tpu.memory_space<hbm>> -> memref<128x80xf32, #tpu.memory_space<hbm>>
      %dma_wait3A_188 = arith.constant 0 : i32
      %dma_wait3A_189 = tpu.memref_slice %arg4[%add3A_116, %dma_wait3A_188] : memref<131072x80xf32, #tpu.memory_space<hbm>> -> memref<128x80xf32, #tpu.memory_space<hbm>>
      %dma_wait3A_190 = arith.constant 0 : i32
      %dma_wait3A_191 = arith.constant 0 : i32
      %dma_wait3A_192 = tpu.memref_slice %arg6[%dma_wait3A_181, %dma_wait3A_190, %dma_wait3A_191] : memref<4x128x80xf32, #tpu.memory_space<vmem>> -> memref<1x128x80xf32, #tpu.memory_space<vmem>>
      %dma_wait3A_193 = tpu.memref_squeeze %dma_wait3A_192 : memref<1x128x80xf32, #tpu.memory_space<vmem>> -> memref<128x80xf32, #tpu.memory_space<vmem>>
      tpu.wait_dma2 semaphore(%arg13 : memref<!tpu.dma_semaphore, #tpu.memory_space<semaphore_mem>>) src(%dma_wait3A_193 : memref<128x80xf32, #tpu.memory_space<vmem>>) dst(%dma_wait3A_189 : memref<128x80xf32, #tpu.memory_space<hbm>>)
      %dma_wait3A_194 = arith.constant 3 : i32
      %dma_wait3A_195 = arith.constant 0 : i32
      %dma_wait3A_196 = arith.constant 0 : i32
      %dma_wait3A_197 = tpu.memref_slice %arg6[%dma_wait3A_194, %dma_wait3A_195, %dma_wait3A_196] : memref<4x128x80xf32, #tpu.memory_space<vmem>> -> memref<1x128x80xf32, #tpu.memory_space<vmem>>
      %dma_wait3A_198 = tpu.memref_squeeze %dma_wait3A_197 : memref<1x128x80xf32, #tpu.memory_space<vmem>> -> memref<128x80xf32, #tpu.memory_space<vmem>>
      %dma_wait3A_199 = arith.constant 0 : i32
      %dma_wait3A_200 = tpu.memref_slice %arg4[%add3A_141, %dma_wait3A_199] : memref<131072x80xf32, #tpu.memory_space<hbm>> -> memref<128x80xf32, #tpu.memory_space<hbm>>
      %dma_wait3A_201 = arith.constant 0 : i32
      %dma_wait3A_202 = tpu.memref_slice %arg4[%add3A_141, %dma_wait3A_201] : memref<131072x80xf32, #tpu.memory_space<hbm>> -> memref<128x80xf32, #tpu.memory_space<hbm>>
      %dma_wait3A_203 = arith.constant 0 : i32
      %dma_wait3A_204 = arith.constant 0 : i32
      %dma_wait3A_205 = tpu.memref_slice %arg6[%dma_wait3A_194, %dma_wait3A_203, %dma_wait3A_204] : memref<4x128x80xf32, #tpu.memory_space<vmem>> -> memref<1x128x80xf32, #tpu.memory_space<vmem>>
      %dma_wait3A_206 = tpu.memref_squeeze %dma_wait3A_205 : memref<1x128x80xf32, #tpu.memory_space<vmem>> -> memref<128x80xf32, #tpu.memory_space<vmem>>
      tpu.wait_dma2 semaphore(%arg14 : memref<!tpu.dma_semaphore, #tpu.memory_space<semaphore_mem>>) src(%dma_wait3A_206 : memref<128x80xf32, #tpu.memory_space<vmem>>) dst(%dma_wait3A_202 : memref<128x80xf32, #tpu.memory_space<hbm>>)
    }
    %scan3A_7 = arith.constant 8 : i32
    return
  }
}

module attributes {stable_mosaic.version = 14 : i64} {
  func.func @_emb_body(%arg0: memref<4096x6xf32, #tpu.memory_space<vmem>>, %arg1: memref<4096x3xf32, #tpu.memory_space<vmem>>, %arg2: memref<4096x32xf32, #tpu.memory_space<vmem>>, %arg3: memref<5x64xf32, #tpu.memory_space<vmem>>, %arg4: memref<1x64xf32, #tpu.memory_space<vmem>>, %arg5: memref<2x4096x80xf32, #tpu.memory_space<vmem>>, %arg6: memref<4096x8xf32, #tpu.memory_space<vmem>>) attributes {dimension_semantics = [], scalar_prefetch = 0 : i64, scratch_operands = 0 : i64, tpu.core_type = #tpu.core_type<tc>} {
    %get3A = arith.constant 0 : index
    %get3A_0 = arith.constant 0 : index
    %get3A_1 = vector.load %arg0[%get3A, %get3A_0] : memref<4096x6xf32, #tpu.memory_space<vmem>>, vector<4096x6xf32>
    %slice3A = vector.extract_strided_slice %get3A_1 {offsets = [0, 0], sizes = [4096, 2], strides = [1, 1]} : vector<4096x6xf32> to vector<4096x2xf32>
    %slice3A_2 = vector.extract_strided_slice %get3A_1 {offsets = [0, 2], sizes = [4096, 2], strides = [1, 1]} : vector<4096x6xf32> to vector<4096x2xf32>
    %slice3A_3 = vector.extract_strided_slice %get3A_1 {offsets = [0, 4], sizes = [4096, 2], strides = [1, 1]} : vector<4096x6xf32> to vector<4096x2xf32>
    %mul3A = arith.mulf %slice3A_2, %slice3A_2 : vector<4096x2xf32>
    %reduce_sum3A = arith.constant dense<0.000000e+00> : vector<4096xf32>
    %reduce_sum3A_4 = vector.multi_reduction <add>, %mul3A, %reduce_sum3A [1] : vector<4096x2xf32> to vector<4096xf32>
    %broadcast_in_dim3A = vector.shape_cast %reduce_sum3A_4 : vector<4096xf32> to vector<4096x1xf32>
    %add3A = arith.constant 9.99999996E-13 : f32
    %add3A_5 = vector.broadcast %add3A : f32 to vector<4096x1xf32>
    %add3A_6 = arith.addf %broadcast_in_dim3A, %add3A_5 : vector<4096x1xf32>
    %sqrt3A = math.sqrt %add3A_6 : vector<4096x1xf32>
    %mul3A_7 = arith.mulf %slice3A_3, %slice3A_3 : vector<4096x2xf32>
    %reduce_sum3A_8 = arith.constant dense<0.000000e+00> : vector<4096xf32>
    %reduce_sum3A_9 = vector.multi_reduction <add>, %mul3A_7, %reduce_sum3A_8 [1] : vector<4096x2xf32> to vector<4096xf32>
    %broadcast_in_dim3A_10 = vector.shape_cast %reduce_sum3A_9 : vector<4096xf32> to vector<4096x1xf32>
    %add3A_11 = arith.constant 9.99999996E-13 : f32
    %add3A_12 = vector.broadcast %add3A_11 : f32 to vector<4096x1xf32>
    %add3A_13 = arith.addf %broadcast_in_dim3A_10, %add3A_12 : vector<4096x1xf32>
    %sqrt3A_14 = math.sqrt %add3A_13 : vector<4096x1xf32>
    %get3A_15 = arith.constant 0 : index
    %get3A_16 = arith.constant 0 : index
    %get3A_17 = vector.load %arg1[%get3A_15, %get3A_16] : memref<4096x3xf32, #tpu.memory_space<vmem>>, vector<4096x3xf32>
    %concatenate3A = tpu.concatenate %sqrt3A, %sqrt3A_14, %get3A_17 in 1 : vector<4096x1xf32>, vector<4096x1xf32>, vector<4096x3xf32> -> vector<4096x5xf32>
    %get3A_18 = arith.constant 0 : index
    %get3A_19 = arith.constant 0 : index
    %get3A_20 = vector.load %arg3[%get3A_18, %get3A_19] : memref<5x64xf32, #tpu.memory_space<vmem>>, vector<5x64xf32>
    %convert_element_type3A = arith.truncf %concatenate3A : vector<4096x5xf32> to vector<4096x5xbf16>
    %convert_element_type3A_21 = arith.truncf %get3A_20 : vector<5x64xf32> to vector<5x64xbf16>
    %dot_general3A = arith.constant dense<0.000000e+00> : vector<4096x64xf32>
    %dot_general3A_22 = tpu.matmul %convert_element_type3A, %convert_element_type3A_21, %dot_general3A {dimension_numbers = #tpu.dot_dimension_numbers<[1], [0], [0], [1], [0, 0, 1, 1], [], []>, transpose_lhs_hint = false} : vector<4096x5xbf16>, vector<5x64xbf16>, vector<4096x64xf32> -> vector<4096x64xf32>
    %get3A_23 = arith.constant 0 : index
    %get3A_24 = arith.constant 0 : index
    %get3A_25 = vector.load %arg4[%get3A_23, %get3A_24] : memref<1x64xf32, #tpu.memory_space<vmem>>, vector<1x64xf32>
    %add3A_26 = vector.broadcast %get3A_25 : vector<1x64xf32> to vector<4096x64xf32>
    %add3A_27 = arith.addf %dot_general3A_22, %add3A_26 : vector<4096x64xf32>
    %get3A_28 = arith.constant 0 : index
    %get3A_29 = arith.constant 0 : index
    %get3A_30 = vector.load %arg2[%get3A_28, %get3A_29] : memref<4096x32xf32, #tpu.memory_space<vmem>>, vector<4096x32xf32>
    %reduce_sum3A_31 = arith.constant dense<0.000000e+00> : vector<4096xf32>
    %reduce_sum3A_32 = vector.multi_reduction <add>, %get3A_30, %reduce_sum3A_31 [1] : vector<4096x32xf32> to vector<4096xf32>
    %broadcast_in_dim3A_33 = vector.shape_cast %reduce_sum3A_32 : vector<4096xf32> to vector<4096x1xf32>
    %add3A_34 = arith.constant 9.99999997E-7 : f32
    %add3A_35 = vector.broadcast %add3A_34 : f32 to vector<4096x1xf32>
    %add3A_36 = arith.addf %broadcast_in_dim3A_33, %add3A_35 : vector<4096x1xf32>
    %broadcast_in_dim3A_37 = arith.constant 0.000000e+00 : f32
    %broadcast_in_dim3A_38 = vector.broadcast %broadcast_in_dim3A_37 : f32 to vector<4096x13xf32>
    %broadcast_in_dim3A_39 = arith.constant 0.000000e+00 : f32
    %broadcast_in_dim3A_40 = vector.broadcast %broadcast_in_dim3A_39 : f32 to vector<4096x64xf32>
    %concatenate3A_41 = tpu.concatenate %add3A_27, %slice3A, %add3A_36, %broadcast_in_dim3A_38 in 1 : vector<4096x64xf32>, vector<4096x2xf32>, vector<4096x1xf32>, vector<4096x13xf32> -> vector<4096x80xf32>
    %concatenate3A_42 = tpu.concatenate %broadcast_in_dim3A_40, %slice3A, %add3A_36, %broadcast_in_dim3A_38 in 1 : vector<4096x64xf32>, vector<4096x2xf32>, vector<4096x1xf32>, vector<4096x13xf32> -> vector<4096x80xf32>
    %broadcast_in_dim3A_43 = vector.shape_cast %concatenate3A_41 : vector<4096x80xf32> to vector<1x4096x80xf32>
    %broadcast_in_dim3A_44 = vector.shape_cast %concatenate3A_42 : vector<4096x80xf32> to vector<1x4096x80xf32>
    %concatenate3A_45 = tpu.concatenate %broadcast_in_dim3A_43, %broadcast_in_dim3A_44 in 0 : vector<1x4096x80xf32>, vector<1x4096x80xf32> -> vector<2x4096x80xf32>
    %swap3A = arith.constant 0 : index
    %swap3A_46 = arith.constant 0 : index
    %swap3A_47 = arith.constant 0 : index
    %swap3A_48 = vector.load %arg5[%swap3A, %swap3A_46, %swap3A_47] : memref<2x4096x80xf32, #tpu.memory_space<vmem>>, vector<2x4096x80xf32>
    tpu.vector_store %arg5[%swap3A, %swap3A_46, %swap3A_47], %concatenate3A_45 {strides = array<i32>} : memref<2x4096x80xf32, #tpu.memory_space<vmem>>, vector<2x4096x80xf32>,
    %broadcast_in_dim3A_49 = arith.constant 0.000000e+00 : f32
    %broadcast_in_dim3A_50 = vector.broadcast %broadcast_in_dim3A_49 : f32 to vector<4096x2xf32>
    %concatenate3A_51 = tpu.concatenate %slice3A, %slice3A_2, %slice3A_3, %broadcast_in_dim3A_50 in 1 : vector<4096x2xf32>, vector<4096x2xf32>, vector<4096x2xf32>, vector<4096x2xf32> -> vector<4096x8xf32>
    %swap3A_52 = arith.constant 0 : index
    %swap3A_53 = arith.constant 0 : index
    %swap3A_54 = vector.load %arg6[%swap3A_52, %swap3A_53] : memref<4096x8xf32, #tpu.memory_space<vmem>>, vector<4096x8xf32>
    tpu.vector_store %arg6[%swap3A_52, %swap3A_53], %concatenate3A_51 {strides = array<i32>} : memref<4096x8xf32, #tpu.memory_space<vmem>>, vector<4096x8xf32>,
    return
  }
}

module attributes {stable_mosaic.version = 14 : i64} {
  func.func @_layer_body(%arg0: i32, %arg1: memref<1x256x80xf32, #tpu.memory_space<vmem>>, %arg2: memref<256x8xf32, #tpu.memory_space<vmem>>, %arg3: memref<8192x80xf32, #tpu.memory_space<vmem>>, %arg4: memref<64x64xf32, #tpu.memory_space<vmem>>, %arg5: memref<64x64xf32, #tpu.memory_space<vmem>>, %arg6: memref<1x64xf32, #tpu.memory_space<vmem>>, %arg7: memref<1x64xf32, #tpu.memory_space<vmem>>, %arg8: memref<64x64xf32, #tpu.memory_space<vmem>>, %arg9: memref<1x64xf32, #tpu.memory_space<vmem>>, %arg10: memref<64x64xf32, #tpu.memory_space<vmem>>, %arg11: memref<1x64xf32, #tpu.memory_space<vmem>>, %arg12: memref<64x1xf32, #tpu.memory_space<vmem>>, %arg13: memref<1x1xf32, #tpu.memory_space<vmem>>, %arg14: memref<64x64xf32, #tpu.memory_space<vmem>>, %arg15: memref<1x64xf32, #tpu.memory_space<vmem>>, %arg16: memref<64x1xf32, #tpu.memory_space<vmem>>, %arg17: memref<1x1xf32, #tpu.memory_space<vmem>>, %arg18: memref<64x64xf32, #tpu.memory_space<vmem>>, %arg19: memref<64x64xf32, #tpu.memory_space<vmem>>, %arg20: memref<1x64xf32, #tpu.memory_space<vmem>>, %arg21: memref<64x64xf32, #tpu.memory_space<vmem>>, %arg22: memref<1x64xf32, #tpu.memory_space<vmem>>, %arg23: memref<2x256x80xf32, #tpu.memory_space<vmem>>, %arg24: memref<256x8xf32, #tpu.memory_space<vmem>>) attributes {dimension_semantics = [#tpu.dimension_semantics<arbitrary>], iteration_bounds = array<i64: 16>, scalar_prefetch = 0 : i64, scratch_operands = 0 : i64, tpu.core_type = #tpu.core_type<tc>, window_params = [{transform_indices = @transform_0, window_bounds = array<i64: 1, 256, 80>}, {transform_indices = @transform_1, window_bounds = array<i64: 256, 8>}, {transform_indices = @transform_2, window_bounds = array<i64: 8192, 80>}, {pipeline_mode = #tpu.pipeline_mode<synchronous>, transform_indices = @transform_3, window_bounds = array<i64: 64, 64>}, {pipeline_mode = #tpu.pipeline_mode<synchronous>, transform_indices = @transform_4, window_bounds = array<i64: 64, 64>}, {pipeline_mode = #tpu.pipeline_mode<synchronous>, transform_indices = @transform_5, window_bounds = array<i64: 1, 64>}, {pipeline_mode = #tpu.pipeline_mode<synchronous>, transform_indices = @transform_6, window_bounds = array<i64: 1, 64>}, {pipeline_mode = #tpu.pipeline_mode<synchronous>, transform_indices = @transform_7, window_bounds = array<i64: 64, 64>}, {pipeline_mode = #tpu.pipeline_mode<synchronous>, transform_indices = @transform_8, window_bounds = array<i64: 1, 64>}, {pipeline_mode = #tpu.pipeline_mode<synchronous>, transform_indices = @transform_9, window_bounds = array<i64: 64, 64>}, {pipeline_mode = #tpu.pipeline_mode<synchronous>, transform_indices = @transform_10, window_bounds = array<i64: 1, 64>}, {pipeline_mode = #tpu.pipeline_mode<synchronous>, transform_indices = @transform_11, window_bounds = array<i64: 64, 1>}, {pipeline_mode = #tpu.pipeline_mode<synchronous>, transform_indices = @transform_12, window_bounds = array<i64: 1, 1>}, {pipeline_mode = #tpu.pipeline_mode<synchronous>, transform_indices = @transform_13, window_bounds = array<i64: 64, 64>}, {pipeline_mode = #tpu.pipeline_mode<synchronous>, transform_indices = @transform_14, window_bounds = array<i64: 1, 64>}, {pipeline_mode = #tpu.pipeline_mode<synchronous>, transform_indices = @transform_15, window_bounds = array<i64: 64, 1>}, {pipeline_mode = #tpu.pipeline_mode<synchronous>, transform_indices = @transform_16, window_bounds = array<i64: 1, 1>}, {pipeline_mode = #tpu.pipeline_mode<synchronous>, transform_indices = @transform_17, window_bounds = array<i64: 64, 64>}, {pipeline_mode = #tpu.pipeline_mode<synchronous>, transform_indices = @transform_18, window_bounds = array<i64: 64, 64>}, {pipeline_mode = #tpu.pipeline_mode<synchronous>, transform_indices = @transform_19, window_bounds = array<i64: 1, 64>}, {pipeline_mode = #tpu.pipeline_mode<synchronous>, transform_indices = @transform_20, window_bounds = array<i64: 64, 64>}, {pipeline_mode = #tpu.pipeline_mode<synchronous>, transform_indices = @transform_21, window_bounds = array<i64: 1, 64>}, {transform_indices = @transform_22, window_bounds = array<i64: 2, 256, 80>}, {transform_indices = @transform_23, window_bounds = array<i64: 256, 8>}]} {
    %get3A = arith.constant 0 : index
    %get3A_0 = arith.constant 0 : index
    %get3A_1 = arith.constant 0 : index
    %get3A_2 = vector.load %arg1[%get3A, %get3A_0, %get3A_1] : memref<1x256x80xf32, #tpu.memory_space<vmem>>, vector<1x256x80xf32>
    %squeeze3A = vector.shape_cast %get3A_2 : vector<1x256x80xf32> to vector<256x80xf32>
    %slice3A = vector.extract_strided_slice %squeeze3A {offsets = [0, 0], sizes = [256, 64], strides = [1, 1]} : vector<256x80xf32> to vector<256x64xf32>
    %slice3A_3 = vector.extract_strided_slice %squeeze3A {offsets = [0, 64], sizes = [256, 2], strides = [1, 1]} : vector<256x80xf32> to vector<256x2xf32>
    %slice3A_4 = vector.extract_strided_slice %squeeze3A {offsets = [0, 66], sizes = [256, 1], strides = [1, 1]} : vector<256x80xf32> to vector<256x1xf32>
    %get3A_5 = arith.constant 0 : index
    %get3A_6 = arith.constant 0 : index
    %get3A_7 = vector.load %arg2[%get3A_5, %get3A_6] : memref<256x8xf32, #tpu.memory_space<vmem>>, vector<256x8xf32>
    %slice3A_8 = vector.extract_strided_slice %get3A_7 {offsets = [0, 2], sizes = [256, 2], strides = [1, 1]} : vector<256x8xf32> to vector<256x2xf32>
    %slice3A_9 = vector.extract_strided_slice %get3A_7 {offsets = [0, 4], sizes = [256, 2], strides = [1, 1]} : vector<256x8xf32> to vector<256x2xf32>
    %get3A_10 = arith.constant 0 : index
    %get3A_11 = arith.constant 0 : index
    %get3A_12 = vector.load %arg3[%get3A_10, %get3A_11] : memref<8192x80xf32, #tpu.memory_space<vmem>>, vector<8192x80xf32>
    %reshape3A = vector.shape_cast %get3A_12 : vector<8192x80xf32> to vector<256x32x80xf32>
    %slice3A_13 = vector.extract_strided_slice %reshape3A {offsets = [0, 0, 0], sizes = [256, 32, 64], strides = [1, 1, 1]} : vector<256x32x80xf32> to vector<256x32x64xf32>
    %slice3A_14 = vector.extract_strided_slice %reshape3A {offsets = [0, 0, 64], sizes = [256, 32, 2], strides = [1, 1, 1]} : vector<256x32x80xf32> to vector<256x32x2xf32>
    %broadcast_in_dim3A = vector.shape_cast %slice3A_3 : vector<256x2xf32> to vector<256x1x2xf32>
    %sub3A = vector.broadcast %broadcast_in_dim3A : vector<256x1x2xf32> to vector<256x32x2xf32>
    %sub3A_15 = arith.subf %slice3A_14, %sub3A : vector<256x32x2xf32>
    %slice3A_16 = vector.extract_strided_slice %sub3A_15 {offsets = [0, 0, 0], sizes = [256, 32, 1], strides = [1, 1, 1]} : vector<256x32x2xf32> to vector<256x32x1xf32>
    %slice3A_17 = vector.extract_strided_slice %sub3A_15 {offsets = [0, 0, 1], sizes = [256, 32, 1], strides = [1, 1, 1]} : vector<256x32x2xf32> to vector<256x32x1xf32>
    %mul3A = arith.mulf %slice3A_16, %slice3A_16 : vector<256x32x1xf32>
    %mul3A_18 = arith.mulf %slice3A_17, %slice3A_17 : vector<256x32x1xf32>
    %add3A = arith.addf %mul3A, %mul3A_18 : vector<256x32x1xf32>
    %add3A_19 = arith.constant 9.99999996E-13 : f32
    %add3A_20 = vector.broadcast %add3A_19 : f32 to vector<256x32x1xf32>
    %add3A_21 = arith.addf %add3A, %add3A_20 : vector<256x32x1xf32>
    %sqrt3A = math.sqrt %add3A_21 : vector<256x32x1xf32>
    %reshape3A_22 = vector.shape_cast %slice3A_13 : vector<256x32x64xf32> to vector<8192x64xf32>
    %reshape3A_23 = vector.shape_cast %sqrt3A : vector<256x32x1xf32> to vector<8192x1xf32>
    %get3A_24 = arith.constant 0 : index
    %get3A_25 = arith.constant 0 : index
    %get3A_26 = vector.load %arg4[%get3A_24, %get3A_25] : memref<64x64xf32, #tpu.memory_space<vmem>>, vector<64x64xf32>
    %convert_element_type3A = arith.truncf %slice3A : vector<256x64xf32> to vector<256x64xbf16>
    %convert_element_type3A_27 = arith.truncf %get3A_26 : vector<64x64xf32> to vector<64x64xbf16>
    %dot_general3A = arith.constant dense<0.000000e+00> : vector<256x64xf32>
    %dot_general3A_28 = tpu.matmul %convert_element_type3A, %convert_element_type3A_27, %dot_general3A {dimension_numbers = #tpu.dot_dimension_numbers<[1], [0], [0], [1], [0, 0, 1, 1], [], []>, transpose_lhs_hint = false} : vector<256x64xbf16>, vector<64x64xbf16>, vector<256x64xf32> -> vector<256x64xf32>
    %get3A_29 = arith.constant 0 : index
    %get3A_30 = arith.constant 0 : index
    %get3A_31 = vector.load %arg7[%get3A_29, %get3A_30] : memref<1x64xf32, #tpu.memory_space<vmem>>, vector<1x64xf32>
    %add3A_32 = vector.broadcast %get3A_31 : vector<1x64xf32> to vector<256x64xf32>
    %add3A_33 = arith.addf %dot_general3A_28, %add3A_32 : vector<256x64xf32>
    %broadcast_in_dim3A_34 = vector.shape_cast %add3A_33 : vector<256x64xf32> to vector<256x1x64xf32>
    %broadcast_in_dim3A_35 = vector.shape_cast %broadcast_in_dim3A_34 : vector<256x1x64xf32> to vector<256x1x64xf32>
    %broadcast_in_dim3A_36 = vector.broadcast %broadcast_in_dim3A_35 : vector<256x1x64xf32> to vector<256x32x64xf32>
    %reshape3A_37 = vector.shape_cast %broadcast_in_dim3A_36 : vector<256x32x64xf32> to vector<8192x64xf32>
    %concatenate3A = tpu.concatenate %reshape3A_22, %reshape3A_23 in 1 : vector<8192x64xf32>, vector<8192x1xf32> -> vector<8192x65xf32>
    %get3A_38 = arith.constant 0 : index
    %get3A_39 = arith.constant 0 : index
    %get3A_40 = vector.load %arg5[%get3A_38, %get3A_39] : memref<64x64xf32, #tpu.memory_space<vmem>>, vector<64x64xf32>
    %get3A_41 = arith.constant 0 : index
    %get3A_42 = arith.constant 0 : index
    %get3A_43 = vector.load %arg6[%get3A_41, %get3A_42] : memref<1x64xf32, #tpu.memory_space<vmem>>, vector<1x64xf32>
    %concatenate3A_44 = tpu.concatenate %get3A_40, %get3A_43 in 0 : vector<64x64xf32>, vector<1x64xf32> -> vector<65x64xf32>
    %convert_element_type3A_45 = arith.truncf %concatenate3A : vector<8192x65xf32> to vector<8192x65xbf16>
    %convert_element_type3A_46 = arith.truncf %concatenate3A_44 : vector<65x64xf32> to vector<65x64xbf16>
    %dot_general3A_47 = arith.constant dense<0.000000e+00> : vector<8192x64xf32>
    %dot_general3A_48 = tpu.matmul %convert_element_type3A_45, %convert_element_type3A_46, %dot_general3A_47 {dimension_numbers = #tpu.dot_dimension_numbers<[1], [0], [0], [1], [0, 0, 1, 1], [], []>, transpose_lhs_hint = false} : vector<8192x65xbf16>, vector<65x64xbf16>, vector<8192x64xf32> -> vector<8192x64xf32>
    %add3A_49 = arith.addf %reshape3A_37, %dot_general3A_48 : vector<8192x64xf32>
    %logistic3A = arith.negf %add3A_49 : vector<8192x64xf32>
    %logistic3A_50 = math.exp %logistic3A : vector<8192x64xf32>
    %logistic3A_51 = arith.constant 1.000000e+00 : f32
    %logistic3A_52 = vector.broadcast %logistic3A_51 : f32 to vector<8192x64xf32>
    %logistic3A_53 = arith.addf %logistic3A_52, %logistic3A_50 : vector<8192x64xf32>
    %logistic3A_54 = arith.divf %logistic3A_52, %logistic3A_53 : vector<8192x64xf32>
    %mul3A_55 = arith.mulf %add3A_49, %logistic3A_54 : vector<8192x64xf32>
    %get3A_56 = arith.constant 0 : index
    %get3A_57 = arith.constant 0 : index
    %get3A_58 = vector.load %arg8[%get3A_56, %get3A_57] : memref<64x64xf32, #tpu.memory_space<vmem>>, vector<64x64xf32>
    %convert_element_type3A_59 = arith.truncf %mul3A_55 : vector<8192x64xf32> to vector<8192x64xbf16>
    %convert_element_type3A_60 = arith.truncf %get3A_58 : vector<64x64xf32> to vector<64x64xbf16>
    %dot_general3A_61 = arith.constant dense<0.000000e+00> : vector<8192x64xf32>
    %dot_general3A_62 = tpu.matmul %convert_element_type3A_59, %convert_element_type3A_60, %dot_general3A_61 {dimension_numbers = #tpu.dot_dimension_numbers<[1], [0], [0], [1], [0, 0, 1, 1], [], []>, transpose_lhs_hint = false} : vector<8192x64xbf16>, vector<64x64xbf16>, vector<8192x64xf32> -> vector<8192x64xf32>
    %get3A_63 = arith.constant 0 : index
    %get3A_64 = arith.constant 0 : index
    %get3A_65 = vector.load %arg9[%get3A_63, %get3A_64] : memref<1x64xf32, #tpu.memory_space<vmem>>, vector<1x64xf32>
    %add3A_66 = vector.broadcast %get3A_65 : vector<1x64xf32> to vector<8192x64xf32>
    %add3A_67 = arith.addf %dot_general3A_62, %add3A_66 : vector<8192x64xf32>
    %logistic3A_68 = arith.negf %add3A_67 : vector<8192x64xf32>
    %logistic3A_69 = math.exp %logistic3A_68 : vector<8192x64xf32>
    %logistic3A_70 = arith.constant 1.000000e+00 : f32
    %logistic3A_71 = vector.broadcast %logistic3A_70 : f32 to vector<8192x64xf32>
    %logistic3A_72 = arith.addf %logistic3A_71, %logistic3A_69 : vector<8192x64xf32>
    %logistic3A_73 = arith.divf %logistic3A_71, %logistic3A_72 : vector<8192x64xf32>
    %mul3A_74 = arith.mulf %add3A_67, %logistic3A_73 : vector<8192x64xf32>
    %get3A_75 = arith.constant 0 : index
    %get3A_76 = arith.constant 0 : index
    %get3A_77 = vector.load %arg10[%get3A_75, %get3A_76] : memref<64x64xf32, #tpu.memory_space<vmem>>, vector<64x64xf32>
    %convert_element_type3A_78 = arith.truncf %mul3A_74 : vector<8192x64xf32> to vector<8192x64xbf16>
    %convert_element_type3A_79 = arith.truncf %get3A_77 : vector<64x64xf32> to vector<64x64xbf16>
    %dot_general3A_80 = arith.constant dense<0.000000e+00> : vector<8192x64xf32>
    %dot_general3A_81 = tpu.matmul %convert_element_type3A_78, %convert_element_type3A_79, %dot_general3A_80 {dimension_numbers = #tpu.dot_dimension_numbers<[1], [0], [0], [1], [0, 0, 1, 1], [], []>, transpose_lhs_hint = false} : vector<8192x64xbf16>, vector<64x64xbf16>, vector<8192x64xf32> -> vector<8192x64xf32>
    %get3A_82 = arith.constant 0 : index
    %get3A_83 = arith.constant 0 : index
    %get3A_84 = vector.load %arg11[%get3A_82, %get3A_83] : memref<1x64xf32, #tpu.memory_space<vmem>>, vector<1x64xf32>
    %add3A_85 = vector.broadcast %get3A_84 : vector<1x64xf32> to vector<8192x64xf32>
    %add3A_86 = arith.addf %dot_general3A_81, %add3A_85 : vector<8192x64xf32>
    %logistic3A_87 = arith.negf %add3A_86 : vector<8192x64xf32>
    %logistic3A_88 = math.exp %logistic3A_87 : vector<8192x64xf32>
    %logistic3A_89 = arith.constant 1.000000e+00 : f32
    %logistic3A_90 = vector.broadcast %logistic3A_89 : f32 to vector<8192x64xf32>
    %logistic3A_91 = arith.addf %logistic3A_90, %logistic3A_88 : vector<8192x64xf32>
    %logistic3A_92 = arith.divf %logistic3A_90, %logistic3A_91 : vector<8192x64xf32>
    %mul3A_93 = arith.mulf %add3A_86, %logistic3A_92 : vector<8192x64xf32>
    %get3A_94 = arith.constant 0 : index
    %get3A_95 = arith.constant 0 : index
    %get3A_96 = vector.load %arg12[%get3A_94, %get3A_95] : memref<64x1xf32, #tpu.memory_space<vmem>>, vector<64x1xf32>
    %convert_element_type3A_97 = arith.truncf %mul3A_93 : vector<8192x64xf32> to vector<8192x64xbf16>
    %convert_element_type3A_98 = arith.truncf %get3A_96 : vector<64x1xf32> to vector<64x1xbf16>
    %dot_general3A_99 = arith.constant dense<0.000000e+00> : vector<8192x1xf32>
    %dot_general3A_100 = tpu.matmul %convert_element_type3A_97, %convert_element_type3A_98, %dot_general3A_99 {dimension_numbers = #tpu.dot_dimension_numbers<[1], [0], [0], [1], [0, 0, 1, 1], [], []>, transpose_lhs_hint = false} : vector<8192x64xbf16>, vector<64x1xbf16>, vector<8192x1xf32> -> vector<8192x1xf32>
    %get3A_101 = arith.constant 0 : index
    %get3A_102 = arith.constant 0 : index
    %get3A_103 = vector.load %arg13[%get3A_101, %get3A_102] : memref<1x1xf32, #tpu.memory_space<vmem>>, vector<1x1xf32>
    %add3A_104 = vector.broadcast %get3A_103 : vector<1x1xf32> to vector<8192x1xf32>
    %add3A_105 = arith.addf %dot_general3A_100, %add3A_104 : vector<8192x1xf32>
    %reshape3A_106 = vector.shape_cast %add3A_105 : vector<8192x1xf32> to vector<256x32x1xf32>
    %mul3A_107 = vector.broadcast %reshape3A_106 : vector<256x32x1xf32> to vector<256x32x2xf32>
    %mul3A_108 = arith.mulf %sub3A_15, %mul3A_107 : vector<256x32x2xf32>
    %reduce_sum3A = arith.constant dense<0.000000e+00> : vector<256x2xf32>
    %reduce_sum3A_109 = vector.multi_reduction <add>, %mul3A_108, %reduce_sum3A [1] : vector<256x32x2xf32> to vector<256x2xf32>
    %div3A = vector.broadcast %slice3A_4 : vector<256x1xf32> to vector<256x2xf32>
    %div3A_110 = arith.divf %reduce_sum3A_109, %div3A : vector<256x2xf32>
    %get3A_111 = arith.constant 0 : index
    %get3A_112 = arith.constant 0 : index
    %get3A_113 = vector.load %arg14[%get3A_111, %get3A_112] : memref<64x64xf32, #tpu.memory_space<vmem>>, vector<64x64xf32>
    %convert_element_type3A_114 = arith.truncf %slice3A : vector<256x64xf32> to vector<256x64xbf16>
    %convert_element_type3A_115 = arith.truncf %get3A_113 : vector<64x64xf32> to vector<64x64xbf16>
    %dot_general3A_116 = arith.constant dense<0.000000e+00> : vector<256x64xf32>
    %dot_general3A_117 = tpu.matmul %convert_element_type3A_114, %convert_element_type3A_115, %dot_general3A_116 {dimension_numbers = #tpu.dot_dimension_numbers<[1], [0], [0], [1], [0, 0, 1, 1], [], []>, transpose_lhs_hint = false} : vector<256x64xbf16>, vector<64x64xbf16>, vector<256x64xf32> -> vector<256x64xf32>
    %get3A_118 = arith.constant 0 : index
    %get3A_119 = arith.constant 0 : index
    %get3A_120 = vector.load %arg15[%get3A_118, %get3A_119] : memref<1x64xf32, #tpu.memory_space<vmem>>, vector<1x64xf32>
    %add3A_121 = vector.broadcast %get3A_120 : vector<1x64xf32> to vector<256x64xf32>
    %add3A_122 = arith.addf %dot_general3A_117, %add3A_121 : vector<256x64xf32>
    %logistic3A_123 = arith.negf %add3A_122 : vector<256x64xf32>
    %logistic3A_124 = math.exp %logistic3A_123 : vector<256x64xf32>
    %logistic3A_125 = arith.constant 1.000000e+00 : f32
    %logistic3A_126 = vector.broadcast %logistic3A_125 : f32 to vector<256x64xf32>
    %logistic3A_127 = arith.addf %logistic3A_126, %logistic3A_124 : vector<256x64xf32>
    %logistic3A_128 = arith.divf %logistic3A_126, %logistic3A_127 : vector<256x64xf32>
    %mul3A_129 = arith.mulf %add3A_122, %logistic3A_128 : vector<256x64xf32>
    %get3A_130 = arith.constant 0 : index
    %get3A_131 = arith.constant 0 : index
    %get3A_132 = vector.load %arg16[%get3A_130, %get3A_131] : memref<64x1xf32, #tpu.memory_space<vmem>>, vector<64x1xf32>
    %convert_element_type3A_133 = arith.truncf %mul3A_129 : vector<256x64xf32> to vector<256x64xbf16>
    %convert_element_type3A_134 = arith.truncf %get3A_132 : vector<64x1xf32> to vector<64x1xbf16>
    %dot_general3A_135 = arith.constant dense<0.000000e+00> : vector<256x1xf32>
    %dot_general3A_136 = tpu.matmul %convert_element_type3A_133, %convert_element_type3A_134, %dot_general3A_135 {dimension_numbers = #tpu.dot_dimension_numbers<[1], [0], [0], [1], [0, 0, 1, 1], [], []>, transpose_lhs_hint = false} : vector<256x64xbf16>, vector<64x1xbf16>, vector<256x1xf32> -> vector<256x1xf32>
    %get3A_137 = arith.constant 0 : index
    %get3A_138 = arith.constant 0 : index
    %get3A_139 = vector.load %arg17[%get3A_137, %get3A_138] : memref<1x1xf32, #tpu.memory_space<vmem>>, vector<1x1xf32>
    %add3A_140 = vector.broadcast %get3A_139 : vector<1x1xf32> to vector<256x1xf32>
    %add3A_141 = arith.addf %dot_general3A_136, %add3A_140 : vector<256x1xf32>
    %mul3A_142 = vector.broadcast %add3A_141 : vector<256x1xf32> to vector<256x2xf32>
    %mul3A_143 = arith.mulf %mul3A_142, %slice3A_9 : vector<256x2xf32>
    %add3A_144 = arith.addf %mul3A_143, %div3A_110 : vector<256x2xf32>
    %add3A_145 = arith.addf %slice3A_8, %add3A_144 : vector<256x2xf32>
    %add3A_146 = arith.addf %slice3A_3, %add3A_145 : vector<256x2xf32>
    %reshape3A_147 = vector.shape_cast %mul3A_74 : vector<8192x64xf32> to vector<256x32x64xf32>
    %reduce_sum3A_148 = arith.constant dense<0.000000e+00> : vector<256x64xf32>
    %reduce_sum3A_149 = vector.multi_reduction <add>, %reshape3A_147, %reduce_sum3A_148 [1] : vector<256x32x64xf32> to vector<256x64xf32>
    %get3A_150 = arith.constant 0 : index
    %get3A_151 = arith.constant 0 : index
    %get3A_152 = vector.load %arg18[%get3A_150, %get3A_151] : memref<64x64xf32, #tpu.memory_space<vmem>>, vector<64x64xf32>
    %convert_element_type3A_153 = arith.truncf %slice3A : vector<256x64xf32> to vector<256x64xbf16>
    %convert_element_type3A_154 = arith.truncf %get3A_152 : vector<64x64xf32> to vector<64x64xbf16>
    %dot_general3A_155 = arith.constant dense<0.000000e+00> : vector<256x64xf32>
    %dot_general3A_156 = tpu.matmul %convert_element_type3A_153, %convert_element_type3A_154, %dot_general3A_155 {dimension_numbers = #tpu.dot_dimension_numbers<[1], [0], [0], [1], [0, 0, 1, 1], [], []>, transpose_lhs_hint = false} : vector<256x64xbf16>, vector<64x64xbf16>, vector<256x64xf32> -> vector<256x64xf32>
    %get3A_157 = arith.constant 0 : index
    %get3A_158 = arith.constant 0 : index
    %get3A_159 = vector.load %arg19[%get3A_157, %get3A_158] : memref<64x64xf32, #tpu.memory_space<vmem>>, vector<64x64xf32>
    %convert_element_type3A_160 = arith.truncf %reduce_sum3A_149 : vector<256x64xf32> to vector<256x64xbf16>
    %convert_element_type3A_161 = arith.truncf %get3A_159 : vector<64x64xf32> to vector<64x64xbf16>
    %dot_general3A_162 = arith.constant dense<0.000000e+00> : vector<256x64xf32>
    %dot_general3A_163 = tpu.matmul %convert_element_type3A_160, %convert_element_type3A_161, %dot_general3A_162 {dimension_numbers = #tpu.dot_dimension_numbers<[1], [0], [0], [1], [0, 0, 1, 1], [], []>, transpose_lhs_hint = false} : vector<256x64xbf16>, vector<64x64xbf16>, vector<256x64xf32> -> vector<256x64xf32>
    %add3A_164 = arith.addf %dot_general3A_156, %dot_general3A_163 : vector<256x64xf32>
    %get3A_165 = arith.constant 0 : index
    %get3A_166 = arith.constant 0 : index
    %get3A_167 = vector.load %arg20[%get3A_165, %get3A_166] : memref<1x64xf32, #tpu.memory_space<vmem>>, vector<1x64xf32>
    %add3A_168 = vector.broadcast %get3A_167 : vector<1x64xf32> to vector<256x64xf32>
    %add3A_169 = arith.addf %add3A_164, %add3A_168 : vector<256x64xf32>
    %logistic3A_170 = arith.negf %add3A_169 : vector<256x64xf32>
    %logistic3A_171 = math.exp %logistic3A_170 : vector<256x64xf32>
    %logistic3A_172 = arith.constant 1.000000e+00 : f32
    %logistic3A_173 = vector.broadcast %logistic3A_172 : f32 to vector<256x64xf32>
    %logistic3A_174 = arith.addf %logistic3A_173, %logistic3A_171 : vector<256x64xf32>
    %logistic3A_175 = arith.divf %logistic3A_173, %logistic3A_174 : vector<256x64xf32>
    %mul3A_176 = arith.mulf %add3A_169, %logistic3A_175 : vector<256x64xf32>
    %get3A_177 = arith.constant 0 : index
    %get3A_178 = arith.constant 0 : index
    %get3A_179 = vector.load %arg21[%get3A_177, %get3A_178] : memref<64x64xf32, #tpu.memory_space<vmem>>, vector<64x64xf32>
    %convert_element_type3A_180 = arith.truncf %mul3A_176 : vector<256x64xf32> to vector<256x64xbf16>
    %convert_element_type3A_181 = arith.truncf %get3A_179 : vector<64x64xf32> to vector<64x64xbf16>
    %dot_general3A_182 = arith.constant dense<0.000000e+00> : vector<256x64xf32>
    %dot_general3A_183 = tpu.matmul %convert_element_type3A_180, %convert_element_type3A_181, %dot_general3A_182 {dimension_numbers = #tpu.dot_dimension_numbers<[1], [0], [0], [1], [0, 0, 1, 1], [], []>, transpose_lhs_hint = false} : vector<256x64xbf16>, vector<64x64xbf16>, vector<256x64xf32> -> vector<256x64xf32>
    %add3A_184 = arith.addf %slice3A, %dot_general3A_183 : vector<256x64xf32>
    %get3A_185 = arith.constant 0 : index
    %get3A_186 = arith.constant 0 : index
    %get3A_187 = vector.load %arg22[%get3A_185, %get3A_186] : memref<1x64xf32, #tpu.memory_space<vmem>>, vector<1x64xf32>
    %add3A_188 = vector.broadcast %get3A_187 : vector<1x64xf32> to vector<256x64xf32>
    %add3A_189 = arith.addf %add3A_184, %add3A_188 : vector<256x64xf32>
    %broadcast_in_dim3A_190 = arith.constant 0.000000e+00 : f32
    %broadcast_in_dim3A_191 = vector.broadcast %broadcast_in_dim3A_190 : f32 to vector<256x13xf32>
    %broadcast_in_dim3A_192 = arith.constant 0.000000e+00 : f32
    %broadcast_in_dim3A_193 = vector.broadcast %broadcast_in_dim3A_192 : f32 to vector<256x64xf32>
    %concatenate3A_194 = tpu.concatenate %add3A_189, %add3A_146, %slice3A_4, %broadcast_in_dim3A_191 in 1 : vector<256x64xf32>, vector<256x2xf32>, vector<256x1xf32>, vector<256x13xf32> -> vector<256x80xf32>
    %concatenate3A_195 = tpu.concatenate %broadcast_in_dim3A_193, %add3A_146, %slice3A_4, %broadcast_in_dim3A_191 in 1 : vector<256x64xf32>, vector<256x2xf32>, vector<256x1xf32>, vector<256x13xf32> -> vector<256x80xf32>
    %broadcast_in_dim3A_196 = vector.shape_cast %concatenate3A_194 : vector<256x80xf32> to vector<1x256x80xf32>
    %broadcast_in_dim3A_197 = vector.shape_cast %concatenate3A_195 : vector<256x80xf32> to vector<1x256x80xf32>
    %concatenate3A_198 = tpu.concatenate %broadcast_in_dim3A_196, %broadcast_in_dim3A_197 in 0 : vector<1x256x80xf32>, vector<1x256x80xf32> -> vector<2x256x80xf32>
    %swap3A = arith.constant 0 : index
    %swap3A_199 = arith.constant 0 : index
    %swap3A_200 = arith.constant 0 : index
    %swap3A_201 = vector.load %arg23[%swap3A, %swap3A_199, %swap3A_200] : memref<2x256x80xf32, #tpu.memory_space<vmem>>, vector<2x256x80xf32>
    tpu.vector_store %arg23[%swap3A, %swap3A_199, %swap3A_200], %concatenate3A_198 {strides = array<i32>} : memref<2x256x80xf32, #tpu.memory_space<vmem>>, vector<2x256x80xf32>,
    %concatenate3A_202 = tpu.concatenate %add3A_146, %add3A_145, %slice3A_9, %add3A_144 in 1 : vector<256x2xf32>, vector<256x2xf32>, vector<256x2xf32>, vector<256x2xf32> -> vector<256x8xf32>
    %swap3A_203 = arith.constant 0 : index
    %swap3A_204 = arith.constant 0 : index
    %swap3A_205 = vector.load %arg24[%swap3A_203, %swap3A_204] : memref<256x8xf32, #tpu.memory_space<vmem>>, vector<256x8xf32>
    tpu.vector_store %arg24[%swap3A_203, %swap3A_204], %concatenate3A_202 {strides = array<i32>} : memref<256x8xf32, #tpu.memory_space<vmem>>, vector<256x8xf32>,
    return
  }
  func.func @transform_0(%arg0: i32) -> (i32, i32, i32) {
    %c0_i32 = arith.constant 0 : i32
    %c0_i32_0 = arith.constant 0 : i32
    %c0_i32_1 = arith.constant 0 : i32
    return %c0_i32, %arg0, %c0_i32_0 : i32, i32, i32
  }
  func.func @transform_1(%arg0: i32) -> (i32, i32) {
    %c0_i32 = arith.constant 0 : i32
    %c0_i32_0 = arith.constant 0 : i32
    return %arg0, %c0_i32 : i32, i32
  }
  func.func @transform_2(%arg0: i32) -> (i32, i32) {
    %c0_i32 = arith.constant 0 : i32
    %c0_i32_0 = arith.constant 0 : i32
    return %arg0, %c0_i32 : i32, i32
  }
  func.func @transform_3(%arg0: i32) -> (i32, i32) {
    %c0_i32 = arith.constant 0 : i32
    %c0_i32_0 = arith.constant 0 : i32
    %c0_i32_1 = arith.constant 0 : i32
    return %c0_i32, %c0_i32_0 : i32, i32
  }
  func.func @transform_4(%arg0: i32) -> (i32, i32) {
    %c0_i32 = arith.constant 0 : i32
    %c0_i32_0 = arith.constant 0 : i32
    %c0_i32_1 = arith.constant 0 : i32
    return %c0_i32, %c0_i32_0 : i32, i32
  }
  func.func @transform_5(%arg0: i32) -> (i32, i32) {
    %c0_i32 = arith.constant 0 : i32
    %c0_i32_0 = arith.constant 0 : i32
    %c0_i32_1 = arith.constant 0 : i32
    return %c0_i32, %c0_i32_0 : i32, i32
  }
  func.func @transform_6(%arg0: i32) -> (i32, i32) {
    %c0_i32 = arith.constant 0 : i32
    %c0_i32_0 = arith.constant 0 : i32
    %c0_i32_1 = arith.constant 0 : i32
    return %c0_i32, %c0_i32_0 : i32, i32
  }
  func.func @transform_7(%arg0: i32) -> (i32, i32) {
    %c0_i32 = arith.constant 0 : i32
    %c0_i32_0 = arith.constant 0 : i32
    %c0_i32_1 = arith.constant 0 : i32
    return %c0_i32, %c0_i32_0 : i32, i32
  }
  func.func @transform_8(%arg0: i32) -> (i32, i32) {
    %c0_i32 = arith.constant 0 : i32
    %c0_i32_0 = arith.constant 0 : i32
    %c0_i32_1 = arith.constant 0 : i32
    return %c0_i32, %c0_i32_0 : i32, i32
  }
  func.func @transform_9(%arg0: i32) -> (i32, i32) {
    %c0_i32 = arith.constant 0 : i32
    %c0_i32_0 = arith.constant 0 : i32
    %c0_i32_1 = arith.constant 0 : i32
    return %c0_i32, %c0_i32_0 : i32, i32
  }
  func.func @transform_10(%arg0: i32) -> (i32, i32) {
    %c0_i32 = arith.constant 0 : i32
    %c0_i32_0 = arith.constant 0 : i32
    %c0_i32_1 = arith.constant 0 : i32
    return %c0_i32, %c0_i32_0 : i32, i32
  }
  func.func @transform_11(%arg0: i32) -> (i32, i32) {
    %c0_i32 = arith.constant 0 : i32
    %c0_i32_0 = arith.constant 0 : i32
    %c0_i32_1 = arith.constant 0 : i32
    return %c0_i32, %c0_i32_0 : i32, i32
  }
  func.func @transform_12(%arg0: i32) -> (i32, i32) {
    %c0_i32 = arith.constant 0 : i32
    %c0_i32_0 = arith.constant 0 : i32
    %c0_i32_1 = arith.constant 0 : i32
    return %c0_i32, %c0_i32_0 : i32, i32
  }
  func.func @transform_13(%arg0: i32) -> (i32, i32) {
    %c0_i32 = arith.constant 0 : i32
    %c0_i32_0 = arith.constant 0 : i32
    %c0_i32_1 = arith.constant 0 : i32
    return %c0_i32, %c0_i32_0 : i32, i32
  }
  func.func @transform_14(%arg0: i32) -> (i32, i32) {
    %c0_i32 = arith.constant 0 : i32
    %c0_i32_0 = arith.constant 0 : i32
    %c0_i32_1 = arith.constant 0 : i32
    return %c0_i32, %c0_i32_0 : i32, i32
  }
  func.func @transform_15(%arg0: i32) -> (i32, i32) {
    %c0_i32 = arith.constant 0 : i32
    %c0_i32_0 = arith.constant 0 : i32
    %c0_i32_1 = arith.constant 0 : i32
    return %c0_i32, %c0_i32_0 : i32, i32
  }
  func.func @transform_16(%arg0: i32) -> (i32, i32) {
    %c0_i32 = arith.constant 0 : i32
    %c0_i32_0 = arith.constant 0 : i32
    %c0_i32_1 = arith.constant 0 : i32
    return %c0_i32, %c0_i32_0 : i32, i32
  }
  func.func @transform_17(%arg0: i32) -> (i32, i32) {
    %c0_i32 = arith.constant 0 : i32
    %c0_i32_0 = arith.constant 0 : i32
    %c0_i32_1 = arith.constant 0 : i32
    return %c0_i32, %c0_i32_0 : i32, i32
  }
  func.func @transform_18(%arg0: i32) -> (i32, i32) {
    %c0_i32 = arith.constant 0 : i32
    %c0_i32_0 = arith.constant 0 : i32
    %c0_i32_1 = arith.constant 0 : i32
    return %c0_i32, %c0_i32_0 : i32, i32
  }
  func.func @transform_19(%arg0: i32) -> (i32, i32) {
    %c0_i32 = arith.constant 0 : i32
    %c0_i32_0 = arith.constant 0 : i32
    %c0_i32_1 = arith.constant 0 : i32
    return %c0_i32, %c0_i32_0 : i32, i32
  }
  func.func @transform_20(%arg0: i32) -> (i32, i32) {
    %c0_i32 = arith.constant 0 : i32
    %c0_i32_0 = arith.constant 0 : i32
    %c0_i32_1 = arith.constant 0 : i32
    return %c0_i32, %c0_i32_0 : i32, i32
  }
  func.func @transform_21(%arg0: i32) -> (i32, i32) {
    %c0_i32 = arith.constant 0 : i32
    %c0_i32_0 = arith.constant 0 : i32
    %c0_i32_1 = arith.constant 0 : i32
    return %c0_i32, %c0_i32_0 : i32, i32
  }
  func.func @transform_22(%arg0: i32) -> (i32, i32, i32) {
    %c0_i32 = arith.constant 0 : i32
    %c0_i32_0 = arith.constant 0 : i32
    %c0_i32_1 = arith.constant 0 : i32
    return %c0_i32, %arg0, %c0_i32_0 : i32, i32, i32
  }
  func.func @transform_23(%arg0: i32) -> (i32, i32) {
    %c0_i32 = arith.constant 0 : i32
    %c0_i32_0 = arith.constant 0 : i32
    return %arg0, %c0_i32 : i32, i32
  }
}

module attributes {stable_mosaic.version = 14 : i64} {
  func.func @_layer_body(%arg0: i32, %arg1: memref<1x256x80xf32, #tpu.memory_space<vmem>>, %arg2: memref<256x8xf32, #tpu.memory_space<vmem>>, %arg3: memref<8192x80xf32, #tpu.memory_space<vmem>>, %arg4: memref<64x64xf32, #tpu.memory_space<vmem>>, %arg5: memref<64x64xf32, #tpu.memory_space<vmem>>, %arg6: memref<1x64xf32, #tpu.memory_space<vmem>>, %arg7: memref<1x64xf32, #tpu.memory_space<vmem>>, %arg8: memref<64x64xf32, #tpu.memory_space<vmem>>, %arg9: memref<1x64xf32, #tpu.memory_space<vmem>>, %arg10: memref<64x64xf32, #tpu.memory_space<vmem>>, %arg11: memref<1x64xf32, #tpu.memory_space<vmem>>, %arg12: memref<64x1xf32, #tpu.memory_space<vmem>>, %arg13: memref<1x1xf32, #tpu.memory_space<vmem>>, %arg14: memref<64x64xf32, #tpu.memory_space<vmem>>, %arg15: memref<1x64xf32, #tpu.memory_space<vmem>>, %arg16: memref<64x1xf32, #tpu.memory_space<vmem>>, %arg17: memref<1x1xf32, #tpu.memory_space<vmem>>, %arg18: memref<64x64xf32, #tpu.memory_space<vmem>>, %arg19: memref<64x64xf32, #tpu.memory_space<vmem>>, %arg20: memref<1x64xf32, #tpu.memory_space<vmem>>, %arg21: memref<64x64xf32, #tpu.memory_space<vmem>>, %arg22: memref<1x64xf32, #tpu.memory_space<vmem>>, %arg23: memref<2x256x80xf32, #tpu.memory_space<vmem>>, %arg24: memref<256x8xf32, #tpu.memory_space<vmem>>) attributes {dimension_semantics = [#tpu.dimension_semantics<arbitrary>], iteration_bounds = array<i64: 16>, scalar_prefetch = 0 : i64, scratch_operands = 0 : i64, tpu.core_type = #tpu.core_type<tc>, window_params = [{transform_indices = @transform_0, window_bounds = array<i64: 1, 256, 80>}, {transform_indices = @transform_1, window_bounds = array<i64: 256, 8>}, {transform_indices = @transform_2, window_bounds = array<i64: 8192, 80>}, {pipeline_mode = #tpu.pipeline_mode<synchronous>, transform_indices = @transform_3, window_bounds = array<i64: 64, 64>}, {pipeline_mode = #tpu.pipeline_mode<synchronous>, transform_indices = @transform_4, window_bounds = array<i64: 64, 64>}, {pipeline_mode = #tpu.pipeline_mode<synchronous>, transform_indices = @transform_5, window_bounds = array<i64: 1, 64>}, {pipeline_mode = #tpu.pipeline_mode<synchronous>, transform_indices = @transform_6, window_bounds = array<i64: 1, 64>}, {pipeline_mode = #tpu.pipeline_mode<synchronous>, transform_indices = @transform_7, window_bounds = array<i64: 64, 64>}, {pipeline_mode = #tpu.pipeline_mode<synchronous>, transform_indices = @transform_8, window_bounds = array<i64: 1, 64>}, {pipeline_mode = #tpu.pipeline_mode<synchronous>, transform_indices = @transform_9, window_bounds = array<i64: 64, 64>}, {pipeline_mode = #tpu.pipeline_mode<synchronous>, transform_indices = @transform_10, window_bounds = array<i64: 1, 64>}, {pipeline_mode = #tpu.pipeline_mode<synchronous>, transform_indices = @transform_11, window_bounds = array<i64: 64, 1>}, {pipeline_mode = #tpu.pipeline_mode<synchronous>, transform_indices = @transform_12, window_bounds = array<i64: 1, 1>}, {pipeline_mode = #tpu.pipeline_mode<synchronous>, transform_indices = @transform_13, window_bounds = array<i64: 64, 64>}, {pipeline_mode = #tpu.pipeline_mode<synchronous>, transform_indices = @transform_14, window_bounds = array<i64: 1, 64>}, {pipeline_mode = #tpu.pipeline_mode<synchronous>, transform_indices = @transform_15, window_bounds = array<i64: 64, 1>}, {pipeline_mode = #tpu.pipeline_mode<synchronous>, transform_indices = @transform_16, window_bounds = array<i64: 1, 1>}, {pipeline_mode = #tpu.pipeline_mode<synchronous>, transform_indices = @transform_17, window_bounds = array<i64: 64, 64>}, {pipeline_mode = #tpu.pipeline_mode<synchronous>, transform_indices = @transform_18, window_bounds = array<i64: 64, 64>}, {pipeline_mode = #tpu.pipeline_mode<synchronous>, transform_indices = @transform_19, window_bounds = array<i64: 1, 64>}, {pipeline_mode = #tpu.pipeline_mode<synchronous>, transform_indices = @transform_20, window_bounds = array<i64: 64, 64>}, {pipeline_mode = #tpu.pipeline_mode<synchronous>, transform_indices = @transform_21, window_bounds = array<i64: 1, 64>}, {transform_indices = @transform_22, window_bounds = array<i64: 2, 256, 80>}, {transform_indices = @transform_23, window_bounds = array<i64: 256, 8>}]} {
    %get3A = arith.constant 0 : index
    %get3A_0 = arith.constant 0 : index
    %get3A_1 = arith.constant 0 : index
    %get3A_2 = vector.load %arg1[%get3A, %get3A_0, %get3A_1] : memref<1x256x80xf32, #tpu.memory_space<vmem>>, vector<1x256x80xf32>
    %squeeze3A = vector.shape_cast %get3A_2 : vector<1x256x80xf32> to vector<256x80xf32>
    %slice3A = vector.extract_strided_slice %squeeze3A {offsets = [0, 0], sizes = [256, 64], strides = [1, 1]} : vector<256x80xf32> to vector<256x64xf32>
    %slice3A_3 = vector.extract_strided_slice %squeeze3A {offsets = [0, 64], sizes = [256, 2], strides = [1, 1]} : vector<256x80xf32> to vector<256x2xf32>
    %slice3A_4 = vector.extract_strided_slice %squeeze3A {offsets = [0, 66], sizes = [256, 1], strides = [1, 1]} : vector<256x80xf32> to vector<256x1xf32>
    %get3A_5 = arith.constant 0 : index
    %get3A_6 = arith.constant 0 : index
    %get3A_7 = vector.load %arg2[%get3A_5, %get3A_6] : memref<256x8xf32, #tpu.memory_space<vmem>>, vector<256x8xf32>
    %slice3A_8 = vector.extract_strided_slice %get3A_7 {offsets = [0, 2], sizes = [256, 2], strides = [1, 1]} : vector<256x8xf32> to vector<256x2xf32>
    %slice3A_9 = vector.extract_strided_slice %get3A_7 {offsets = [0, 4], sizes = [256, 2], strides = [1, 1]} : vector<256x8xf32> to vector<256x2xf32>
    %get3A_10 = arith.constant 0 : index
    %get3A_11 = arith.constant 0 : index
    %get3A_12 = vector.load %arg3[%get3A_10, %get3A_11] : memref<8192x80xf32, #tpu.memory_space<vmem>>, vector<8192x80xf32>
    %reshape3A = vector.shape_cast %get3A_12 : vector<8192x80xf32> to vector<256x32x80xf32>
    %slice3A_13 = vector.extract_strided_slice %reshape3A {offsets = [0, 0, 0], sizes = [256, 32, 64], strides = [1, 1, 1]} : vector<256x32x80xf32> to vector<256x32x64xf32>
    %slice3A_14 = vector.extract_strided_slice %reshape3A {offsets = [0, 0, 64], sizes = [256, 32, 2], strides = [1, 1, 1]} : vector<256x32x80xf32> to vector<256x32x2xf32>
    %broadcast_in_dim3A = vector.shape_cast %slice3A_3 : vector<256x2xf32> to vector<256x1x2xf32>
    %sub3A = vector.broadcast %broadcast_in_dim3A : vector<256x1x2xf32> to vector<256x32x2xf32>
    %sub3A_15 = arith.subf %slice3A_14, %sub3A : vector<256x32x2xf32>
    %slice3A_16 = vector.extract_strided_slice %sub3A_15 {offsets = [0, 0, 0], sizes = [256, 32, 1], strides = [1, 1, 1]} : vector<256x32x2xf32> to vector<256x32x1xf32>
    %slice3A_17 = vector.extract_strided_slice %sub3A_15 {offsets = [0, 0, 1], sizes = [256, 32, 1], strides = [1, 1, 1]} : vector<256x32x2xf32> to vector<256x32x1xf32>
    %mul3A = arith.mulf %slice3A_16, %slice3A_16 : vector<256x32x1xf32>
    %mul3A_18 = arith.mulf %slice3A_17, %slice3A_17 : vector<256x32x1xf32>
    %add3A = arith.addf %mul3A, %mul3A_18 : vector<256x32x1xf32>
    %add3A_19 = arith.constant 9.99999996E-13 : f32
    %add3A_20 = vector.broadcast %add3A_19 : f32 to vector<256x32x1xf32>
    %add3A_21 = arith.addf %add3A, %add3A_20 : vector<256x32x1xf32>
    %sqrt3A = math.sqrt %add3A_21 : vector<256x32x1xf32>
    %reshape3A_22 = vector.shape_cast %slice3A_13 : vector<256x32x64xf32> to vector<8192x64xf32>
    %reshape3A_23 = vector.shape_cast %sqrt3A : vector<256x32x1xf32> to vector<8192x1xf32>
    %get3A_24 = arith.constant 0 : index
    %get3A_25 = arith.constant 0 : index
    %get3A_26 = vector.load %arg4[%get3A_24, %get3A_25] : memref<64x64xf32, #tpu.memory_space<vmem>>, vector<64x64xf32>
    %convert_element_type3A = arith.truncf %slice3A : vector<256x64xf32> to vector<256x64xbf16>
    %convert_element_type3A_27 = arith.truncf %get3A_26 : vector<64x64xf32> to vector<64x64xbf16>
    %dot_general3A = arith.constant dense<0.000000e+00> : vector<256x64xf32>
    %dot_general3A_28 = tpu.matmul %convert_element_type3A, %convert_element_type3A_27, %dot_general3A {dimension_numbers = #tpu.dot_dimension_numbers<[1], [0], [0], [1], [0, 0, 1, 1], [], []>, transpose_lhs_hint = false} : vector<256x64xbf16>, vector<64x64xbf16>, vector<256x64xf32> -> vector<256x64xf32>
    %get3A_29 = arith.constant 0 : index
    %get3A_30 = arith.constant 0 : index
    %get3A_31 = vector.load %arg7[%get3A_29, %get3A_30] : memref<1x64xf32, #tpu.memory_space<vmem>>, vector<1x64xf32>
    %add3A_32 = vector.broadcast %get3A_31 : vector<1x64xf32> to vector<256x64xf32>
    %add3A_33 = arith.addf %dot_general3A_28, %add3A_32 : vector<256x64xf32>
    %broadcast_in_dim3A_34 = vector.shape_cast %add3A_33 : vector<256x64xf32> to vector<256x1x64xf32>
    %broadcast_in_dim3A_35 = vector.shape_cast %broadcast_in_dim3A_34 : vector<256x1x64xf32> to vector<256x1x64xf32>
    %broadcast_in_dim3A_36 = vector.broadcast %broadcast_in_dim3A_35 : vector<256x1x64xf32> to vector<256x32x64xf32>
    %reshape3A_37 = vector.shape_cast %broadcast_in_dim3A_36 : vector<256x32x64xf32> to vector<8192x64xf32>
    %concatenate3A = tpu.concatenate %reshape3A_22, %reshape3A_23 in 1 : vector<8192x64xf32>, vector<8192x1xf32> -> vector<8192x65xf32>
    %get3A_38 = arith.constant 0 : index
    %get3A_39 = arith.constant 0 : index
    %get3A_40 = vector.load %arg5[%get3A_38, %get3A_39] : memref<64x64xf32, #tpu.memory_space<vmem>>, vector<64x64xf32>
    %get3A_41 = arith.constant 0 : index
    %get3A_42 = arith.constant 0 : index
    %get3A_43 = vector.load %arg6[%get3A_41, %get3A_42] : memref<1x64xf32, #tpu.memory_space<vmem>>, vector<1x64xf32>
    %concatenate3A_44 = tpu.concatenate %get3A_40, %get3A_43 in 0 : vector<64x64xf32>, vector<1x64xf32> -> vector<65x64xf32>
    %convert_element_type3A_45 = arith.truncf %concatenate3A : vector<8192x65xf32> to vector<8192x65xbf16>
    %convert_element_type3A_46 = arith.truncf %concatenate3A_44 : vector<65x64xf32> to vector<65x64xbf16>
    %dot_general3A_47 = arith.constant dense<0.000000e+00> : vector<8192x64xf32>
    %dot_general3A_48 = tpu.matmul %convert_element_type3A_45, %convert_element_type3A_46, %dot_general3A_47 {dimension_numbers = #tpu.dot_dimension_numbers<[1], [0], [0], [1], [0, 0, 1, 1], [], []>, transpose_lhs_hint = false} : vector<8192x65xbf16>, vector<65x64xbf16>, vector<8192x64xf32> -> vector<8192x64xf32>
    %add3A_49 = arith.addf %reshape3A_37, %dot_general3A_48 : vector<8192x64xf32>
    %logistic3A = arith.negf %add3A_49 : vector<8192x64xf32>
    %logistic3A_50 = math.exp %logistic3A : vector<8192x64xf32>
    %logistic3A_51 = arith.constant 1.000000e+00 : f32
    %logistic3A_52 = vector.broadcast %logistic3A_51 : f32 to vector<8192x64xf32>
    %logistic3A_53 = arith.addf %logistic3A_52, %logistic3A_50 : vector<8192x64xf32>
    %logistic3A_54 = arith.divf %logistic3A_52, %logistic3A_53 : vector<8192x64xf32>
    %mul3A_55 = arith.mulf %add3A_49, %logistic3A_54 : vector<8192x64xf32>
    %get3A_56 = arith.constant 0 : index
    %get3A_57 = arith.constant 0 : index
    %get3A_58 = vector.load %arg8[%get3A_56, %get3A_57] : memref<64x64xf32, #tpu.memory_space<vmem>>, vector<64x64xf32>
    %convert_element_type3A_59 = arith.truncf %mul3A_55 : vector<8192x64xf32> to vector<8192x64xbf16>
    %convert_element_type3A_60 = arith.truncf %get3A_58 : vector<64x64xf32> to vector<64x64xbf16>
    %dot_general3A_61 = arith.constant dense<0.000000e+00> : vector<8192x64xf32>
    %dot_general3A_62 = tpu.matmul %convert_element_type3A_59, %convert_element_type3A_60, %dot_general3A_61 {dimension_numbers = #tpu.dot_dimension_numbers<[1], [0], [0], [1], [0, 0, 1, 1], [], []>, transpose_lhs_hint = false} : vector<8192x64xbf16>, vector<64x64xbf16>, vector<8192x64xf32> -> vector<8192x64xf32>
    %get3A_63 = arith.constant 0 : index
    %get3A_64 = arith.constant 0 : index
    %get3A_65 = vector.load %arg9[%get3A_63, %get3A_64] : memref<1x64xf32, #tpu.memory_space<vmem>>, vector<1x64xf32>
    %add3A_66 = vector.broadcast %get3A_65 : vector<1x64xf32> to vector<8192x64xf32>
    %add3A_67 = arith.addf %dot_general3A_62, %add3A_66 : vector<8192x64xf32>
    %logistic3A_68 = arith.negf %add3A_67 : vector<8192x64xf32>
    %logistic3A_69 = math.exp %logistic3A_68 : vector<8192x64xf32>
    %logistic3A_70 = arith.constant 1.000000e+00 : f32
    %logistic3A_71 = vector.broadcast %logistic3A_70 : f32 to vector<8192x64xf32>
    %logistic3A_72 = arith.addf %logistic3A_71, %logistic3A_69 : vector<8192x64xf32>
    %logistic3A_73 = arith.divf %logistic3A_71, %logistic3A_72 : vector<8192x64xf32>
    %mul3A_74 = arith.mulf %add3A_67, %logistic3A_73 : vector<8192x64xf32>
    %get3A_75 = arith.constant 0 : index
    %get3A_76 = arith.constant 0 : index
    %get3A_77 = vector.load %arg10[%get3A_75, %get3A_76] : memref<64x64xf32, #tpu.memory_space<vmem>>, vector<64x64xf32>
    %convert_element_type3A_78 = arith.truncf %mul3A_74 : vector<8192x64xf32> to vector<8192x64xbf16>
    %convert_element_type3A_79 = arith.truncf %get3A_77 : vector<64x64xf32> to vector<64x64xbf16>
    %dot_general3A_80 = arith.constant dense<0.000000e+00> : vector<8192x64xf32>
    %dot_general3A_81 = tpu.matmul %convert_element_type3A_78, %convert_element_type3A_79, %dot_general3A_80 {dimension_numbers = #tpu.dot_dimension_numbers<[1], [0], [0], [1], [0, 0, 1, 1], [], []>, transpose_lhs_hint = false} : vector<8192x64xbf16>, vector<64x64xbf16>, vector<8192x64xf32> -> vector<8192x64xf32>
    %get3A_82 = arith.constant 0 : index
    %get3A_83 = arith.constant 0 : index
    %get3A_84 = vector.load %arg11[%get3A_82, %get3A_83] : memref<1x64xf32, #tpu.memory_space<vmem>>, vector<1x64xf32>
    %add3A_85 = vector.broadcast %get3A_84 : vector<1x64xf32> to vector<8192x64xf32>
    %add3A_86 = arith.addf %dot_general3A_81, %add3A_85 : vector<8192x64xf32>
    %logistic3A_87 = arith.negf %add3A_86 : vector<8192x64xf32>
    %logistic3A_88 = math.exp %logistic3A_87 : vector<8192x64xf32>
    %logistic3A_89 = arith.constant 1.000000e+00 : f32
    %logistic3A_90 = vector.broadcast %logistic3A_89 : f32 to vector<8192x64xf32>
    %logistic3A_91 = arith.addf %logistic3A_90, %logistic3A_88 : vector<8192x64xf32>
    %logistic3A_92 = arith.divf %logistic3A_90, %logistic3A_91 : vector<8192x64xf32>
    %mul3A_93 = arith.mulf %add3A_86, %logistic3A_92 : vector<8192x64xf32>
    %get3A_94 = arith.constant 0 : index
    %get3A_95 = arith.constant 0 : index
    %get3A_96 = vector.load %arg12[%get3A_94, %get3A_95] : memref<64x1xf32, #tpu.memory_space<vmem>>, vector<64x1xf32>
    %convert_element_type3A_97 = arith.truncf %mul3A_93 : vector<8192x64xf32> to vector<8192x64xbf16>
    %convert_element_type3A_98 = arith.truncf %get3A_96 : vector<64x1xf32> to vector<64x1xbf16>
    %dot_general3A_99 = arith.constant dense<0.000000e+00> : vector<8192x1xf32>
    %dot_general3A_100 = tpu.matmul %convert_element_type3A_97, %convert_element_type3A_98, %dot_general3A_99 {dimension_numbers = #tpu.dot_dimension_numbers<[1], [0], [0], [1], [0, 0, 1, 1], [], []>, transpose_lhs_hint = false} : vector<8192x64xbf16>, vector<64x1xbf16>, vector<8192x1xf32> -> vector<8192x1xf32>
    %get3A_101 = arith.constant 0 : index
    %get3A_102 = arith.constant 0 : index
    %get3A_103 = vector.load %arg13[%get3A_101, %get3A_102] : memref<1x1xf32, #tpu.memory_space<vmem>>, vector<1x1xf32>
    %add3A_104 = vector.broadcast %get3A_103 : vector<1x1xf32> to vector<8192x1xf32>
    %add3A_105 = arith.addf %dot_general3A_100, %add3A_104 : vector<8192x1xf32>
    %reshape3A_106 = vector.shape_cast %add3A_105 : vector<8192x1xf32> to vector<256x32x1xf32>
    %mul3A_107 = vector.broadcast %reshape3A_106 : vector<256x32x1xf32> to vector<256x32x2xf32>
    %mul3A_108 = arith.mulf %sub3A_15, %mul3A_107 : vector<256x32x2xf32>
    %reduce_sum3A = arith.constant dense<0.000000e+00> : vector<256x2xf32>
    %reduce_sum3A_109 = vector.multi_reduction <add>, %mul3A_108, %reduce_sum3A [1] : vector<256x32x2xf32> to vector<256x2xf32>
    %div3A = vector.broadcast %slice3A_4 : vector<256x1xf32> to vector<256x2xf32>
    %div3A_110 = arith.divf %reduce_sum3A_109, %div3A : vector<256x2xf32>
    %get3A_111 = arith.constant 0 : index
    %get3A_112 = arith.constant 0 : index
    %get3A_113 = vector.load %arg14[%get3A_111, %get3A_112] : memref<64x64xf32, #tpu.memory_space<vmem>>, vector<64x64xf32>
    %convert_element_type3A_114 = arith.truncf %slice3A : vector<256x64xf32> to vector<256x64xbf16>
    %convert_element_type3A_115 = arith.truncf %get3A_113 : vector<64x64xf32> to vector<64x64xbf16>
    %dot_general3A_116 = arith.constant dense<0.000000e+00> : vector<256x64xf32>
    %dot_general3A_117 = tpu.matmul %convert_element_type3A_114, %convert_element_type3A_115, %dot_general3A_116 {dimension_numbers = #tpu.dot_dimension_numbers<[1], [0], [0], [1], [0, 0, 1, 1], [], []>, transpose_lhs_hint = false} : vector<256x64xbf16>, vector<64x64xbf16>, vector<256x64xf32> -> vector<256x64xf32>
    %get3A_118 = arith.constant 0 : index
    %get3A_119 = arith.constant 0 : index
    %get3A_120 = vector.load %arg15[%get3A_118, %get3A_119] : memref<1x64xf32, #tpu.memory_space<vmem>>, vector<1x64xf32>
    %add3A_121 = vector.broadcast %get3A_120 : vector<1x64xf32> to vector<256x64xf32>
    %add3A_122 = arith.addf %dot_general3A_117, %add3A_121 : vector<256x64xf32>
    %logistic3A_123 = arith.negf %add3A_122 : vector<256x64xf32>
    %logistic3A_124 = math.exp %logistic3A_123 : vector<256x64xf32>
    %logistic3A_125 = arith.constant 1.000000e+00 : f32
    %logistic3A_126 = vector.broadcast %logistic3A_125 : f32 to vector<256x64xf32>
    %logistic3A_127 = arith.addf %logistic3A_126, %logistic3A_124 : vector<256x64xf32>
    %logistic3A_128 = arith.divf %logistic3A_126, %logistic3A_127 : vector<256x64xf32>
    %mul3A_129 = arith.mulf %add3A_122, %logistic3A_128 : vector<256x64xf32>
    %get3A_130 = arith.constant 0 : index
    %get3A_131 = arith.constant 0 : index
    %get3A_132 = vector.load %arg16[%get3A_130, %get3A_131] : memref<64x1xf32, #tpu.memory_space<vmem>>, vector<64x1xf32>
    %convert_element_type3A_133 = arith.truncf %mul3A_129 : vector<256x64xf32> to vector<256x64xbf16>
    %convert_element_type3A_134 = arith.truncf %get3A_132 : vector<64x1xf32> to vector<64x1xbf16>
    %dot_general3A_135 = arith.constant dense<0.000000e+00> : vector<256x1xf32>
    %dot_general3A_136 = tpu.matmul %convert_element_type3A_133, %convert_element_type3A_134, %dot_general3A_135 {dimension_numbers = #tpu.dot_dimension_numbers<[1], [0], [0], [1], [0, 0, 1, 1], [], []>, transpose_lhs_hint = false} : vector<256x64xbf16>, vector<64x1xbf16>, vector<256x1xf32> -> vector<256x1xf32>
    %get3A_137 = arith.constant 0 : index
    %get3A_138 = arith.constant 0 : index
    %get3A_139 = vector.load %arg17[%get3A_137, %get3A_138] : memref<1x1xf32, #tpu.memory_space<vmem>>, vector<1x1xf32>
    %add3A_140 = vector.broadcast %get3A_139 : vector<1x1xf32> to vector<256x1xf32>
    %add3A_141 = arith.addf %dot_general3A_136, %add3A_140 : vector<256x1xf32>
    %mul3A_142 = vector.broadcast %add3A_141 : vector<256x1xf32> to vector<256x2xf32>
    %mul3A_143 = arith.mulf %mul3A_142, %slice3A_9 : vector<256x2xf32>
    %add3A_144 = arith.addf %mul3A_143, %div3A_110 : vector<256x2xf32>
    %add3A_145 = arith.addf %slice3A_8, %add3A_144 : vector<256x2xf32>
    %add3A_146 = arith.addf %slice3A_3, %add3A_145 : vector<256x2xf32>
    %reshape3A_147 = vector.shape_cast %mul3A_74 : vector<8192x64xf32> to vector<256x32x64xf32>
    %reduce_sum3A_148 = arith.constant dense<0.000000e+00> : vector<256x64xf32>
    %reduce_sum3A_149 = vector.multi_reduction <add>, %reshape3A_147, %reduce_sum3A_148 [1] : vector<256x32x64xf32> to vector<256x64xf32>
    %get3A_150 = arith.constant 0 : index
    %get3A_151 = arith.constant 0 : index
    %get3A_152 = vector.load %arg18[%get3A_150, %get3A_151] : memref<64x64xf32, #tpu.memory_space<vmem>>, vector<64x64xf32>
    %convert_element_type3A_153 = arith.truncf %slice3A : vector<256x64xf32> to vector<256x64xbf16>
    %convert_element_type3A_154 = arith.truncf %get3A_152 : vector<64x64xf32> to vector<64x64xbf16>
    %dot_general3A_155 = arith.constant dense<0.000000e+00> : vector<256x64xf32>
    %dot_general3A_156 = tpu.matmul %convert_element_type3A_153, %convert_element_type3A_154, %dot_general3A_155 {dimension_numbers = #tpu.dot_dimension_numbers<[1], [0], [0], [1], [0, 0, 1, 1], [], []>, transpose_lhs_hint = false} : vector<256x64xbf16>, vector<64x64xbf16>, vector<256x64xf32> -> vector<256x64xf32>
    %get3A_157 = arith.constant 0 : index
    %get3A_158 = arith.constant 0 : index
    %get3A_159 = vector.load %arg19[%get3A_157, %get3A_158] : memref<64x64xf32, #tpu.memory_space<vmem>>, vector<64x64xf32>
    %convert_element_type3A_160 = arith.truncf %reduce_sum3A_149 : vector<256x64xf32> to vector<256x64xbf16>
    %convert_element_type3A_161 = arith.truncf %get3A_159 : vector<64x64xf32> to vector<64x64xbf16>
    %dot_general3A_162 = arith.constant dense<0.000000e+00> : vector<256x64xf32>
    %dot_general3A_163 = tpu.matmul %convert_element_type3A_160, %convert_element_type3A_161, %dot_general3A_162 {dimension_numbers = #tpu.dot_dimension_numbers<[1], [0], [0], [1], [0, 0, 1, 1], [], []>, transpose_lhs_hint = false} : vector<256x64xbf16>, vector<64x64xbf16>, vector<256x64xf32> -> vector<256x64xf32>
    %add3A_164 = arith.addf %dot_general3A_156, %dot_general3A_163 : vector<256x64xf32>
    %get3A_165 = arith.constant 0 : index
    %get3A_166 = arith.constant 0 : index
    %get3A_167 = vector.load %arg20[%get3A_165, %get3A_166] : memref<1x64xf32, #tpu.memory_space<vmem>>, vector<1x64xf32>
    %add3A_168 = vector.broadcast %get3A_167 : vector<1x64xf32> to vector<256x64xf32>
    %add3A_169 = arith.addf %add3A_164, %add3A_168 : vector<256x64xf32>
    %logistic3A_170 = arith.negf %add3A_169 : vector<256x64xf32>
    %logistic3A_171 = math.exp %logistic3A_170 : vector<256x64xf32>
    %logistic3A_172 = arith.constant 1.000000e+00 : f32
    %logistic3A_173 = vector.broadcast %logistic3A_172 : f32 to vector<256x64xf32>
    %logistic3A_174 = arith.addf %logistic3A_173, %logistic3A_171 : vector<256x64xf32>
    %logistic3A_175 = arith.divf %logistic3A_173, %logistic3A_174 : vector<256x64xf32>
    %mul3A_176 = arith.mulf %add3A_169, %logistic3A_175 : vector<256x64xf32>
    %get3A_177 = arith.constant 0 : index
    %get3A_178 = arith.constant 0 : index
    %get3A_179 = vector.load %arg21[%get3A_177, %get3A_178] : memref<64x64xf32, #tpu.memory_space<vmem>>, vector<64x64xf32>
    %convert_element_type3A_180 = arith.truncf %mul3A_176 : vector<256x64xf32> to vector<256x64xbf16>
    %convert_element_type3A_181 = arith.truncf %get3A_179 : vector<64x64xf32> to vector<64x64xbf16>
    %dot_general3A_182 = arith.constant dense<0.000000e+00> : vector<256x64xf32>
    %dot_general3A_183 = tpu.matmul %convert_element_type3A_180, %convert_element_type3A_181, %dot_general3A_182 {dimension_numbers = #tpu.dot_dimension_numbers<[1], [0], [0], [1], [0, 0, 1, 1], [], []>, transpose_lhs_hint = false} : vector<256x64xbf16>, vector<64x64xbf16>, vector<256x64xf32> -> vector<256x64xf32>
    %add3A_184 = arith.addf %slice3A, %dot_general3A_183 : vector<256x64xf32>
    %get3A_185 = arith.constant 0 : index
    %get3A_186 = arith.constant 0 : index
    %get3A_187 = vector.load %arg22[%get3A_185, %get3A_186] : memref<1x64xf32, #tpu.memory_space<vmem>>, vector<1x64xf32>
    %add3A_188 = vector.broadcast %get3A_187 : vector<1x64xf32> to vector<256x64xf32>
    %add3A_189 = arith.addf %add3A_184, %add3A_188 : vector<256x64xf32>
    %broadcast_in_dim3A_190 = arith.constant 0.000000e+00 : f32
    %broadcast_in_dim3A_191 = vector.broadcast %broadcast_in_dim3A_190 : f32 to vector<256x13xf32>
    %broadcast_in_dim3A_192 = arith.constant 0.000000e+00 : f32
    %broadcast_in_dim3A_193 = vector.broadcast %broadcast_in_dim3A_192 : f32 to vector<256x64xf32>
    %concatenate3A_194 = tpu.concatenate %add3A_189, %add3A_146, %slice3A_4, %broadcast_in_dim3A_191 in 1 : vector<256x64xf32>, vector<256x2xf32>, vector<256x1xf32>, vector<256x13xf32> -> vector<256x80xf32>
    %concatenate3A_195 = tpu.concatenate %broadcast_in_dim3A_193, %add3A_146, %slice3A_4, %broadcast_in_dim3A_191 in 1 : vector<256x64xf32>, vector<256x2xf32>, vector<256x1xf32>, vector<256x13xf32> -> vector<256x80xf32>
    %broadcast_in_dim3A_196 = vector.shape_cast %concatenate3A_194 : vector<256x80xf32> to vector<1x256x80xf32>
    %broadcast_in_dim3A_197 = vector.shape_cast %concatenate3A_195 : vector<256x80xf32> to vector<1x256x80xf32>
    %concatenate3A_198 = tpu.concatenate %broadcast_in_dim3A_196, %broadcast_in_dim3A_197 in 0 : vector<1x256x80xf32>, vector<1x256x80xf32> -> vector<2x256x80xf32>
    %swap3A = arith.constant 0 : index
    %swap3A_199 = arith.constant 0 : index
    %swap3A_200 = arith.constant 0 : index
    %swap3A_201 = vector.load %arg23[%swap3A, %swap3A_199, %swap3A_200] : memref<2x256x80xf32, #tpu.memory_space<vmem>>, vector<2x256x80xf32>
    tpu.vector_store %arg23[%swap3A, %swap3A_199, %swap3A_200], %concatenate3A_198 {strides = array<i32>} : memref<2x256x80xf32, #tpu.memory_space<vmem>>, vector<2x256x80xf32>,
    %concatenate3A_202 = tpu.concatenate %add3A_146, %add3A_145, %slice3A_9, %add3A_144 in 1 : vector<256x2xf32>, vector<256x2xf32>, vector<256x2xf32>, vector<256x2xf32> -> vector<256x8xf32>
    %swap3A_203 = arith.constant 0 : index
    %swap3A_204 = arith.constant 0 : index
    %swap3A_205 = vector.load %arg24[%swap3A_203, %swap3A_204] : memref<256x8xf32, #tpu.memory_space<vmem>>, vector<256x8xf32>
    tpu.vector_store %arg24[%swap3A_203, %swap3A_204], %concatenate3A_202 {strides = array<i32>} : memref<256x8xf32, #tpu.memory_space<vmem>>, vector<256x8xf32>,
    return
  }
  func.func @transform_0(%arg0: i32) -> (i32, i32, i32) {
    %c0_i32 = arith.constant 0 : i32
    %c0_i32_0 = arith.constant 0 : i32
    %c0_i32_1 = arith.constant 0 : i32
    return %c0_i32, %arg0, %c0_i32_0 : i32, i32, i32
  }
  func.func @transform_1(%arg0: i32) -> (i32, i32) {
    %c0_i32 = arith.constant 0 : i32
    %c0_i32_0 = arith.constant 0 : i32
    return %arg0, %c0_i32 : i32, i32
  }
  func.func @transform_2(%arg0: i32) -> (i32, i32) {
    %c0_i32 = arith.constant 0 : i32
    %c0_i32_0 = arith.constant 0 : i32
    return %arg0, %c0_i32 : i32, i32
  }
  func.func @transform_3(%arg0: i32) -> (i32, i32) {
    %c0_i32 = arith.constant 0 : i32
    %c0_i32_0 = arith.constant 0 : i32
    %c0_i32_1 = arith.constant 0 : i32
    return %c0_i32, %c0_i32_0 : i32, i32
  }
  func.func @transform_4(%arg0: i32) -> (i32, i32) {
    %c0_i32 = arith.constant 0 : i32
    %c0_i32_0 = arith.constant 0 : i32
    %c0_i32_1 = arith.constant 0 : i32
    return %c0_i32, %c0_i32_0 : i32, i32
  }
  func.func @transform_5(%arg0: i32) -> (i32, i32) {
    %c0_i32 = arith.constant 0 : i32
    %c0_i32_0 = arith.constant 0 : i32
    %c0_i32_1 = arith.constant 0 : i32
    return %c0_i32, %c0_i32_0 : i32, i32
  }
  func.func @transform_6(%arg0: i32) -> (i32, i32) {
    %c0_i32 = arith.constant 0 : i32
    %c0_i32_0 = arith.constant 0 : i32
    %c0_i32_1 = arith.constant 0 : i32
    return %c0_i32, %c0_i32_0 : i32, i32
  }
  func.func @transform_7(%arg0: i32) -> (i32, i32) {
    %c0_i32 = arith.constant 0 : i32
    %c0_i32_0 = arith.constant 0 : i32
    %c0_i32_1 = arith.constant 0 : i32
    return %c0_i32, %c0_i32_0 : i32, i32
  }
  func.func @transform_8(%arg0: i32) -> (i32, i32) {
    %c0_i32 = arith.constant 0 : i32
    %c0_i32_0 = arith.constant 0 : i32
    %c0_i32_1 = arith.constant 0 : i32
    return %c0_i32, %c0_i32_0 : i32, i32
  }
  func.func @transform_9(%arg0: i32) -> (i32, i32) {
    %c0_i32 = arith.constant 0 : i32
    %c0_i32_0 = arith.constant 0 : i32
    %c0_i32_1 = arith.constant 0 : i32
    return %c0_i32, %c0_i32_0 : i32, i32
  }
  func.func @transform_10(%arg0: i32) -> (i32, i32) {
    %c0_i32 = arith.constant 0 : i32
    %c0_i32_0 = arith.constant 0 : i32
    %c0_i32_1 = arith.constant 0 : i32
    return %c0_i32, %c0_i32_0 : i32, i32
  }
  func.func @transform_11(%arg0: i32) -> (i32, i32) {
    %c0_i32 = arith.constant 0 : i32
    %c0_i32_0 = arith.constant 0 : i32
    %c0_i32_1 = arith.constant 0 : i32
    return %c0_i32, %c0_i32_0 : i32, i32
  }
  func.func @transform_12(%arg0: i32) -> (i32, i32) {
    %c0_i32 = arith.constant 0 : i32
    %c0_i32_0 = arith.constant 0 : i32
    %c0_i32_1 = arith.constant 0 : i32
    return %c0_i32, %c0_i32_0 : i32, i32
  }
  func.func @transform_13(%arg0: i32) -> (i32, i32) {
    %c0_i32 = arith.constant 0 : i32
    %c0_i32_0 = arith.constant 0 : i32
    %c0_i32_1 = arith.constant 0 : i32
    return %c0_i32, %c0_i32_0 : i32, i32
  }
  func.func @transform_14(%arg0: i32) -> (i32, i32) {
    %c0_i32 = arith.constant 0 : i32
    %c0_i32_0 = arith.constant 0 : i32
    %c0_i32_1 = arith.constant 0 : i32
    return %c0_i32, %c0_i32_0 : i32, i32
  }
  func.func @transform_15(%arg0: i32) -> (i32, i32) {
    %c0_i32 = arith.constant 0 : i32
    %c0_i32_0 = arith.constant 0 : i32
    %c0_i32_1 = arith.constant 0 : i32
    return %c0_i32, %c0_i32_0 : i32, i32
  }
  func.func @transform_16(%arg0: i32) -> (i32, i32) {
    %c0_i32 = arith.constant 0 : i32
    %c0_i32_0 = arith.constant 0 : i32
    %c0_i32_1 = arith.constant 0 : i32
    return %c0_i32, %c0_i32_0 : i32, i32
  }
  func.func @transform_17(%arg0: i32) -> (i32, i32) {
    %c0_i32 = arith.constant 0 : i32
    %c0_i32_0 = arith.constant 0 : i32
    %c0_i32_1 = arith.constant 0 : i32
    return %c0_i32, %c0_i32_0 : i32, i32
  }
  func.func @transform_18(%arg0: i32) -> (i32, i32) {
    %c0_i32 = arith.constant 0 : i32
    %c0_i32_0 = arith.constant 0 : i32
    %c0_i32_1 = arith.constant 0 : i32
    return %c0_i32, %c0_i32_0 : i32, i32
  }
  func.func @transform_19(%arg0: i32) -> (i32, i32) {
    %c0_i32 = arith.constant 0 : i32
    %c0_i32_0 = arith.constant 0 : i32
    %c0_i32_1 = arith.constant 0 : i32
    return %c0_i32, %c0_i32_0 : i32, i32
  }
  func.func @transform_20(%arg0: i32) -> (i32, i32) {
    %c0_i32 = arith.constant 0 : i32
    %c0_i32_0 = arith.constant 0 : i32
    %c0_i32_1 = arith.constant 0 : i32
    return %c0_i32, %c0_i32_0 : i32, i32
  }
  func.func @transform_21(%arg0: i32) -> (i32, i32) {
    %c0_i32 = arith.constant 0 : i32
    %c0_i32_0 = arith.constant 0 : i32
    %c0_i32_1 = arith.constant 0 : i32
    return %c0_i32, %c0_i32_0 : i32, i32
  }
  func.func @transform_22(%arg0: i32) -> (i32, i32, i32) {
    %c0_i32 = arith.constant 0 : i32
    %c0_i32_0 = arith.constant 0 : i32
    %c0_i32_1 = arith.constant 0 : i32
    return %c0_i32, %arg0, %c0_i32_0 : i32, i32, i32
  }
  func.func @transform_23(%arg0: i32) -> (i32, i32) {
    %c0_i32 = arith.constant 0 : i32
    %c0_i32_0 = arith.constant 0 : i32
    return %arg0, %c0_i32 : i32, i32
  }
}

</mosaic_0001>

<sc_bundles>
// kernel: kernel.12.cloned.1.call-start
scs
__scs_entry_jumppad:
0x0: {  	(pc) =	sbr.rel $0x88, $3  }
0x1: {  	(tag) =	ssettag $0x0;
	lr =	simm.s32 $0x1  }
0x2: {  	[smem:$0x3F6B] =	sst lr;
	_ =	strace $0xD0000000  }
0x3: {  	_ = 	snop  }
0x4: {  	_ = 	snop  }
0x5: {  	_ = 	snop  }
0x6: {  	_ = 	snop  }
0x7: {  	_ = 	snop  }
__scs_overlays_trampoline_lowered:
0x8: {  	[smem:$0x3F7A] =	sst s0  }
0x9: {  	[smem:$0x3F7B] =	sst s1  }
0xa: {  	[smem:$0x3F7C] =	sst s2  }
0xb: {  	[smem:$0x3F7D] =	sst s3  }
0xc: {  	[smem:$0x3F7E] =	sst s4  }
0xd: {  	[smem:$0x3F7F] =	sst s5  }
0xe: {  	[smem:$0x3F80] =	sst s6  }
0xf: {  	[smem:$0x3F81] =	sst s7  }
0x10: {  	[smem:$0x3F82] =	sst s8  }
0x11: {  	[smem:$0x3F83] =	sst s9;
	s0 =	simm.s32 @!p0 $0x0  }
0x12: {  	s1 =	sld [smem:$0x3F69];
	s0 =	simm.s32 @p0 $0x1  }
0x13: {  	[smem:$0x3F84] =	sst s0;
	s0 =	simm.s32 @!p1 $0x0  }
0x14: {  	s2 =	sld [smem:$0x3F68];
	s0 =	simm.s32 @p1 $0x1  }
0x15: {  	[smem:$0x3F85] =	sst s0;
	s0 =	simm.s32 @!p2 $0x0  }
0x16: {  	s3 =	sld [smem:$0x3FDB];
	s0 =	simm.s32 @p2 $0x1  }
0x17: {  	s4 =	simm.s32 $0x1BF5;
	[smem:$0x3F87] =	sst s0  }
0x18: {  	s0 =	sld [smem:$0x3F6A];
	_ =	swait.ge [sflag:s4], $0x0  }
0x19: {  	s7 =	sld [smem:$0x3F6B]  }
0x1a: {  	s8 =	sadd.s32 $0xFFFFE003, lr  }
0x1b: {  	s9 =	sadd.s32 $0xFFFFFEF7, lr;
	s5 =	simm.s32 $0xFFFFFFFF;
	p2 =	slt.u32 s8, $0xFFFFF086  }
0x1c: {  	p1 =	slt.u32 s9, $0xF7A;
	s5 =	simm.s32 @!p2 $0x0  }
0x1d: {  	s5 =	simm.s32 @p1 $0x1;
	p0 =	seq.s32 s7, s2  }
0x1e: {  	s7 =	smul.u32 @!p0 $0xF7A, s2;
	p2 =	seq.s32 @!p0 s5, $0x0  }
0x1f: {  	s9 =	smul.u32 $0xF7A, s1;
	s8 =	simm.s32 @!p0 $0x1BF5;
	p2 =	por !p2, p0  }
0x20: {  	[sflag:s8] =	ssyncset.s32 @!p0 $0xFFFFF086;
	s6 =	sadd.s32 @!p0 s3, s7;
	s7 =	simm.s32 @!p0 $0x108  }
0x21: {  	s3 =	sadd.s32 s3, s9;
	s6 =	sadd.s32 @!p0 $0x88, s6;
	s7 =	simm.s32 @p2 $0x1082  }
0x22: {  	[simem:s7], [sflag:s8] =	dma.local @!p0 [hbm:s6], $0xF7A  }
0x23: {  	s9 =	sor.u32 $0xD0000000, s2;
	s6 =	simm.s32 $0x108;
	_ =	swait.ge @!p0 [sflag:s8], $0x0  }
0x24: {  	s3 =	sadd.s32 $0x88, s3;
	s6 =	simm.s32 @!p1 $0x1082;
	[sflag:s4] =	ssyncset.s32 $0xFFFFF086  }
0x25: {  	[simem:s6], [sflag:s4] =	dma.local [hbm:s3], $0xF7A  }
0x26: {  	[smem:$0x3F6B] =	sst s1;
	(tag) =	ssettag s2;
	_ =	strace s9  }
0x27: {  	s1 =	sld [smem:$0x3F7B]  }
0x28: {  	s2 =	sld [smem:$0x3F7C]  }
0x29: {  	s4 =	sld [smem:$0x3F7E]  }
0x2a: {  	p0 =	seq.s32 s5, $0x0;
	s5 =	sld [smem:$0x3F7F]  }
0x2b: {  	s6 =	sld [smem:$0x3F80]  }
0x2c: {  	s7 =	sld [smem:$0x3F81]  }
0x2d: {  	s3 =	simm.s32 $0x108;
	s8 =	sld [smem:$0x3F82]  }
0x2e: {  	s3 =	simm.s32 @!p0 $0x1082;
	s9 =	sld [smem:$0x3F83]  }
0x2f: {  	lr =	sadd.s32 s0, s3;
	s0 =	sld [smem:$0x3F7A]  }
0x30: {  	s3 =	sld [smem:$0x3F7D]  }
0x31: {  	[smem:$0x3F86] =	sst s10  }
0x32: {  	s10 =	sld [smem:$0x3F84];
	_ =	sdelay $0x3  }
0x33: {  	p0 =	seq.s32 s10, $0x1;
	s10 =	sld [smem:$0x3F86];
	_ =	sdelay $0x3  }
0x34: {  	[smem:$0x3F86] =	sst s10  }
0x35: {  	s10 =	sld [smem:$0x3F85];
	_ =	sdelay $0x3  }
0x36: {  	p1 =	seq.s32 s10, $0x1;
	s10 =	sld [smem:$0x3F86];
	_ =	sdelay $0x3  }
0x37: {  	[smem:$0x3F86] =	sst s10  }
0x38: {  	s10 =	sld [smem:$0x3F87]  }
0x39: {  	_ = 	snop;
	(pc) =	sbr.ind lr, $3  }
0x3a: {  	_ = 	snop  }
0x3b: {  	_ = 	snop  }
0x3c: {  	p2 =	seq.s32 s10, $0x1;
	s10 =	sld [smem:$0x3F86]  }
0x3d: {  	_ =	shalt  }
0x3e: {  	_ =	shalt  }
0x3f: {  	_ =	shalt  }
0x40: {  	_ =	shalt  }
0x41: {  	_ =	shalt  }
0x42: {  	_ =	shalt  }
0x43: {  	_ =	shalt  }
0x44: {  	_ =	shalt  }
0x45: {  	_ =	shalt  }
0x46: {  	_ =	shalt  }
0x47: {  	_ =	shalt  }
0x48: {  	_ =	shalt  }
0x49: {  	_ =	shalt  }
0x4a: {  	_ =	shalt  }
0x4b: {  	_ =	shalt  }
0x4c: {  	_ =	shalt  }
0x4d: {  	_ =	shalt  }
0x4e: {  	_ =	shalt  }
0x4f: {  	_ =	shalt  }
0x50: {  	_ =	shalt  }
0x51: {  	_ =	shalt  }
0x52: {  	_ =	shalt  }
0x53: {  	_ =	shalt  }
0x54: {  	_ =	shalt  }
0x55: {  	_ =	shalt  }
0x56: {  	_ =	shalt  }
0x57: {  	_ =	shalt  }
0x58: {  	_ =	shalt  }
0x59: {  	_ =	shalt  }
0x5a: {  	_ =	shalt  }
0x5b: {  	_ =	shalt  }
0x5c: {  	_ =	shalt  }
0x5d: {  	_ =	shalt  }
0x5e: {  	_ =	shalt  }
0x5f: {  	_ =	shalt  }
0x60: {  	_ =	shalt  }
0x61: {  	_ =	shalt  }
0x62: {  	_ =	shalt  }
0x63: {  	_ =	shalt  }
0x64: {  	_ =	shalt  }
0x65: {  	_ =	shalt  }
0x66: {  	_ =	shalt  }
0x67: {  	_ =	shalt  }
0x68: {  	_ =	shalt  }
0x69: {  	_ =	shalt  }
0x6a: {  	_ =	shalt  }
0x6b: {  	_ =	shalt  }
0x6c: {  	_ =	shalt  }
0x6d: {  	_ =	shalt  }
0x6e: {  	_ =	shalt  }
0x6f: {  	_ =	shalt  }
0x70: {  	_ =	shalt  }
0x71: {  	_ =	shalt  }
0x72: {  	_ =	shalt  }
0x73: {  	_ =	shalt  }
0x74: {  	_ =	shalt  }
0x75: {  	_ =	shalt  }
0x76: {  	_ =	shalt  }
0x77: {  	_ =	shalt  }
0x78: {  	_ =	shalt  }
0x79: {  	_ =	shalt  }
0x7a: {  	_ =	shalt  }
0x7b: {  	_ =	shalt  }
0x7c: {  	_ =	shalt  }
0x7d: {  	_ =	shalt  }
0x7e: {  	_ =	shalt  }
0x7f: {  	_ =	shalt  }
0x80: {  	_ =	shalt  }
0x81: {  	_ =	shalt  }
0x82: {  	_ =	shalt  }
0x83: {  	_ =	shalt  }
0x84: {  	_ =	shalt  }
0x85: {  	_ =	shalt  }
0x86: {  	_ =	shalt  }
0x87: {  	_ =	shalt  }
.Lfunc_end0:
.L_simem_size_0:
called_computation.1_lowered:
.L_overlay_start_0:
0x88: {  	s2 =	sld [smem:$0x3FD9]  }
0x89: {  	s3 =	sld [smem:$0x3FFE];
	_ =	sdelay $0x1  }
0x8a: {  	s1 =	srdreg.scid  }
0x8b: {  	s0 =	sand.u32 $0x1, s1  }
0x8c: {  	s16 =	sshll.u32 s0, $0xA;
	s2 =	sadd.s32 s3, s2  }
0x8d: {  	s2 =	sadd.s32 s2, s16  }
0x8e: {  	[smem:$0x3F92] =	sst s2  }
0x8f: {  	_ = 	snop  }
0x90: {  	(tm) =	ssettm $0x1  }
0x91: {  	s17 =	sld [smem:$0x3FFB];
	_ =	sdelay $0x3  }
0x92: {  	_ =	strace s17  }
0x93: {  	s2 =	sld [smem:$0x3FFC];
	_ =	sdelay $0x3  }
0x94: {  	_ =	strace s2  }
0x95: {  	s2 =	sld [smem:$0x3FFD];
	_ =	sdelay $0x3  }
0x96: {  	_ =	strace s2  }
0x97: {  	_ =	strace $0x8FFFFFFF  }
0x98: {  	s18 =	sld [smem:$0x3FDB];
	_ =	sdelay $0x1  }
0x99: {  	s19 =	simm.s32 $_scs_section_size  }
0x9a: {  	s4 =	simm.s32 $_size__tile_overlayer_lowered;
	s5 =	simm.s32 $_tile_overlayer_lowered  }
0x9b: {  	s22 =	simm.s32 $0x1BFF;
	s21 =	sshll.u32 s5, $0x1;
	s2 =	sadd.s32 s19, s18  }
0x9c: {  	s6 =	simm.s32 $0x0;
	s20 =	sshll.u32 s4, $0x1;
	s4 =	sadd.s32 s21, s2  }
0x9d: {  	[timem:s6], [sflag:s22] =	dma.local [hbm:s4], s20  }
0x9e: {  	_ =	swait.ge [sflag:s22], s20  }
0x9f: {  	s3 =	ssub.s32 $0x0, s20;
	[sflag:s22] =	ssyncset.done $0x0  }
0xa0: {  	[sflag:s22] =	ssyncadd.s32 s3;
	_ =	sdelay $0x1  }
0xa1: {  	s23 =	simm.s32 $0x1B8B  }
0xa2: {  	_ =	swait.ge [sflag:s23], $0x1  }
0xa3: {  	[sflag:s23] =	ssyncset.done $0x0  }
0xa4: {  	s25 =	simm.s32 $0x1B8E;
	s24 =	sld [smem:$0x3FFE];
	[sflag:s23] =	ssyncadd.s32 $0xFFFFFFFF  }
0xa5: {  	s26 =	simm.s32 $execute0_lowered;
	[smem:$0x3FD2] =	sst s25  }
0xa6: {  	s4 =	sshll.u32 s26, $0x1;
	_ =	strace $0x80000049;
	[dreg:$0x1] =	wrdreg $0xFFFFFFFF  }
0xa7: {  	s28 =	simm.s32 $_size_execute0_lowered;
	s2 =	sadd.s32 s2, s4;
	[dreg:$0x0] =	wrdreg $0x0  }
0xa8: {  	s4 =	sshll.u32 s28, $0x1;
	[dreg:$0x2] =	wrdreg s2  }
0xa9: {  	[dreg:$0x3] =	wrdreg s4  }
0xaa: {  	[dreg:$0x4] =	wrdreg $0xC0  }
0xab: {  	_ =	task [dreg:s6], $0x5FFFF  }
0xac: {  	[dreg:$0x1] =	wrdreg $0xFFFFFFFF  }
0xad: {  	[dreg:$0x0] =	wrdreg $0x60  }
0xae: {  	[dreg:$0x2] =	wrdreg s24  }
0xaf: {  	[dreg:$0x3] =	wrdreg $0x9  }
0xb0: {  	_ =	task.clear_ibuf [dreg:s6], $0x4FFFF;
	_ =	strace $0x90000049  }
0xb1: {  	s29 =	simm.s32 $0x9;
	_ =	strace $0x8000004B  }
0xb2: {  	_ =	swait.ge [sflag:s29], $0x1  }
0xb3: {  	[sflag:s29] =	ssyncadd.s32 $0xFFFFFFFF  }
0xb4: {  	_ =	strace $0x9000004B  }
0xb5: {  	_ =	sfence  }
0xb6: {  	s30 =	sld [smem:$0x0];
	_ =	sdelay $0x2  }
0xb7: {  	s31 =	sshll.u32 s1, $0xD;
	s1 =	sshrl.u32 s1, $0x2  }
0xb8: {  	s3 =	sand.u32 $0x4000, s31;
	s1 =	sadd.s32 s1, s30  }
0xb9: {  	s0 =	sor.u32 s3, s0;
	s1 =	sshll.u32 s1, $0x11  }
0xba: {  	s0 =	sor.u32 s1, s0  }
0xbb: {  	s0 =	sadd.s32 $0x8F2B, s0  }
0xbc: {  	[sflag:s0] =	ssyncadd.remote.s32 $0x1  }
0xbd: {  	_ =	sfence.sel $0xFFFF  }
0xbe: {  	[dreg:$0x0] =	wrdreg $0xFFFFFFFF;
	(pc) =	sbr.abs _section_cstart, $3  }
0xbf: {  	[dreg:$0x1] =	wrdreg $0xFFFFFFFF  }
0xc0: {  	_ =	task.clear_ibuf [dreg:s6], $0x2FFFF;
	_ =	strace $0x9FFFFFFF  }
0xc1: {  	(tm) =	ssettm $0x7FFFFFFF  }
tec
execute0_lowered:
.L_overlay_start_1:
0x0: {  	(tag) =	ssettag $0x1  }
0x1: {  	s4 =	rddreg [dreg:$0x0]  }
0x2: {  	s0 =	rddreg [dreg:$0x1];
	s3 =	srdreg.scid  }
0x3: {  	s2 =	simm.s32 $0x0;
	s1 =	stileid.u32;
	s13 =	simm.s32 $0x3800  }
0x4: {  	s14 =	simm.s32 $0x6000;
	s15 =	simm.s32 $0x8800;
	s16 =	simm.s32 $0x1  }
0x5: {  	s17 =	simm.s32 $0x2;
	s18 =	simm.s32 $0x3;
	s19 =	simm.s32 $0x4  }
0x6: {  	s20 =	simm.s32 $0x5;
	s21 =	simm.s32 $0x6;
	s22 =	simm.s32 $0x7  }
0x7: {  	s5 =	sand.u32 $0x1, s3;
	[smem:$0x7FF] =	sst s2;
	s7 =	smul.u32 $0x14000, s1  }
0x8: {  	s23 =	sshll.u32 s1, $0xD;
	s3 =	sadd.s32 $0x8800, s4;
	s10 =	smul.u32 $0xA0000, s1  }
0x9: {  	s11 =	sadd.s32 $0x20800, s4;
	s6 =	sshll.u32 s5, $0xC;
	s8 =	smul.u32 $0xA000, s5  }
0xa: {  	_ =	strace $0x8000004A;
	s9 =	ssub.s32 $0x2, s5;
	s12 =	smul.u32 $0x50000, s5  }
0xb: {  	s6 =	sor.u32 s6, s23;
	s24 =	sshrl.u32 s9, $0x1;
	s26 =	sadd.s32 s7, s11  }
0xc: {  	s23 =	simm.s32 $0x8;
	s6 =	sshrl.u32 s6, $0x3;
	s25 =	ssub.s32 s9, s24  }
0xd: {  	s28 =	sadd.s32 s12, s10;
	s10 =	simm.s32 $0x9;
	s12 =	simm.s32 $0x1000  }
0xe: {  	s24 =	simm.s32 $0x0;
	s6 =	sadd.s32 s6, s4;
	s5 =	smax.u32 s25, $0x1  }
0xf: {  	s29 =	sor.u32 $0x7800, s28;
	s30 =	sor.u32 $0x5000, s28;
	s7 =	sor.u32 $0x2800, s28  }
0x10: {  	s4 =	sadd.s32 $0x1C800, s6;
	s6 =	sadd.s32 s8, s26;
	s8 =	sshrl.u32 s29, $0x3  }
0x11: {  	s9 =	sshrl.u32 s30, $0x3;
	s31 =	sshrl.u32 s7, $0x3;
	s7 =	sadd.s32 s8, s11  }
0x12: {  	s8 =	sadd.s32 s9, s11;
	s9 =	sadd.s32 s31, s11;
	s11 =	simm.s32 $0x80  }
.LBB2_1:
0x13: {  	[tilespmem:s2], [sflag:$0x9] =	stream.linear.gather [hbm4b:s4+s2], $0x1000, $0x38;
	[tilespmem:$0xB000] =	vst v63  }
0x14: {  	_ =	swait.ge [sflag:s10], $0x1000  }
0x15: {  	[sflag:s10] =	ssyncset.done $0x0  }
0x16: {  	s25 =	simm.s32 $0x0;
	[sflag:s10] =	ssyncadd.s32 $0xFFFFF000  }
0x17: {  	[tilespmem:s12], [sflag:$0x1] =	stream.indirect.gather [hbm4b:s3+s11], $0x50, s25, s11, $0xb8;
	[tilespmem:$0xB000] =	vst v63  }
0x18: {  	s29 =	simm.s32 $0x80  }
0x19: {  	[tilespmem:s13], [sflag:$0x2] =	stream.indirect.gather [hbm4b:s3+s11], $0x50, s29, s11, $0xb8;
	[tilespmem:$0xB000] =	vst v63  }
0x1a: {  	s30 =	simm.s32 $0x100  }
0x1b: {  	[tilespmem:s14], [sflag:$0x3] =	stream.indirect.gather [hbm4b:s3+s11], $0x50, s30, s11, $0xb8;
	[tilespmem:$0xB000] =	vst v63  }
0x1c: {  	s31 =	simm.s32 $0x180  }
0x1d: {  	[tilespmem:s15], [sflag:$0x4] =	stream.indirect.gather [hbm4b:s3+s11], $0x50, s31, s11, $0xb8;
	[tilespmem:$0xB000] =	vst v63  }
0x1e: {  	_ =	swait.ge [sflag:s16], $0x2800  }
0x1f: {  	[sflag:s16] =	ssyncset.done $0x0  }
0x20: {  	s26 =	sadd.s32 $0x0, s6;
	[sflag:s16] =	ssyncadd.s32 $0xFFFFD800  }
0x21: {  	[hbm4b:s26+s2] =	stream.linear.scatter [tilespmem:s12], [sflag:$0x5], $0x2800, $0x38;
	[tilespmem:$0xB000] =	vst v63  }
0x22: {  	_ =	swait.ge [sflag:s17], $0x2800  }
0x23: {  	[sflag:s17] =	ssyncset.done $0x0  }
0x24: {  	s29 =	sadd.s32 $0x0, s9;
	[sflag:s17] =	ssyncadd.s32 $0xFFFFD800  }
0x25: {  	[hbm4b:s29+s2] =	stream.linear.scatter [tilespmem:s13], [sflag:$0x6], $0x2800, $0x38;
	[tilespmem:$0xB000] =	vst v63  }
0x26: {  	_ =	swait.ge [sflag:s18], $0x2800  }
0x27: {  	[sflag:s18] =	ssyncset.done $0x0  }
0x28: {  	s30 =	sadd.s32 $0x0, s8;
	[sflag:s18] =	ssyncadd.s32 $0xFFFFD800  }
0x29: {  	[hbm4b:s30+s2] =	stream.linear.scatter [tilespmem:s14], [sflag:$0x7], $0x2800, $0x38;
	[tilespmem:$0xB000] =	vst v63  }
0x2a: {  	_ =	swait.ge [sflag:s19], $0x2800  }
0x2b: {  	[sflag:s19] =	ssyncset.done $0x0  }
0x2c: {  	s31 =	sadd.s32 $0x0, s7;
	[sflag:s19] =	ssyncadd.s32 $0xFFFFD800  }
0x2d: {  	[hbm4b:s31+s2] =	stream.linear.scatter [tilespmem:s15], [sflag:$0x8], $0x2800, $0x38;
	[tilespmem:$0xB000] =	vst v63  }
0x2e: {  	_ =	swait.ge [sflag:s20], $0x2800  }
0x2f: {  	[sflag:s20] =	ssyncset.done $0x0  }
0x30: {  	[sflag:s20] =	ssyncadd.s32 $0xFFFFD800  }
0x31: {  	_ =	swait.ge [sflag:s21], $0x2800  }
0x32: {  	[sflag:s21] =	ssyncset.done $0x0  }
0x33: {  	[sflag:s21] =	ssyncadd.s32 $0xFFFFD800  }
0x34: {  	_ =	swait.ge [sflag:s22], $0x2800  }
0x35: {  	[sflag:s22] =	ssyncset.done $0x0  }
0x36: {  	[sflag:s22] =	ssyncadd.s32 $0xFFFFD800  }
0x37: {  	s28 =	simm.s32 $0x2800;
	_ =	swait.ge [sflag:s23], $0x2800  }
0x38: {  	s25 =	simm.s32 $0x1400;
	s26 =	simm.s32 $0x380;
	[sflag:s23] =	ssyncset.done $0x0  }
.LBB2_2:
0x39: {  	p0 =	sne.s32 s28, $0x8C00;
	s29 =	sadd.s32 $0xFFFFFE80, s26;
	[sflag:s23] =	ssyncadd.s32 $0xFFFFD800  }
0x3a: {  	[tilespmem:s12], [sflag:$0x1] =	stream.indirect.gather [hbm4b:s3+s11], $0x50, s29, s11, $0xb8;
	[tilespmem:$0xB000] =	vst v63  }
0x3b: {  	s30 =	smov.u32 s28;
	s28 =	sadd.s32 $0x1400, s28;
	s29 =	sadd.s32 $0xFFFFFF00, s26  }
0x3c: {  	[tilespmem:s13], [sflag:$0x2] =	stream.indirect.gather [hbm4b:s3+s11], $0x50, s29, s11, $0xb8;
	[tilespmem:$0xB000] =	vst v63  }
0x3d: {  	s29 =	sadd.s32 $0xFFFFFF80, s26  }
0x3e: {  	[tilespmem:s14], [sflag:$0x3] =	stream.indirect.gather [hbm4b:s3+s11], $0x50, s29, s11, $0xb8;
	[tilespmem:$0xB000] =	vst v63  }
0x3f: {  	_ = 	snop  }
0x40: {  	[tilespmem:s15], [sflag:$0x4] =	stream.indirect.gather [hbm4b:s3+s11], $0x50, s26, s11, $0xb8;
	[tilespmem:$0xB000] =	vst v63  }
0x41: {  	_ =	swait.ge [sflag:s16], $0x2800  }
0x42: {  	[sflag:s16] =	ssyncset.done $0x0  }
0x43: {  	s29 =	sadd.s32 s25, s6;
	[sflag:s16] =	ssyncadd.s32 $0xFFFFD800  }
0x44: {  	[hbm4b:s29+s2] =	stream.linear.scatter [tilespmem:s12], [sflag:$0x5], $0x2800, $0x38;
	[tilespmem:$0xB000] =	vst v63  }
0x45: {  	_ =	swait.ge [sflag:s17], $0x2800  }
0x46: {  	[sflag:s17] =	ssyncset.done $0x0  }
0x47: {  	s29 =	sadd.s32 s25, s9;
	[sflag:s17] =	ssyncadd.s32 $0xFFFFD800  }
0x48: {  	[hbm4b:s29+s2] =	stream.linear.scatter [tilespmem:s13], [sflag:$0x6], $0x2800, $0x38;
	[tilespmem:$0xB000] =	vst v63  }
0x49: {  	_ =	swait.ge [sflag:s18], $0x2800  }
0x4a: {  	[sflag:s18] =	ssyncset.done $0x0  }
0x4b: {  	s29 =	sadd.s32 s25, s8;
	[sflag:s18] =	ssyncadd.s32 $0xFFFFD800  }
0x4c: {  	[hbm4b:s29+s2] =	stream.linear.scatter [tilespmem:s14], [sflag:$0x7], $0x2800, $0x38;
	[tilespmem:$0xB000] =	vst v63  }
0x4d: {  	_ =	swait.ge [sflag:s19], $0x2800  }
0x4e: {  	[sflag:s19] =	ssyncset.done $0x0  }
0x4f: {  	s29 =	sadd.s32 s25, s7;
	s25 =	smov.u32 s30;
	[sflag:s19] =	ssyncadd.s32 $0xFFFFD800  }
0x50: {  	[hbm4b:s29+s2] =	stream.linear.scatter [tilespmem:s15], [sflag:$0x8], $0x2800, $0x38;
	[tilespmem:$0xB000] =	vst v63  }
0x51: {  	_ =	swait.ge [sflag:s20], $0x2800  }
0x52: {  	[sflag:s20] =	ssyncset.done $0x0  }
0x53: {  	[sflag:s20] =	ssyncadd.s32 $0xFFFFD800  }
0x54: {  	_ =	swait.ge [sflag:s21], $0x2800  }
0x55: {  	[sflag:s21] =	ssyncset.done $0x0  }
0x56: {  	[sflag:s21] =	ssyncadd.s32 $0xFFFFD800  }
.Ltmp0:
0x57: {  	_ =	swait.ge [sflag:s22], $0x2800;
	(pc) =	sbr.rel @p0 .LBB2_2-.Ltmp0, $4  }
0x58: {  	[sflag:s22] =	ssyncset.done $0x0  }
0x59: {  	[sflag:s22] =	ssyncadd.s32 $0xFFFFD800  }
0x5a: {  	_ =	swait.ge [sflag:s23], $0x2800  }
0x5b: {  	s26 =	sadd.s32 $0x200, s26;
	[sflag:s23] =	ssyncset.done $0x0  }
0x5c: {  	s28 =	sadd.s32 $0xFFFFFE80, s26;
	[sflag:s23] =	ssyncadd.s32 $0xFFFFD800  }
0x5d: {  	[tilespmem:s12], [sflag:$0x1] =	stream.indirect.gather [hbm4b:s3+s11], $0x50, s28, s11, $0xb8;
	[tilespmem:$0xB000] =	vst v63  }
0x5e: {  	s30 =	sadd.s32 $0xFFFFFF00, s26  }
0x5f: {  	[tilespmem:s13], [sflag:$0x2] =	stream.indirect.gather [hbm4b:s3+s11], $0x50, s30, s11, $0xb8;
	[tilespmem:$0xB000] =	vst v63  }
0x60: {  	s31 =	sadd.s32 $0xFFFFFF80, s26  }
0x61: {  	[tilespmem:s14], [sflag:$0x3] =	stream.indirect.gather [hbm4b:s3+s11], $0x50, s31, s11, $0xb8;
	[tilespmem:$0xB000] =	vst v63  }
0x62: {  	_ = 	snop  }
0x63: {  	[tilespmem:s15], [sflag:$0x4] =	stream.indirect.gather [hbm4b:s3+s11], $0x50, s26, s11, $0xb8;
	[tilespmem:$0xB000] =	vst v63  }
0x64: {  	_ =	swait.ge [sflag:s16], $0x2800  }
0x65: {  	[sflag:s16] =	ssyncset.done $0x0  }
0x66: {  	s28 =	sadd.s32 s25, s6;
	[sflag:s16] =	ssyncadd.s32 $0xFFFFD800  }
0x67: {  	[hbm4b:s28+s2] =	stream.linear.scatter [tilespmem:s12], [sflag:$0x5], $0x2800, $0x38;
	[tilespmem:$0xB000] =	vst v63  }
0x68: {  	_ =	swait.ge [sflag:s17], $0x2800  }
0x69: {  	[sflag:s17] =	ssyncset.done $0x0  }
0x6a: {  	s29 =	sadd.s32 s25, s9;
	[sflag:s17] =	ssyncadd.s32 $0xFFFFD800  }
0x6b: {  	[hbm4b:s29+s2] =	stream.linear.scatter [tilespmem:s13], [sflag:$0x6], $0x2800, $0x38;
	[tilespmem:$0xB000] =	vst v63  }
0x6c: {  	_ =	swait.ge [sflag:s18], $0x2800  }
0x6d: {  	[sflag:s18] =	ssyncset.done $0x0  }
0x6e: {  	s30 =	sadd.s32 s25, s8;
	[sflag:s18] =	ssyncadd.s32 $0xFFFFD800  }
0x6f: {  	[hbm4b:s30+s2] =	stream.linear.scatter [tilespmem:s14], [sflag:$0x7], $0x2800, $0x38;
	[tilespmem:$0xB000] =	vst v63  }
0x70: {  	_ =	swait.ge [sflag:s19], $0x2800  }
0x71: {  	[sflag:s19] =	ssyncset.done $0x0  }
0x72: {  	s31 =	sadd.s32 s25, s7;
	[sflag:s19] =	ssyncadd.s32 $0xFFFFD800  }
0x73: {  	[hbm4b:s31+s2] =	stream.linear.scatter [tilespmem:s15], [sflag:$0x8], $0x2800, $0x38;
	[tilespmem:$0xB000] =	vst v63  }
0x74: {  	_ =	swait.ge [sflag:s20], $0x2800  }
0x75: {  	[sflag:s20] =	ssyncset.done $0x0  }
0x76: {  	[sflag:s20] =	ssyncadd.s32 $0xFFFFD800  }
0x77: {  	_ =	swait.ge [sflag:s21], $0x2800  }
0x78: {  	[sflag:s21] =	ssyncset.done $0x0  }
0x79: {  	s24 =	sadd.s32 $0x1, s24;
	[sflag:s21] =	ssyncadd.s32 $0xFFFFD800  }
0x7a: {  	p0 =	sne.s32 s24, s5;
	_ =	swait.ge [sflag:s22], $0x2800  }
.Ltmp1:
0x7b: {  	[sflag:s22] =	ssyncset.done $0x0;
	(pc) =	sbr.rel @p0 .LBB2_1-.Ltmp1, $4  }
0x7c: {  	[sflag:s22] =	ssyncadd.s32 $0xFFFFD800  }
0x7d: {  	_ =	swait.ge [sflag:s23], $0x2800  }
0x7e: {  	[sflag:s23] =	ssyncset.done $0x0  }
0x7f: {  	[sflag:s23] =	ssyncadd.s32 $0xFFFFD800  }
0x80: {  	_ =	sfence.sel $0x180000  }
0x81: {  	[bflag:$0x0] =	sbarrier.arrive $0xFFFF  }
0x82: {  	p0 =	sne.s32 s1, $0x0;
	_ =	strace $0x9000004A  }
0x83: {  	s0 =	sadd.s32 @!p0 $0x100000, s0;
	[bflag:$0x2] =	sbarrier.arrive $0xFFFF  }
0x84: {  	[sflag:s0] =	ssyncadd.tile.s32 @!p0 $0x1;
	_ =	shalt  }
.Lfunc_end2:
_tile_overlayer_lowered:
.L_overlay_start_2:
0x85: {  	(tag) =	ssettag $0x2  }
0x86: {  	s0 =	rddreg [dreg:$0x0];
	s2 =	stileid.u32  }
0x87: {  	s1 =	rddreg [dreg:$0x1];
	p0 =	sne.s32 s2, $0x0  }
0x88: {  	s3 =	rddreg [dreg:$0x2];
	[bflag:$0x3] =	sbarrier.arrive $0xFFFF;
	s2 =	simm.s32 @!p0 $0x1C09  }
0x89: {  	[timem:s3], [sflag:s2] =	dma.local @!p0 [hbm:s0], s1  }
0x8a: {  	s0 =	simm.s32 @!p0 $0x9  }
0x8b: {  	_ =	swait.ge @!p0 [sflag:s0], s1  }
0x8c: {  	s1 =	ssub.s32 @!p0 $0x0, s1;
	[sflag:s0] =	ssyncset.done @!p0 $0x0  }
0x8d: {  	[sflag:s0] =	ssyncadd.s32 @!p0 s1  }
0x8e: {  	[bflag:$0x3] =	sbarrier.arrive $0xFFFF  }
0x8f: {  	_ =	shalt  }

// kernel: kernel.15.cloned.1.call-start
scs
__scs_entry_jumppad:
0x0: {  	(pc) =	sbr.rel $0x88, $3  }
0x1: {  	(tag) =	ssettag $0x0;
	lr =	simm.s32 $0x1  }
0x2: {  	[smem:$0x3F6B] =	sst lr;
	_ =	strace $0xD0000000  }
0x3: {  	_ = 	snop  }
0x4: {  	_ = 	snop  }
0x5: {  	_ = 	snop  }
0x6: {  	_ = 	snop  }
0x7: {  	_ = 	snop  }
__scs_overlays_trampoline_lowered:
0x8: {  	[smem:$0x3F7A] =	sst s0  }
0x9: {  	[smem:$0x3F7B] =	sst s1  }
0xa: {  	[smem:$0x3F7C] =	sst s2  }
0xb: {  	[smem:$0x3F7D] =	sst s3  }
0xc: {  	[smem:$0x3F7E] =	sst s4  }
0xd: {  	[smem:$0x3F7F] =	sst s5  }
0xe: {  	[smem:$0x3F80] =	sst s6  }
0xf: {  	[smem:$0x3F81] =	sst s7  }
0x10: {  	[smem:$0x3F82] =	sst s8  }
0x11: {  	[smem:$0x3F83] =	sst s9;
	s0 =	simm.s32 @!p0 $0x0  }
0x12: {  	s1 =	sld [smem:$0x3F69];
	s0 =	simm.s32 @p0 $0x1  }
0x13: {  	[smem:$0x3F84] =	sst s0;
	s0 =	simm.s32 @!p1 $0x0  }
0x14: {  	s2 =	sld [smem:$0x3F68];
	s0 =	simm.s32 @p1 $0x1  }
0x15: {  	[smem:$0x3F85] =	sst s0;
	s0 =	simm.s32 @!p2 $0x0  }
0x16: {  	s3 =	sld [smem:$0x3FDB];
	s0 =	simm.s32 @p2 $0x1  }
0x17: {  	s4 =	simm.s32 $0x1BF5;
	[smem:$0x3F87] =	sst s0  }
0x18: {  	s0 =	sld [smem:$0x3F6A];
	_ =	swait.ge [sflag:s4], $0x0  }
0x19: {  	s7 =	sld [smem:$0x3F6B]  }
0x1a: {  	s8 =	sadd.s32 $0xFFFFE003, lr  }
0x1b: {  	s9 =	sadd.s32 $0xFFFFFEF7, lr;
	s5 =	simm.s32 $0xFFFFFFFF;
	p2 =	slt.u32 s8, $0xFFFFF086  }
0x1c: {  	p1 =	slt.u32 s9, $0xF7A;
	s5 =	simm.s32 @!p2 $0x0  }
0x1d: {  	s5 =	simm.s32 @p1 $0x1;
	p0 =	seq.s32 s7, s2  }
0x1e: {  	s7 =	smul.u32 @!p0 $0xF7A, s2;
	p2 =	seq.s32 @!p0 s5, $0x0  }
0x1f: {  	s9 =	smul.u32 $0xF7A, s1;
	s8 =	simm.s32 @!p0 $0x1BF5;
	p2 =	por !p2, p0  }
0x20: {  	[sflag:s8] =	ssyncset.s32 @!p0 $0xFFFFF086;
	s6 =	sadd.s32 @!p0 s3, s7;
	s7 =	simm.s32 @!p0 $0x108  }
0x21: {  	s3 =	sadd.s32 s3, s9;
	s6 =	sadd.s32 @!p0 $0x88, s6;
	s7 =	simm.s32 @p2 $0x1082  }
0x22: {  	[simem:s7], [sflag:s8] =	dma.local @!p0 [hbm:s6], $0xF7A  }
0x23: {  	s9 =	sor.u32 $0xD0000000, s2;
	s6 =	simm.s32 $0x108;
	_ =	swait.ge @!p0 [sflag:s8], $0x0  }
0x24: {  	s3 =	sadd.s32 $0x88, s3;
	s6 =	simm.s32 @!p1 $0x1082;
	[sflag:s4] =	ssyncset.s32 $0xFFFFF086  }
0x25: {  	[simem:s6], [sflag:s4] =	dma.local [hbm:s3], $0xF7A  }
0x26: {  	[smem:$0x3F6B] =	sst s1;
	(tag) =	ssettag s2;
	_ =	strace s9  }
0x27: {  	s1 =	sld [smem:$0x3F7B]  }
0x28: {  	s2 =	sld [smem:$0x3F7C]  }
0x29: {  	s4 =	sld [smem:$0x3F7E]  }
0x2a: {  	p0 =	seq.s32 s5, $0x0;
	s5 =	sld [smem:$0x3F7F]  }
0x2b: {  	s6 =	sld [smem:$0x3F80]  }
0x2c: {  	s7 =	sld [smem:$0x3F81]  }
0x2d: {  	s3 =	simm.s32 $0x108;
	s8 =	sld [smem:$0x3F82]  }
0x2e: {  	s3 =	simm.s32 @!p0 $0x1082;
	s9 =	sld [smem:$0x3F83]  }
0x2f: {  	lr =	sadd.s32 s0, s3;
	s0 =	sld [smem:$0x3F7A]  }
0x30: {  	s3 =	sld [smem:$0x3F7D]  }
0x31: {  	[smem:$0x3F86] =	sst s10  }
0x32: {  	s10 =	sld [smem:$0x3F84];
	_ =	sdelay $0x3  }
0x33: {  	p0 =	seq.s32 s10, $0x1;
	s10 =	sld [smem:$0x3F86];
	_ =	sdelay $0x3  }
0x34: {  	[smem:$0x3F86] =	sst s10  }
0x35: {  	s10 =	sld [smem:$0x3F85];
	_ =	sdelay $0x3  }
0x36: {  	p1 =	seq.s32 s10, $0x1;
	s10 =	sld [smem:$0x3F86];
	_ =	sdelay $0x3  }
0x37: {  	[smem:$0x3F86] =	sst s10  }
0x38: {  	s10 =	sld [smem:$0x3F87]  }
0x39: {  	_ = 	snop;
	(pc) =	sbr.ind lr, $3  }
0x3a: {  	_ = 	snop  }
0x3b: {  	_ = 	snop  }
0x3c: {  	p2 =	seq.s32 s10, $0x1;
	s10 =	sld [smem:$0x3F86]  }
0x3d: {  	_ =	shalt  }
0x3e: {  	_ =	shalt  }
0x3f: {  	_ =	shalt  }
0x40: {  	_ =	shalt  }
0x41: {  	_ =	shalt  }
0x42: {  	_ =	shalt  }
0x43: {  	_ =	shalt  }
0x44: {  	_ =	shalt  }
0x45: {  	_ =	shalt  }
0x46: {  	_ =	shalt  }
0x47: {  	_ =	shalt  }
0x48: {  	_ =	shalt  }
0x49: {  	_ =	shalt  }
0x4a: {  	_ =	shalt  }
0x4b: {  	_ =	shalt  }
0x4c: {  	_ =	shalt  }
0x4d: {  	_ =	shalt  }
0x4e: {  	_ =	shalt  }
0x4f: {  	_ =	shalt  }
0x50: {  	_ =	shalt  }
0x51: {  	_ =	shalt  }
0x52: {  	_ =	shalt  }
0x53: {  	_ =	shalt  }
0x54: {  	_ =	shalt  }
0x55: {  	_ =	shalt  }
0x56: {  	_ =	shalt  }
0x57: {  	_ =	shalt  }
0x58: {  	_ =	shalt  }
0x59: {  	_ =	shalt  }
0x5a: {  	_ =	shalt  }
0x5b: {  	_ =	shalt  }
0x5c: {  	_ =	shalt  }
0x5d: {  	_ =	shalt  }
0x5e: {  	_ =	shalt  }
0x5f: {  	_ =	shalt  }
0x60: {  	_ =	shalt  }
0x61: {  	_ =	shalt  }
0x62: {  	_ =	shalt  }
0x63: {  	_ =	shalt  }
0x64: {  	_ =	shalt  }
0x65: {  	_ =	shalt  }
0x66: {  	_ =	shalt  }
0x67: {  	_ =	shalt  }
0x68: {  	_ =	shalt  }
0x69: {  	_ =	shalt  }
0x6a: {  	_ =	shalt  }
0x6b: {  	_ =	shalt  }
0x6c: {  	_ =	shalt  }
0x6d: {  	_ =	shalt  }
0x6e: {  	_ =	shalt  }
0x6f: {  	_ =	shalt  }
0x70: {  	_ =	shalt  }
0x71: {  	_ =	shalt  }
0x72: {  	_ =	shalt  }
0x73: {  	_ =	shalt  }
0x74: {  	_ =	shalt  }
0x75: {  	_ =	shalt  }
0x76: {  	_ =	shalt  }
0x77: {  	_ =	shalt  }
0x78: {  	_ =	shalt  }
0x79: {  	_ =	shalt  }
0x7a: {  	_ =	shalt  }
0x7b: {  	_ =	shalt  }
0x7c: {  	_ =	shalt  }
0x7d: {  	_ =	shalt  }
0x7e: {  	_ =	shalt  }
0x7f: {  	_ =	shalt  }
0x80: {  	_ =	shalt  }
0x81: {  	_ =	shalt  }
0x82: {  	_ =	shalt  }
0x83: {  	_ =	shalt  }
0x84: {  	_ =	shalt  }
0x85: {  	_ =	shalt  }
0x86: {  	_ =	shalt  }
0x87: {  	_ =	shalt  }
.Lfunc_end0:
.L_simem_size_0:
called_computation.2_lowered:
.L_overlay_start_0:
0x88: {  	s2 =	sld [smem:$0x3FD9]  }
0x89: {  	s3 =	sld [smem:$0x3FFE];
	_ =	sdelay $0x1  }
0x8a: {  	s1 =	srdreg.scid  }
0x8b: {  	s0 =	sand.u32 $0x1, s1  }
0x8c: {  	s16 =	sshll.u32 s0, $0xA;
	s2 =	sadd.s32 s3, s2  }
0x8d: {  	s2 =	sadd.s32 s2, s16  }
0x8e: {  	[smem:$0x3F92] =	sst s2  }
0x8f: {  	_ = 	snop  }
0x90: {  	(tm) =	ssettm $0x1  }
0x91: {  	s17 =	sld [smem:$0x3FFB];
	_ =	sdelay $0x3  }
0x92: {  	_ =	strace s17  }
0x93: {  	s2 =	sld [smem:$0x3FFC];
	_ =	sdelay $0x3  }
0x94: {  	_ =	strace s2  }
0x95: {  	s2 =	sld [smem:$0x3FFD];
	_ =	sdelay $0x3  }
0x96: {  	_ =	strace s2  }
0x97: {  	_ =	strace $0x8FFFFFFF  }
0x98: {  	s18 =	sld [smem:$0x3FDB];
	_ =	sdelay $0x1  }
0x99: {  	s19 =	simm.s32 $_scs_section_size  }
0x9a: {  	s4 =	simm.s32 $_size__tile_overlayer_lowered;
	s5 =	simm.s32 $_tile_overlayer_lowered  }
0x9b: {  	s22 =	simm.s32 $0x1BFF;
	s21 =	sshll.u32 s5, $0x1;
	s2 =	sadd.s32 s19, s18  }
0x9c: {  	s6 =	simm.s32 $0x0;
	s20 =	sshll.u32 s4, $0x1;
	s4 =	sadd.s32 s21, s2  }
0x9d: {  	[timem:s6], [sflag:s22] =	dma.local [hbm:s4], s20  }
0x9e: {  	_ =	swait.ge [sflag:s22], s20  }
0x9f: {  	s3 =	ssub.s32 $0x0, s20;
	[sflag:s22] =	ssyncset.done $0x0  }
0xa0: {  	[sflag:s22] =	ssyncadd.s32 s3;
	_ =	sdelay $0x1  }
0xa1: {  	s23 =	simm.s32 $0x1B8B  }
0xa2: {  	_ =	swait.ge [sflag:s23], $0x1  }
0xa3: {  	[sflag:s23] =	ssyncset.done $0x0  }
0xa4: {  	s25 =	simm.s32 $0x1B8E;
	s24 =	sld [smem:$0x3FFE];
	[sflag:s23] =	ssyncadd.s32 $0xFFFFFFFF  }
0xa5: {  	s26 =	simm.s32 $execute0_lowered;
	[smem:$0x3FD2] =	sst s25  }
0xa6: {  	s4 =	sshll.u32 s26, $0x1;
	_ =	strace $0x8000004C;
	[dreg:$0x1] =	wrdreg $0xFFFFFFFF  }
0xa7: {  	s28 =	simm.s32 $_size_execute0_lowered;
	s2 =	sadd.s32 s2, s4;
	[dreg:$0x0] =	wrdreg $0x0  }
0xa8: {  	s4 =	sshll.u32 s28, $0x1;
	[dreg:$0x2] =	wrdreg s2  }
0xa9: {  	[dreg:$0x3] =	wrdreg s4  }
0xaa: {  	[dreg:$0x4] =	wrdreg $0xC0  }
0xab: {  	_ =	task [dreg:s6], $0x5FFFF  }
0xac: {  	[dreg:$0x1] =	wrdreg $0xFFFFFFFF  }
0xad: {  	[dreg:$0x0] =	wrdreg $0x60  }
0xae: {  	[dreg:$0x2] =	wrdreg s24  }
0xaf: {  	[dreg:$0x3] =	wrdreg $0x9  }
0xb0: {  	_ =	task.clear_ibuf [dreg:s6], $0x4FFFF;
	_ =	strace $0x9000004C  }
0xb1: {  	s29 =	simm.s32 $0x9;
	_ =	strace $0x8000004E  }
0xb2: {  	_ =	swait.ge [sflag:s29], $0x1  }
0xb3: {  	[sflag:s29] =	ssyncadd.s32 $0xFFFFFFFF  }
0xb4: {  	_ =	strace $0x9000004E  }
0xb5: {  	_ =	sfence  }
0xb6: {  	s30 =	sld [smem:$0x0];
	_ =	sdelay $0x2  }
0xb7: {  	s31 =	sshll.u32 s1, $0xD;
	s1 =	sshrl.u32 s1, $0x2  }
0xb8: {  	s3 =	sand.u32 $0x4000, s31;
	s1 =	sadd.s32 s1, s30  }
0xb9: {  	s0 =	sor.u32 s3, s0;
	s1 =	sshll.u32 s1, $0x11  }
0xba: {  	s0 =	sor.u32 s1, s0  }
0xbb: {  	s0 =	sadd.s32 $0x8F2B, s0  }
0xbc: {  	[sflag:s0] =	ssyncadd.remote.s32 $0x1  }
0xbd: {  	_ =	sfence.sel $0xFFFF  }
0xbe: {  	[dreg:$0x0] =	wrdreg $0xFFFFFFFF;
	(pc) =	sbr.abs _section_cstart, $3  }
0xbf: {  	[dreg:$0x1] =	wrdreg $0xFFFFFFFF  }
0xc0: {  	_ =	task.clear_ibuf [dreg:s6], $0x2FFFF;
	_ =	strace $0x9FFFFFFF  }
0xc1: {  	(tm) =	ssettm $0x7FFFFFFF  }
tec
execute0_lowered:
.L_overlay_start_1:
0x0: {  	(tag) =	ssettag $0x1  }
0x1: {  	s4 =	rddreg [dreg:$0x0]  }
0x2: {  	s0 =	rddreg [dreg:$0x1];
	s3 =	srdreg.scid  }
0x3: {  	s2 =	simm.s32 $0x0;
	s1 =	stileid.u32;
	s13 =	simm.s32 $0x3800  }
0x4: {  	s14 =	simm.s32 $0x6000;
	s15 =	simm.s32 $0x8800;
	s16 =	simm.s32 $0x1  }
0x5: {  	s17 =	simm.s32 $0x2;
	s18 =	simm.s32 $0x3;
	s19 =	simm.s32 $0x4  }
0x6: {  	s20 =	simm.s32 $0x5;
	s21 =	simm.s32 $0x6;
	s22 =	simm.s32 $0x7  }
0x7: {  	s5 =	sand.u32 $0x1, s3;
	[smem:$0x7FF] =	sst s2;
	s7 =	smul.u32 $0x14000, s1  }
0x8: {  	s23 =	sshll.u32 s1, $0xD;
	s3 =	sadd.s32 $0x8800, s4;
	s10 =	smul.u32 $0xA0000, s1  }
0x9: {  	s11 =	sadd.s32 $0x20800, s4;
	s6 =	sshll.u32 s5, $0xC;
	s8 =	smul.u32 $0xA000, s5  }
0xa: {  	_ =	strace $0x8000004D;
	s9 =	ssub.s32 $0x2, s5;
	s12 =	smul.u32 $0x50000, s5  }
0xb: {  	s6 =	sor.u32 s6, s23;
	s24 =	sshrl.u32 s9, $0x1;
	s26 =	sadd.s32 s7, s11  }
0xc: {  	s23 =	simm.s32 $0x8;
	s6 =	sshrl.u32 s6, $0x3;
	s25 =	ssub.s32 s9, s24  }
0xd: {  	s28 =	sadd.s32 s12, s10;
	s10 =	simm.s32 $0x9;
	s12 =	simm.s32 $0x1000  }
0xe: {  	s24 =	simm.s32 $0x0;
	s6 =	sadd.s32 s6, s4;
	s5 =	smax.u32 s25, $0x1  }
0xf: {  	s29 =	sor.u32 $0x7800, s28;
	s30 =	sor.u32 $0x5000, s28;
	s7 =	sor.u32 $0x2800, s28  }
0x10: {  	s4 =	sadd.s32 $0x1C800, s6;
	s6 =	sadd.s32 s8, s26;
	s8 =	sshrl.u32 s29, $0x3  }
0x11: {  	s9 =	sshrl.u32 s30, $0x3;
	s31 =	sshrl.u32 s7, $0x3;
	s7 =	sadd.s32 s8, s11  }
0x12: {  	s8 =	sadd.s32 s9, s11;
	s9 =	sadd.s32 s31, s11;
	s11 =	simm.s32 $0x80  }
.LBB2_1:
0x13: {  	[tilespmem:s2], [sflag:$0x9] =	stream.linear.gather [hbm4b:s4+s2], $0x1000, $0x38;
	[tilespmem:$0xB000] =	vst v63  }
0x14: {  	_ =	swait.ge [sflag:s10], $0x1000  }
0x15: {  	[sflag:s10] =	ssyncset.done $0x0  }
0x16: {  	s25 =	simm.s32 $0x0;
	[sflag:s10] =	ssyncadd.s32 $0xFFFFF000  }
0x17: {  	[tilespmem:s12], [sflag:$0x1] =	stream.indirect.gather [hbm4b:s3+s11], $0x50, s25, s11, $0xb8;
	[tilespmem:$0xB000] =	vst v63  }
0x18: {  	s29 =	simm.s32 $0x80  }
0x19: {  	[tilespmem:s13], [sflag:$0x2] =	stream.indirect.gather [hbm4b:s3+s11], $0x50, s29, s11, $0xb8;
	[tilespmem:$0xB000] =	vst v63  }
0x1a: {  	s30 =	simm.s32 $0x100  }
0x1b: {  	[tilespmem:s14], [sflag:$0x3] =	stream.indirect.gather [hbm4b:s3+s11], $0x50, s30, s11, $0xb8;
	[tilespmem:$0xB000] =	vst v63  }
0x1c: {  	s31 =	simm.s32 $0x180  }
0x1d: {  	[tilespmem:s15], [sflag:$0x4] =	stream.indirect.gather [hbm4b:s3+s11], $0x50, s31, s11, $0xb8;
	[tilespmem:$0xB000] =	vst v63  }
0x1e: {  	_ =	swait.ge [sflag:s16], $0x2800  }
0x1f: {  	[sflag:s16] =	ssyncset.done $0x0  }
0x20: {  	s26 =	sadd.s32 $0x0, s6;
	[sflag:s16] =	ssyncadd.s32 $0xFFFFD800  }
0x21: {  	[hbm4b:s26+s2] =	stream.linear.scatter [tilespmem:s12], [sflag:$0x5], $0x2800, $0x38;
	[tilespmem:$0xB000] =	vst v63  }
0x22: {  	_ =	swait.ge [sflag:s17], $0x2800  }
0x23: {  	[sflag:s17] =	ssyncset.done $0x0  }
0x24: {  	s29 =	sadd.s32 $0x0, s9;
	[sflag:s17] =	ssyncadd.s32 $0xFFFFD800  }
0x25: {  	[hbm4b:s29+s2] =	stream.linear.scatter [tilespmem:s13], [sflag:$0x6], $0x2800, $0x38;
	[tilespmem:$0xB000] =	vst v63  }
0x26: {  	_ =	swait.ge [sflag:s18], $0x2800  }
0x27: {  	[sflag:s18] =	ssyncset.done $0x0  }
0x28: {  	s30 =	sadd.s32 $0x0, s8;
	[sflag:s18] =	ssyncadd.s32 $0xFFFFD800  }
0x29: {  	[hbm4b:s30+s2] =	stream.linear.scatter [tilespmem:s14], [sflag:$0x7], $0x2800, $0x38;
	[tilespmem:$0xB000] =	vst v63  }
0x2a: {  	_ =	swait.ge [sflag:s19], $0x2800  }
0x2b: {  	[sflag:s19] =	ssyncset.done $0x0  }
0x2c: {  	s31 =	sadd.s32 $0x0, s7;
	[sflag:s19] =	ssyncadd.s32 $0xFFFFD800  }
0x2d: {  	[hbm4b:s31+s2] =	stream.linear.scatter [tilespmem:s15], [sflag:$0x8], $0x2800, $0x38;
	[tilespmem:$0xB000] =	vst v63  }
0x2e: {  	_ =	swait.ge [sflag:s20], $0x2800  }
0x2f: {  	[sflag:s20] =	ssyncset.done $0x0  }
0x30: {  	[sflag:s20] =	ssyncadd.s32 $0xFFFFD800  }
0x31: {  	_ =	swait.ge [sflag:s21], $0x2800  }
0x32: {  	[sflag:s21] =	ssyncset.done $0x0  }
0x33: {  	[sflag:s21] =	ssyncadd.s32 $0xFFFFD800  }
0x34: {  	_ =	swait.ge [sflag:s22], $0x2800  }
0x35: {  	[sflag:s22] =	ssyncset.done $0x0  }
0x36: {  	[sflag:s22] =	ssyncadd.s32 $0xFFFFD800  }
0x37: {  	s28 =	simm.s32 $0x2800;
	_ =	swait.ge [sflag:s23], $0x2800  }
0x38: {  	s25 =	simm.s32 $0x1400;
	s26 =	simm.s32 $0x380;
	[sflag:s23] =	ssyncset.done $0x0  }
.LBB2_2:
0x39: {  	p0 =	sne.s32 s28, $0x8C00;
	s29 =	sadd.s32 $0xFFFFFE80, s26;
	[sflag:s23] =	ssyncadd.s32 $0xFFFFD800  }
0x3a: {  	[tilespmem:s12], [sflag:$0x1] =	stream.indirect.gather [hbm4b:s3+s11], $0x50, s29, s11, $0xb8;
	[tilespmem:$0xB000] =	vst v63  }
0x3b: {  	s30 =	smov.u32 s28;
	s28 =	sadd.s32 $0x1400, s28;
	s29 =	sadd.s32 $0xFFFFFF00, s26  }
0x3c: {  	[tilespmem:s13], [sflag:$0x2] =	stream.indirect.gather [hbm4b:s3+s11], $0x50, s29, s11, $0xb8;
	[tilespmem:$0xB000] =	vst v63  }
0x3d: {  	s29 =	sadd.s32 $0xFFFFFF80, s26  }
0x3e: {  	[tilespmem:s14], [sflag:$0x3] =	stream.indirect.gather [hbm4b:s3+s11], $0x50, s29, s11, $0xb8;
	[tilespmem:$0xB000] =	vst v63  }
0x3f: {  	_ = 	snop  }
0x40: {  	[tilespmem:s15], [sflag:$0x4] =	stream.indirect.gather [hbm4b:s3+s11], $0x50, s26, s11, $0xb8;
	[tilespmem:$0xB000] =	vst v63  }
0x41: {  	_ =	swait.ge [sflag:s16], $0x2800  }
0x42: {  	[sflag:s16] =	ssyncset.done $0x0  }
0x43: {  	s29 =	sadd.s32 s25, s6;
	[sflag:s16] =	ssyncadd.s32 $0xFFFFD800  }
0x44: {  	[hbm4b:s29+s2] =	stream.linear.scatter [tilespmem:s12], [sflag:$0x5], $0x2800, $0x38;
	[tilespmem:$0xB000] =	vst v63  }
0x45: {  	_ =	swait.ge [sflag:s17], $0x2800  }
0x46: {  	[sflag:s17] =	ssyncset.done $0x0  }
0x47: {  	s29 =	sadd.s32 s25, s9;
	[sflag:s17] =	ssyncadd.s32 $0xFFFFD800  }
0x48: {  	[hbm4b:s29+s2] =	stream.linear.scatter [tilespmem:s13], [sflag:$0x6], $0x2800, $0x38;
	[tilespmem:$0xB000] =	vst v63  }
0x49: {  	_ =	swait.ge [sflag:s18], $0x2800  }
0x4a: {  	[sflag:s18] =	ssyncset.done $0x0  }
0x4b: {  	s29 =	sadd.s32 s25, s8;
	[sflag:s18] =	ssyncadd.s32 $0xFFFFD800  }
0x4c: {  	[hbm4b:s29+s2] =	stream.linear.scatter [tilespmem:s14], [sflag:$0x7], $0x2800, $0x38;
	[tilespmem:$0xB000] =	vst v63  }
0x4d: {  	_ =	swait.ge [sflag:s19], $0x2800  }
0x4e: {  	[sflag:s19] =	ssyncset.done $0x0  }
0x4f: {  	s29 =	sadd.s32 s25, s7;
	s25 =	smov.u32 s30;
	[sflag:s19] =	ssyncadd.s32 $0xFFFFD800  }
0x50: {  	[hbm4b:s29+s2] =	stream.linear.scatter [tilespmem:s15], [sflag:$0x8], $0x2800, $0x38;
	[tilespmem:$0xB000] =	vst v63  }
0x51: {  	_ =	swait.ge [sflag:s20], $0x2800  }
0x52: {  	[sflag:s20] =	ssyncset.done $0x0  }
0x53: {  	[sflag:s20] =	ssyncadd.s32 $0xFFFFD800  }
0x54: {  	_ =	swait.ge [sflag:s21], $0x2800  }
0x55: {  	[sflag:s21] =	ssyncset.done $0x0  }
0x56: {  	[sflag:s21] =	ssyncadd.s32 $0xFFFFD800  }
.Ltmp0:
0x57: {  	_ =	swait.ge [sflag:s22], $0x2800;
	(pc) =	sbr.rel @p0 .LBB2_2-.Ltmp0, $4  }
0x58: {  	[sflag:s22] =	ssyncset.done $0x0  }
0x59: {  	[sflag:s22] =	ssyncadd.s32 $0xFFFFD800  }
0x5a: {  	_ =	swait.ge [sflag:s23], $0x2800  }
0x5b: {  	s26 =	sadd.s32 $0x200, s26;
	[sflag:s23] =	ssyncset.done $0x0  }
0x5c: {  	s28 =	sadd.s32 $0xFFFFFE80, s26;
	[sflag:s23] =	ssyncadd.s32 $0xFFFFD800  }
0x5d: {  	[tilespmem:s12], [sflag:$0x1] =	stream.indirect.gather [hbm4b:s3+s11], $0x50, s28, s11, $0xb8;
	[tilespmem:$0xB000] =	vst v63  }
0x5e: {  	s30 =	sadd.s32 $0xFFFFFF00, s26  }
0x5f: {  	[tilespmem:s13], [sflag:$0x2] =	stream.indirect.gather [hbm4b:s3+s11], $0x50, s30, s11, $0xb8;
	[tilespmem:$0xB000] =	vst v63  }
0x60: {  	s31 =	sadd.s32 $0xFFFFFF80, s26  }
0x61: {  	[tilespmem:s14], [sflag:$0x3] =	stream.indirect.gather [hbm4b:s3+s11], $0x50, s31, s11, $0xb8;
	[tilespmem:$0xB000] =	vst v63  }
0x62: {  	_ = 	snop  }
0x63: {  	[tilespmem:s15], [sflag:$0x4] =	stream.indirect.gather [hbm4b:s3+s11], $0x50, s26, s11, $0xb8;
	[tilespmem:$0xB000] =	vst v63  }
0x64: {  	_ =	swait.ge [sflag:s16], $0x2800  }
0x65: {  	[sflag:s16] =	ssyncset.done $0x0  }
0x66: {  	s28 =	sadd.s32 s25, s6;
	[sflag:s16] =	ssyncadd.s32 $0xFFFFD800  }
0x67: {  	[hbm4b:s28+s2] =	stream.linear.scatter [tilespmem:s12], [sflag:$0x5], $0x2800, $0x38;
	[tilespmem:$0xB000] =	vst v63  }
0x68: {  	_ =	swait.ge [sflag:s17], $0x2800  }
0x69: {  	[sflag:s17] =	ssyncset.done $0x0  }
0x6a: {  	s29 =	sadd.s32 s25, s9;
	[sflag:s17] =	ssyncadd.s32 $0xFFFFD800  }
0x6b: {  	[hbm4b:s29+s2] =	stream.linear.scatter [tilespmem:s13], [sflag:$0x6], $0x2800, $0x38;
	[tilespmem:$0xB000] =	vst v63  }
0x6c: {  	_ =	swait.ge [sflag:s18], $0x2800  }
0x6d: {  	[sflag:s18] =	ssyncset.done $0x0  }
0x6e: {  	s30 =	sadd.s32 s25, s8;
	[sflag:s18] =	ssyncadd.s32 $0xFFFFD800  }
0x6f: {  	[hbm4b:s30+s2] =	stream.linear.scatter [tilespmem:s14], [sflag:$0x7], $0x2800, $0x38;
	[tilespmem:$0xB000] =	vst v63  }
0x70: {  	_ =	swait.ge [sflag:s19], $0x2800  }
0x71: {  	[sflag:s19] =	ssyncset.done $0x0  }
0x72: {  	s31 =	sadd.s32 s25, s7;
	[sflag:s19] =	ssyncadd.s32 $0xFFFFD800  }
0x73: {  	[hbm4b:s31+s2] =	stream.linear.scatter [tilespmem:s15], [sflag:$0x8], $0x2800, $0x38;
	[tilespmem:$0xB000] =	vst v63  }
0x74: {  	_ =	swait.ge [sflag:s20], $0x2800  }
0x75: {  	[sflag:s20] =	ssyncset.done $0x0  }
0x76: {  	[sflag:s20] =	ssyncadd.s32 $0xFFFFD800  }
0x77: {  	_ =	swait.ge [sflag:s21], $0x2800  }
0x78: {  	[sflag:s21] =	ssyncset.done $0x0  }
0x79: {  	s24 =	sadd.s32 $0x1, s24;
	[sflag:s21] =	ssyncadd.s32 $0xFFFFD800  }
0x7a: {  	p0 =	sne.s32 s24, s5;
	_ =	swait.ge [sflag:s22], $0x2800  }
.Ltmp1:
0x7b: {  	[sflag:s22] =	ssyncset.done $0x0;
	(pc) =	sbr.rel @p0 .LBB2_1-.Ltmp1, $4  }
0x7c: {  	[sflag:s22] =	ssyncadd.s32 $0xFFFFD800  }
0x7d: {  	_ =	swait.ge [sflag:s23], $0x2800  }
0x7e: {  	[sflag:s23] =	ssyncset.done $0x0  }
0x7f: {  	[sflag:s23] =	ssyncadd.s32 $0xFFFFD800  }
0x80: {  	_ =	sfence.sel $0x180000  }
0x81: {  	[bflag:$0x0] =	sbarrier.arrive $0xFFFF  }
0x82: {  	p0 =	sne.s32 s1, $0x0;
	_ =	strace $0x9000004D  }
0x83: {  	s0 =	sadd.s32 @!p0 $0x100000, s0;
	[bflag:$0x2] =	sbarrier.arrive $0xFFFF  }
0x84: {  	[sflag:s0] =	ssyncadd.tile.s32 @!p0 $0x1;
	_ =	shalt  }
.Lfunc_end2:
_tile_overlayer_lowered:
.L_overlay_start_2:
0x85: {  	(tag) =	ssettag $0x2  }
0x86: {  	s0 =	rddreg [dreg:$0x0];
	s2 =	stileid.u32  }
0x87: {  	s1 =	rddreg [dreg:$0x1];
	p0 =	sne.s32 s2, $0x0  }
0x88: {  	s3 =	rddreg [dreg:$0x2];
	[bflag:$0x3] =	sbarrier.arrive $0xFFFF;
	s2 =	simm.s32 @!p0 $0x1C09  }
0x89: {  	[timem:s3], [sflag:s2] =	dma.local @!p0 [hbm:s0], s1  }
0x8a: {  	s0 =	simm.s32 @!p0 $0x9  }
0x8b: {  	_ =	swait.ge @!p0 [sflag:s0], s1  }
0x8c: {  	s1 =	ssub.s32 @!p0 $0x0, s1;
	[sflag:s0] =	ssyncset.done @!p0 $0x0  }
0x8d: {  	[sflag:s0] =	ssyncadd.s32 @!p0 s1  }
0x8e: {  	[bflag:$0x3] =	sbarrier.arrive $0xFFFF  }
0x8f: {  	_ =	shalt  }

// kernel: kernel.9.cloned.1.call-start
scs
__scs_entry_jumppad:
0x0: {  	(pc) =	sbr.rel $0x88, $3  }
0x1: {  	(tag) =	ssettag $0x0;
	lr =	simm.s32 $0x1  }
0x2: {  	[smem:$0x3F6B] =	sst lr;
	_ =	strace $0xD0000000  }
0x3: {  	_ = 	snop  }
0x4: {  	_ = 	snop  }
0x5: {  	_ = 	snop  }
0x6: {  	_ = 	snop  }
0x7: {  	_ = 	snop  }
__scs_overlays_trampoline_lowered:
0x8: {  	[smem:$0x3F7A] =	sst s0  }
0x9: {  	[smem:$0x3F7B] =	sst s1  }
0xa: {  	[smem:$0x3F7C] =	sst s2  }
0xb: {  	[smem:$0x3F7D] =	sst s3  }
0xc: {  	[smem:$0x3F7E] =	sst s4  }
0xd: {  	[smem:$0x3F7F] =	sst s5  }
0xe: {  	[smem:$0x3F80] =	sst s6  }
0xf: {  	[smem:$0x3F81] =	sst s7  }
0x10: {  	[smem:$0x3F82] =	sst s8  }
0x11: {  	[smem:$0x3F83] =	sst s9;
	s0 =	simm.s32 @!p0 $0x0  }
0x12: {  	s1 =	sld [smem:$0x3F69];
	s0 =	simm.s32 @p0 $0x1  }
0x13: {  	[smem:$0x3F84] =	sst s0;
	s0 =	simm.s32 @!p1 $0x0  }
0x14: {  	s2 =	sld [smem:$0x3F68];
	s0 =	simm.s32 @p1 $0x1  }
0x15: {  	[smem:$0x3F85] =	sst s0;
	s0 =	simm.s32 @!p2 $0x0  }
0x16: {  	s3 =	sld [smem:$0x3FDB];
	s0 =	simm.s32 @p2 $0x1  }
0x17: {  	s4 =	simm.s32 $0x1BF5;
	[smem:$0x3F87] =	sst s0  }
0x18: {  	s0 =	sld [smem:$0x3F6A];
	_ =	swait.ge [sflag:s4], $0x0  }
0x19: {  	s7 =	sld [smem:$0x3F6B]  }
0x1a: {  	s8 =	sadd.s32 $0xFFFFE003, lr  }
0x1b: {  	s9 =	sadd.s32 $0xFFFFFEF7, lr;
	s5 =	simm.s32 $0xFFFFFFFF;
	p2 =	slt.u32 s8, $0xFFFFF086  }
0x1c: {  	p1 =	slt.u32 s9, $0xF7A;
	s5 =	simm.s32 @!p2 $0x0  }
0x1d: {  	s5 =	simm.s32 @p1 $0x1;
	p0 =	seq.s32 s7, s2  }
0x1e: {  	s7 =	smul.u32 @!p0 $0xF7A, s2;
	p2 =	seq.s32 @!p0 s5, $0x0  }
0x1f: {  	s9 =	smul.u32 $0xF7A, s1;
	s8 =	simm.s32 @!p0 $0x1BF5;
	p2 =	por !p2, p0  }
0x20: {  	[sflag:s8] =	ssyncset.s32 @!p0 $0xFFFFF086;
	s6 =	sadd.s32 @!p0 s3, s7;
	s7 =	simm.s32 @!p0 $0x108  }
0x21: {  	s3 =	sadd.s32 s3, s9;
	s6 =	sadd.s32 @!p0 $0x88, s6;
	s7 =	simm.s32 @p2 $0x1082  }
0x22: {  	[simem:s7], [sflag:s8] =	dma.local @!p0 [hbm:s6], $0xF7A  }
0x23: {  	s9 =	sor.u32 $0xD0000000, s2;
	s6 =	simm.s32 $0x108;
	_ =	swait.ge @!p0 [sflag:s8], $0x0  }
0x24: {  	s3 =	sadd.s32 $0x88, s3;
	s6 =	simm.s32 @!p1 $0x1082;
	[sflag:s4] =	ssyncset.s32 $0xFFFFF086  }
0x25: {  	[simem:s6], [sflag:s4] =	dma.local [hbm:s3], $0xF7A  }
0x26: {  	[smem:$0x3F6B] =	sst s1;
	(tag) =	ssettag s2;
	_ =	strace s9  }
0x27: {  	s1 =	sld [smem:$0x3F7B]  }
0x28: {  	s2 =	sld [smem:$0x3F7C]  }
0x29: {  	s4 =	sld [smem:$0x3F7E]  }
0x2a: {  	p0 =	seq.s32 s5, $0x0;
	s5 =	sld [smem:$0x3F7F]  }
0x2b: {  	s6 =	sld [smem:$0x3F80]  }
0x2c: {  	s7 =	sld [smem:$0x3F81]  }
0x2d: {  	s3 =	simm.s32 $0x108;
	s8 =	sld [smem:$0x3F82]  }
0x2e: {  	s3 =	simm.s32 @!p0 $0x1082;
	s9 =	sld [smem:$0x3F83]  }
0x2f: {  	lr =	sadd.s32 s0, s3;
	s0 =	sld [smem:$0x3F7A]  }
0x30: {  	s3 =	sld [smem:$0x3F7D]  }
0x31: {  	[smem:$0x3F86] =	sst s10  }
0x32: {  	s10 =	sld [smem:$0x3F84];
	_ =	sdelay $0x3  }
0x33: {  	p0 =	seq.s32 s10, $0x1;
	s10 =	sld [smem:$0x3F86];
	_ =	sdelay $0x3  }
0x34: {  	[smem:$0x3F86] =	sst s10  }
0x35: {  	s10 =	sld [smem:$0x3F85];
	_ =	sdelay $0x3  }
0x36: {  	p1 =	seq.s32 s10, $0x1;
	s10 =	sld [smem:$0x3F86];
	_ =	sdelay $0x3  }
0x37: {  	[smem:$0x3F86] =	sst s10  }
0x38: {  	s10 =	sld [smem:$0x3F87]  }
0x39: {  	_ = 	snop;
	(pc) =	sbr.ind lr, $3  }
0x3a: {  	_ = 	snop  }
0x3b: {  	_ = 	snop  }
0x3c: {  	p2 =	seq.s32 s10, $0x1;
	s10 =	sld [smem:$0x3F86]  }
0x3d: {  	_ =	shalt  }
0x3e: {  	_ =	shalt  }
0x3f: {  	_ =	shalt  }
0x40: {  	_ =	shalt  }
0x41: {  	_ =	shalt  }
0x42: {  	_ =	shalt  }
0x43: {  	_ =	shalt  }
0x44: {  	_ =	shalt  }
0x45: {  	_ =	shalt  }
0x46: {  	_ =	shalt  }
0x47: {  	_ =	shalt  }
0x48: {  	_ =	shalt  }
0x49: {  	_ =	shalt  }
0x4a: {  	_ =	shalt  }
0x4b: {  	_ =	shalt  }
0x4c: {  	_ =	shalt  }
0x4d: {  	_ =	shalt  }
0x4e: {  	_ =	shalt  }
0x4f: {  	_ =	shalt  }
0x50: {  	_ =	shalt  }
0x51: {  	_ =	shalt  }
0x52: {  	_ =	shalt  }
0x53: {  	_ =	shalt  }
0x54: {  	_ =	shalt  }
0x55: {  	_ =	shalt  }
0x56: {  	_ =	shalt  }
0x57: {  	_ =	shalt  }
0x58: {  	_ =	shalt  }
0x59: {  	_ =	shalt  }
0x5a: {  	_ =	shalt  }
0x5b: {  	_ =	shalt  }
0x5c: {  	_ =	shalt  }
0x5d: {  	_ =	shalt  }
0x5e: {  	_ =	shalt  }
0x5f: {  	_ =	shalt  }
0x60: {  	_ =	shalt  }
0x61: {  	_ =	shalt  }
0x62: {  	_ =	shalt  }
0x63: {  	_ =	shalt  }
0x64: {  	_ =	shalt  }
0x65: {  	_ =	shalt  }
0x66: {  	_ =	shalt  }
0x67: {  	_ =	shalt  }
0x68: {  	_ =	shalt  }
0x69: {  	_ =	shalt  }
0x6a: {  	_ =	shalt  }
0x6b: {  	_ =	shalt  }
0x6c: {  	_ =	shalt  }
0x6d: {  	_ =	shalt  }
0x6e: {  	_ =	shalt  }
0x6f: {  	_ =	shalt  }
0x70: {  	_ =	shalt  }
0x71: {  	_ =	shalt  }
0x72: {  	_ =	shalt  }
0x73: {  	_ =	shalt  }
0x74: {  	_ =	shalt  }
0x75: {  	_ =	shalt  }
0x76: {  	_ =	shalt  }
0x77: {  	_ =	shalt  }
0x78: {  	_ =	shalt  }
0x79: {  	_ =	shalt  }
0x7a: {  	_ =	shalt  }
0x7b: {  	_ =	shalt  }
0x7c: {  	_ =	shalt  }
0x7d: {  	_ =	shalt  }
0x7e: {  	_ =	shalt  }
0x7f: {  	_ =	shalt  }
0x80: {  	_ =	shalt  }
0x81: {  	_ =	shalt  }
0x82: {  	_ =	shalt  }
0x83: {  	_ =	shalt  }
0x84: {  	_ =	shalt  }
0x85: {  	_ =	shalt  }
0x86: {  	_ =	shalt  }
0x87: {  	_ =	shalt  }
.Lfunc_end0:
.L_simem_size_0:
called_computation_lowered:
.L_overlay_start_0:
0x88: {  	s2 =	sld [smem:$0x3FD9]  }
0x89: {  	s3 =	sld [smem:$0x3FFE];
	_ =	sdelay $0x1  }
0x8a: {  	s1 =	srdreg.scid  }
0x8b: {  	s0 =	sand.u32 $0x1, s1  }
0x8c: {  	s16 =	sshll.u32 s0, $0xA;
	s2 =	sadd.s32 s3, s2  }
0x8d: {  	s2 =	sadd.s32 s2, s16  }
0x8e: {  	[smem:$0x3F92] =	sst s2  }
0x8f: {  	_ = 	snop  }
0x90: {  	(tm) =	ssettm $0x1  }
0x91: {  	s17 =	sld [smem:$0x3FFB];
	_ =	sdelay $0x3  }
0x92: {  	_ =	strace s17  }
0x93: {  	s2 =	sld [smem:$0x3FFC];
	_ =	sdelay $0x3  }
0x94: {  	_ =	strace s2  }
0x95: {  	s2 =	sld [smem:$0x3FFD];
	_ =	sdelay $0x3  }
0x96: {  	_ =	strace s2  }
0x97: {  	_ =	strace $0x8FFFFFFF  }
0x98: {  	s18 =	sld [smem:$0x3FDB];
	_ =	sdelay $0x1  }
0x99: {  	s19 =	simm.s32 $_scs_section_size  }
0x9a: {  	s4 =	simm.s32 $_size__tile_overlayer_lowered;
	s5 =	simm.s32 $_tile_overlayer_lowered  }
0x9b: {  	s22 =	simm.s32 $0x1BFF;
	s21 =	sshll.u32 s5, $0x1;
	s2 =	sadd.s32 s19, s18  }
0x9c: {  	s6 =	simm.s32 $0x0;
	s20 =	sshll.u32 s4, $0x1;
	s4 =	sadd.s32 s21, s2  }
0x9d: {  	[timem:s6], [sflag:s22] =	dma.local [hbm:s4], s20  }
0x9e: {  	_ =	swait.ge [sflag:s22], s20  }
0x9f: {  	s3 =	ssub.s32 $0x0, s20;
	[sflag:s22] =	ssyncset.done $0x0  }
0xa0: {  	[sflag:s22] =	ssyncadd.s32 s3;
	_ =	sdelay $0x1  }
0xa1: {  	s23 =	simm.s32 $0x1B8B  }
0xa2: {  	_ =	swait.ge [sflag:s23], $0x1  }
0xa3: {  	[sflag:s23] =	ssyncset.done $0x0  }
0xa4: {  	s25 =	simm.s32 $0x1B8E;
	s24 =	sld [smem:$0x3FFE];
	[sflag:s23] =	ssyncadd.s32 $0xFFFFFFFF  }
0xa5: {  	s26 =	simm.s32 $execute0_lowered;
	[smem:$0x3FD2] =	sst s25  }
0xa6: {  	s4 =	sshll.u32 s26, $0x1;
	_ =	strace $0x80000046;
	[dreg:$0x1] =	wrdreg $0xFFFFFFFF  }
0xa7: {  	s28 =	simm.s32 $_size_execute0_lowered;
	s2 =	sadd.s32 s2, s4;
	[dreg:$0x0] =	wrdreg $0x0  }
0xa8: {  	s4 =	sshll.u32 s28, $0x1;
	[dreg:$0x2] =	wrdreg s2  }
0xa9: {  	[dreg:$0x3] =	wrdreg s4  }
0xaa: {  	[dreg:$0x4] =	wrdreg $0xC0  }
0xab: {  	_ =	task [dreg:s6], $0x5FFFF  }
0xac: {  	[dreg:$0x1] =	wrdreg $0xFFFFFFFF  }
0xad: {  	[dreg:$0x0] =	wrdreg $0x60  }
0xae: {  	[dreg:$0x2] =	wrdreg s24  }
0xaf: {  	[dreg:$0x3] =	wrdreg $0x9  }
0xb0: {  	_ =	task.clear_ibuf [dreg:s6], $0x4FFFF;
	_ =	strace $0x90000046  }
0xb1: {  	s29 =	simm.s32 $0x9;
	_ =	strace $0x80000048  }
0xb2: {  	_ =	swait.ge [sflag:s29], $0x1  }
0xb3: {  	[sflag:s29] =	ssyncadd.s32 $0xFFFFFFFF  }
0xb4: {  	_ =	strace $0x90000048  }
0xb5: {  	_ =	sfence  }
0xb6: {  	s30 =	sld [smem:$0x0];
	_ =	sdelay $0x2  }
0xb7: {  	s31 =	sshll.u32 s1, $0xD;
	s1 =	sshrl.u32 s1, $0x2  }
0xb8: {  	s3 =	sand.u32 $0x4000, s31;
	s1 =	sadd.s32 s1, s30  }
0xb9: {  	s0 =	sor.u32 s3, s0;
	s1 =	sshll.u32 s1, $0x11  }
0xba: {  	s0 =	sor.u32 s1, s0  }
0xbb: {  	s0 =	sadd.s32 $0x8F2B, s0  }
0xbc: {  	[sflag:s0] =	ssyncadd.remote.s32 $0x1  }
0xbd: {  	_ =	sfence.sel $0xFFFF  }
0xbe: {  	[dreg:$0x0] =	wrdreg $0xFFFFFFFF;
	(pc) =	sbr.abs _section_cstart, $3  }
0xbf: {  	[dreg:$0x1] =	wrdreg $0xFFFFFFFF  }
0xc0: {  	_ =	task.clear_ibuf [dreg:s6], $0x2FFFF;
	_ =	strace $0x9FFFFFFF  }
0xc1: {  	(tm) =	ssettm $0x7FFFFFFF  }
tec
execute0_lowered:
.L_overlay_start_1:
0x0: {  	(tag) =	ssettag $0x1  }
0x1: {  	s4 =	rddreg [dreg:$0x0]  }
0x2: {  	s0 =	rddreg [dreg:$0x1];
	s3 =	srdreg.scid  }
0x3: {  	s2 =	simm.s32 $0x0;
	s1 =	stileid.u32;
	s13 =	simm.s32 $0x3800  }
0x4: {  	s14 =	simm.s32 $0x6000;
	s15 =	simm.s32 $0x8800;
	s16 =	simm.s32 $0x1  }
0x5: {  	s17 =	simm.s32 $0x2;
	s18 =	simm.s32 $0x3;
	s19 =	simm.s32 $0x4  }
0x6: {  	s20 =	simm.s32 $0x5;
	s21 =	simm.s32 $0x6;
	s22 =	simm.s32 $0x7  }
0x7: {  	s5 =	sand.u32 $0x1, s3;
	[smem:$0x7FF] =	sst s2;
	s7 =	smul.u32 $0x14000, s1  }
0x8: {  	s23 =	sshll.u32 s1, $0xD;
	s3 =	sadd.s32 $0x8800, s4;
	s10 =	smul.u32 $0xA0000, s1  }
0x9: {  	s11 =	sadd.s32 $0x20800, s4;
	s6 =	sshll.u32 s5, $0xC;
	s8 =	smul.u32 $0xA000, s5  }
0xa: {  	_ =	strace $0x80000047;
	s9 =	ssub.s32 $0x2, s5;
	s12 =	smul.u32 $0x50000, s5  }
0xb: {  	s6 =	sor.u32 s6, s23;
	s24 =	sshrl.u32 s9, $0x1;
	s26 =	sadd.s32 s7, s11  }
0xc: {  	s23 =	simm.s32 $0x8;
	s6 =	sshrl.u32 s6, $0x3;
	s25 =	ssub.s32 s9, s24  }
0xd: {  	s28 =	sadd.s32 s12, s10;
	s10 =	simm.s32 $0x9;
	s12 =	simm.s32 $0x1000  }
0xe: {  	s24 =	simm.s32 $0x0;
	s6 =	sadd.s32 s6, s4;
	s5 =	smax.u32 s25, $0x1  }
0xf: {  	s29 =	sor.u32 $0x7800, s28;
	s30 =	sor.u32 $0x5000, s28;
	s7 =	sor.u32 $0x2800, s28  }
0x10: {  	s4 =	sadd.s32 $0x1C800, s6;
	s6 =	sadd.s32 s8, s26;
	s8 =	sshrl.u32 s29, $0x3  }
0x11: {  	s9 =	sshrl.u32 s30, $0x3;
	s31 =	sshrl.u32 s7, $0x3;
	s7 =	sadd.s32 s8, s11  }
0x12: {  	s8 =	sadd.s32 s9, s11;
	s9 =	sadd.s32 s31, s11;
	s11 =	simm.s32 $0x80  }
.LBB2_1:
0x13: {  	[tilespmem:s2], [sflag:$0x9] =	stream.linear.gather [hbm4b:s4+s2], $0x1000, $0x38;
	[tilespmem:$0xB000] =	vst v63  }
0x14: {  	_ =	swait.ge [sflag:s10], $0x1000  }
0x15: {  	[sflag:s10] =	ssyncset.done $0x0  }
0x16: {  	s25 =	simm.s32 $0x0;
	[sflag:s10] =	ssyncadd.s32 $0xFFFFF000  }
0x17: {  	[tilespmem:s12], [sflag:$0x1] =	stream.indirect.gather [hbm4b:s3+s11], $0x50, s25, s11, $0xb8;
	[tilespmem:$0xB000] =	vst v63  }
0x18: {  	s29 =	simm.s32 $0x80  }
0x19: {  	[tilespmem:s13], [sflag:$0x2] =	stream.indirect.gather [hbm4b:s3+s11], $0x50, s29, s11, $0xb8;
	[tilespmem:$0xB000] =	vst v63  }
0x1a: {  	s30 =	simm.s32 $0x100  }
0x1b: {  	[tilespmem:s14], [sflag:$0x3] =	stream.indirect.gather [hbm4b:s3+s11], $0x50, s30, s11, $0xb8;
	[tilespmem:$0xB000] =	vst v63  }
0x1c: {  	s31 =	simm.s32 $0x180  }
0x1d: {  	[tilespmem:s15], [sflag:$0x4] =	stream.indirect.gather [hbm4b:s3+s11], $0x50, s31, s11, $0xb8;
	[tilespmem:$0xB000] =	vst v63  }
0x1e: {  	_ =	swait.ge [sflag:s16], $0x2800  }
0x1f: {  	[sflag:s16] =	ssyncset.done $0x0  }
0x20: {  	s26 =	sadd.s32 $0x0, s6;
	[sflag:s16] =	ssyncadd.s32 $0xFFFFD800  }
0x21: {  	[hbm4b:s26+s2] =	stream.linear.scatter [tilespmem:s12], [sflag:$0x5], $0x2800, $0x38;
	[tilespmem:$0xB000] =	vst v63  }
0x22: {  	_ =	swait.ge [sflag:s17], $0x2800  }
0x23: {  	[sflag:s17] =	ssyncset.done $0x0  }
0x24: {  	s29 =	sadd.s32 $0x0, s9;
	[sflag:s17] =	ssyncadd.s32 $0xFFFFD800  }
0x25: {  	[hbm4b:s29+s2] =	stream.linear.scatter [tilespmem:s13], [sflag:$0x6], $0x2800, $0x38;
	[tilespmem:$0xB000] =	vst v63  }
0x26: {  	_ =	swait.ge [sflag:s18], $0x2800  }
0x27: {  	[sflag:s18] =	ssyncset.done $0x0  }
0x28: {  	s30 =	sadd.s32 $0x0, s8;
	[sflag:s18] =	ssyncadd.s32 $0xFFFFD800  }
0x29: {  	[hbm4b:s30+s2] =	stream.linear.scatter [tilespmem:s14], [sflag:$0x7], $0x2800, $0x38;
	[tilespmem:$0xB000] =	vst v63  }
0x2a: {  	_ =	swait.ge [sflag:s19], $0x2800  }
0x2b: {  	[sflag:s19] =	ssyncset.done $0x0  }
0x2c: {  	s31 =	sadd.s32 $0x0, s7;
	[sflag:s19] =	ssyncadd.s32 $0xFFFFD800  }
0x2d: {  	[hbm4b:s31+s2] =	stream.linear.scatter [tilespmem:s15], [sflag:$0x8], $0x2800, $0x38;
	[tilespmem:$0xB000] =	vst v63  }
0x2e: {  	_ =	swait.ge [sflag:s20], $0x2800  }
0x2f: {  	[sflag:s20] =	ssyncset.done $0x0  }
0x30: {  	[sflag:s20] =	ssyncadd.s32 $0xFFFFD800  }
0x31: {  	_ =	swait.ge [sflag:s21], $0x2800  }
0x32: {  	[sflag:s21] =	ssyncset.done $0x0  }
0x33: {  	[sflag:s21] =	ssyncadd.s32 $0xFFFFD800  }
0x34: {  	_ =	swait.ge [sflag:s22], $0x2800  }
0x35: {  	[sflag:s22] =	ssyncset.done $0x0  }
0x36: {  	[sflag:s22] =	ssyncadd.s32 $0xFFFFD800  }
0x37: {  	s28 =	simm.s32 $0x2800;
	_ =	swait.ge [sflag:s23], $0x2800  }
0x38: {  	s25 =	simm.s32 $0x1400;
	s26 =	simm.s32 $0x380;
	[sflag:s23] =	ssyncset.done $0x0  }
.LBB2_2:
0x39: {  	p0 =	sne.s32 s28, $0x8C00;
	s29 =	sadd.s32 $0xFFFFFE80, s26;
	[sflag:s23] =	ssyncadd.s32 $0xFFFFD800  }
0x3a: {  	[tilespmem:s12], [sflag:$0x1] =	stream.indirect.gather [hbm4b:s3+s11], $0x50, s29, s11, $0xb8;
	[tilespmem:$0xB000] =	vst v63  }
0x3b: {  	s30 =	smov.u32 s28;
	s28 =	sadd.s32 $0x1400, s28;
	s29 =	sadd.s32 $0xFFFFFF00, s26  }
0x3c: {  	[tilespmem:s13], [sflag:$0x2] =	stream.indirect.gather [hbm4b:s3+s11], $0x50, s29, s11, $0xb8;
	[tilespmem:$0xB000] =	vst v63  }
0x3d: {  	s29 =	sadd.s32 $0xFFFFFF80, s26  }
0x3e: {  	[tilespmem:s14], [sflag:$0x3] =	stream.indirect.gather [hbm4b:s3+s11], $0x50, s29, s11, $0xb8;
	[tilespmem:$0xB000] =	vst v63  }
0x3f: {  	_ = 	snop  }
0x40: {  	[tilespmem:s15], [sflag:$0x4] =	stream.indirect.gather [hbm4b:s3+s11], $0x50, s26, s11, $0xb8;
	[tilespmem:$0xB000] =	vst v63  }
0x41: {  	_ =	swait.ge [sflag:s16], $0x2800  }
0x42: {  	[sflag:s16] =	ssyncset.done $0x0  }
0x43: {  	s29 =	sadd.s32 s25, s6;
	[sflag:s16] =	ssyncadd.s32 $0xFFFFD800  }
0x44: {  	[hbm4b:s29+s2] =	stream.linear.scatter [tilespmem:s12], [sflag:$0x5], $0x2800, $0x38;
	[tilespmem:$0xB000] =	vst v63  }
0x45: {  	_ =	swait.ge [sflag:s17], $0x2800  }
0x46: {  	[sflag:s17] =	ssyncset.done $0x0  }
0x47: {  	s29 =	sadd.s32 s25, s9;
	[sflag:s17] =	ssyncadd.s32 $0xFFFFD800  }
0x48: {  	[hbm4b:s29+s2] =	stream.linear.scatter [tilespmem:s13], [sflag:$0x6], $0x2800, $0x38;
	[tilespmem:$0xB000] =	vst v63  }
0x49: {  	_ =	swait.ge [sflag:s18], $0x2800  }
0x4a: {  	[sflag:s18] =	ssyncset.done $0x0  }
0x4b: {  	s29 =	sadd.s32 s25, s8;
	[sflag:s18] =	ssyncadd.s32 $0xFFFFD800  }
0x4c: {  	[hbm4b:s29+s2] =	stream.linear.scatter [tilespmem:s14], [sflag:$0x7], $0x2800, $0x38;
	[tilespmem:$0xB000] =	vst v63  }
0x4d: {  	_ =	swait.ge [sflag:s19], $0x2800  }
0x4e: {  	[sflag:s19] =	ssyncset.done $0x0  }
0x4f: {  	s29 =	sadd.s32 s25, s7;
	s25 =	smov.u32 s30;
	[sflag:s19] =	ssyncadd.s32 $0xFFFFD800  }
0x50: {  	[hbm4b:s29+s2] =	stream.linear.scatter [tilespmem:s15], [sflag:$0x8], $0x2800, $0x38;
	[tilespmem:$0xB000] =	vst v63  }
0x51: {  	_ =	swait.ge [sflag:s20], $0x2800  }
0x52: {  	[sflag:s20] =	ssyncset.done $0x0  }
0x53: {  	[sflag:s20] =	ssyncadd.s32 $0xFFFFD800  }
0x54: {  	_ =	swait.ge [sflag:s21], $0x2800  }
0x55: {  	[sflag:s21] =	ssyncset.done $0x0  }
0x56: {  	[sflag:s21] =	ssyncadd.s32 $0xFFFFD800  }
.Ltmp0:
0x57: {  	_ =	swait.ge [sflag:s22], $0x2800;
	(pc) =	sbr.rel @p0 .LBB2_2-.Ltmp0, $4  }
0x58: {  	[sflag:s22] =	ssyncset.done $0x0  }
0x59: {  	[sflag:s22] =	ssyncadd.s32 $0xFFFFD800  }
0x5a: {  	_ =	swait.ge [sflag:s23], $0x2800  }
0x5b: {  	s26 =	sadd.s32 $0x200, s26;
	[sflag:s23] =	ssyncset.done $0x0  }
0x5c: {  	s28 =	sadd.s32 $0xFFFFFE80, s26;
	[sflag:s23] =	ssyncadd.s32 $0xFFFFD800  }
0x5d: {  	[tilespmem:s12], [sflag:$0x1] =	stream.indirect.gather [hbm4b:s3+s11], $0x50, s28, s11, $0xb8;
	[tilespmem:$0xB000] =	vst v63  }
0x5e: {  	s30 =	sadd.s32 $0xFFFFFF00, s26  }
0x5f: {  	[tilespmem:s13], [sflag:$0x2] =	stream.indirect.gather [hbm4b:s3+s11], $0x50, s30, s11, $0xb8;
	[tilespmem:$0xB000] =	vst v63  }
0x60: {  	s31 =	sadd.s32 $0xFFFFFF80, s26  }
0x61: {  	[tilespmem:s14], [sflag:$0x3] =	stream.indirect.gather [hbm4b:s3+s11], $0x50, s31, s11, $0xb8;
	[tilespmem:$0xB000] =	vst v63  }
0x62: {  	_ = 	snop  }
0x63: {  	[tilespmem:s15], [sflag:$0x4] =	stream.indirect.gather [hbm4b:s3+s11], $0x50, s26, s11, $0xb8;
	[tilespmem:$0xB000] =	vst v63  }
0x64: {  	_ =	swait.ge [sflag:s16], $0x2800  }
0x65: {  	[sflag:s16] =	ssyncset.done $0x0  }
0x66: {  	s28 =	sadd.s32 s25, s6;
	[sflag:s16] =	ssyncadd.s32 $0xFFFFD800  }
0x67: {  	[hbm4b:s28+s2] =	stream.linear.scatter [tilespmem:s12], [sflag:$0x5], $0x2800, $0x38;
	[tilespmem:$0xB000] =	vst v63  }
0x68: {  	_ =	swait.ge [sflag:s17], $0x2800  }
0x69: {  	[sflag:s17] =	ssyncset.done $0x0  }
0x6a: {  	s29 =	sadd.s32 s25, s9;
	[sflag:s17] =	ssyncadd.s32 $0xFFFFD800  }
0x6b: {  	[hbm4b:s29+s2] =	stream.linear.scatter [tilespmem:s13], [sflag:$0x6], $0x2800, $0x38;
	[tilespmem:$0xB000] =	vst v63  }
0x6c: {  	_ =	swait.ge [sflag:s18], $0x2800  }
0x6d: {  	[sflag:s18] =	ssyncset.done $0x0  }
0x6e: {  	s30 =	sadd.s32 s25, s8;
	[sflag:s18] =	ssyncadd.s32 $0xFFFFD800  }
0x6f: {  	[hbm4b:s30+s2] =	stream.linear.scatter [tilespmem:s14], [sflag:$0x7], $0x2800, $0x38;
	[tilespmem:$0xB000] =	vst v63  }
0x70: {  	_ =	swait.ge [sflag:s19], $0x2800  }
0x71: {  	[sflag:s19] =	ssyncset.done $0x0  }
0x72: {  	s31 =	sadd.s32 s25, s7;
	[sflag:s19] =	ssyncadd.s32 $0xFFFFD800  }
0x73: {  	[hbm4b:s31+s2] =	stream.linear.scatter [tilespmem:s15], [sflag:$0x8], $0x2800, $0x38;
	[tilespmem:$0xB000] =	vst v63  }
0x74: {  	_ =	swait.ge [sflag:s20], $0x2800  }
0x75: {  	[sflag:s20] =	ssyncset.done $0x0  }
0x76: {  	[sflag:s20] =	ssyncadd.s32 $0xFFFFD800  }
0x77: {  	_ =	swait.ge [sflag:s21], $0x2800  }
0x78: {  	[sflag:s21] =	ssyncset.done $0x0  }
0x79: {  	s24 =	sadd.s32 $0x1, s24;
	[sflag:s21] =	ssyncadd.s32 $0xFFFFD800  }
0x7a: {  	p0 =	sne.s32 s24, s5;
	_ =	swait.ge [sflag:s22], $0x2800  }
.Ltmp1:
0x7b: {  	[sflag:s22] =	ssyncset.done $0x0;
	(pc) =	sbr.rel @p0 .LBB2_1-.Ltmp1, $4  }
0x7c: {  	[sflag:s22] =	ssyncadd.s32 $0xFFFFD800  }
0x7d: {  	_ =	swait.ge [sflag:s23], $0x2800  }
0x7e: {  	[sflag:s23] =	ssyncset.done $0x0  }
0x7f: {  	[sflag:s23] =	ssyncadd.s32 $0xFFFFD800  }
0x80: {  	_ =	sfence.sel $0x180000  }
0x81: {  	[bflag:$0x0] =	sbarrier.arrive $0xFFFF  }
0x82: {  	p0 =	sne.s32 s1, $0x0;
	_ =	strace $0x90000047  }
0x83: {  	s0 =	sadd.s32 @!p0 $0x100000, s0;
	[bflag:$0x2] =	sbarrier.arrive $0xFFFF  }
0x84: {  	[sflag:s0] =	ssyncadd.tile.s32 @!p0 $0x1;
	_ =	shalt  }
.Lfunc_end2:
_tile_overlayer_lowered:
.L_overlay_start_2:
0x85: {  	(tag) =	ssettag $0x2  }
0x86: {  	s0 =	rddreg [dreg:$0x0];
	s2 =	stileid.u32  }
0x87: {  	s1 =	rddreg [dreg:$0x1];
	p0 =	sne.s32 s2, $0x0  }
0x88: {  	s3 =	rddreg [dreg:$0x2];
	[bflag:$0x3] =	sbarrier.arrive $0xFFFF;
	s2 =	simm.s32 @!p0 $0x1C09  }
0x89: {  	[timem:s3], [sflag:s2] =	dma.local @!p0 [hbm:s0], s1  }
0x8a: {  	s0 =	simm.s32 @!p0 $0x9  }
0x8b: {  	_ =	swait.ge @!p0 [sflag:s0], s1  }
0x8c: {  	s1 =	ssub.s32 @!p0 $0x0, s1;
	[sflag:s0] =	ssyncset.done @!p0 $0x0  }
0x8d: {  	[sflag:s0] =	ssyncadd.s32 @!p0 s1  }
0x8e: {  	[bflag:$0x3] =	sbarrier.arrive $0xFFFF  }
0x8f: {  	_ =	shalt  }

</sc_bundles>
